<compile_context>
chip_gen: v7x
topology: tpu7x:2x2x1
jax: 0.10.2.dev20260603
libtpu: 0.0.44.dev20260713+nightly
codegen_flags: <defaults>
</compile_context>

<pallas_src>
import jax
import jax.numpy as jnp
from jax import lax
from jax.experimental import pallas as pl
from jax.experimental.pallas import tpu as pltpu
from jax.experimental.pallas import tpu_sc as plsc

N = 10000
E = 160000
D = 256
HALF = 128
CHUNK = 128
N_CORES = 2
N_TILES = 16
N_CHUNKS = 1280
E_PAD = N_CHUNKS * CHUNK
CPT = N_CHUNKS // N_TILES
DPT = N_CHUNKS // N_CORES // N_TILES
ACC_ROWS = N + 16
WB_TILES = 10
WB_ROWS = N // WB_TILES
RB = 1000

_mesh = plsc.VectorSubcoreMesh(
    core_axis_name="c", subcore_axis_name="s",
    num_cores=N_CORES, num_subcores=N_TILES)



def _deg_body(dst_hbm, ones_hbm, zeros_hbm, deg0_hbm, deg1_hbm,
              idx_v, ones_v, acc):
    c = lax.axis_index("c")
    s = lax.axis_index("s")
    row0 = s * WB_ROWS

    pltpu.sync_copy(dst_hbm.at[pl.ds((c * N_TILES + s) * DPT, DPT)], idx_v)
    pltpu.sync_copy(ones_hbm, ones_v)

    @pl.when(s < WB_TILES)
    def _():
        pltpu.sync_copy(zeros_hbm, acc.at[pl.ds(row0, WB_ROWS)])
    plsc.subcore_barrier()

    def body(k, carry):
        pltpu.sync_copy(ones_v, acc.at[idx_v.at[k]], add=True)
        return carry

    lax.fori_loop(0, DPT, body, 0)
    plsc.subcore_barrier()

    @pl.when(jnp.logical_and(c == 0, s < WB_TILES))
    def _():
        pltpu.sync_copy(acc.at[pl.ds(row0, WB_ROWS)],
                        deg0_hbm.at[pl.ds(row0, WB_ROWS)])

    @pl.when(jnp.logical_and(c == 1, s < WB_TILES))
    def _():
        pltpu.sync_copy(acc.at[pl.ds(row0, WB_ROWS)],
                        deg1_hbm.at[pl.ds(row0, WB_ROWS)])


_deg_call = pl.kernel(
    _deg_body,
    out_type=[jax.ShapeDtypeStruct((N, HALF), jnp.float32)] * 2,
    mesh=_mesh,
    scratch_types=[
        pltpu.VMEM((DPT, CHUNK), jnp.int32),
        pltpu.VMEM((CHUNK, HALF), jnp.float32),
        pltpu.VMEM_SHARED((ACC_ROWS, HALF), jnp.float32),
    ],
)


def _prop_body(srcf_hbm, dstf_hbm, g0_hbm, g1_hbm, zeros_hbm,
               out0_hbm, out1_hbm, src_v0, src_v1, dst_v0, dst_v1,
               buf0, buf1, acc, sem0, sem1, sem_i0, sem_i1):
    c = lax.axis_index("c")
    s = lax.axis_index("s")
    row0 = s * WB_ROWS
    src_vs = [src_v0, src_v1]
    dst_vs = [dst_v0, dst_v1]
    bufs = [buf0, buf1]
    sems = [sem0, sem1]
    sems_i = [sem_i0, sem_i1]
    n_chunks = E // CHUNK

    @pl.when(s < WB_TILES)
    def _():
        pltpu.sync_copy(zeros_hbm, acc.at[pl.ds(row0, WB_ROWS)])
    plsc.subcore_barrier()

    def run(g_hbm):
        pltpu.sync_copy(srcf_hbm.at[pl.ds(s * CHUNK, CHUNK)], src_vs[0])
        pltpu.sync_copy(dstf_hbm.at[pl.ds(s * CHUNK, CHUNK)], dst_vs[0])
        pltpu.async_copy(g_hbm.at[src_vs[0]], bufs[0], sems[0])
        base1 = (N_TILES + s) * CHUNK
        pltpu.async_copy(srcf_hbm.at[pl.ds(base1, CHUNK)], src_vs[1],
                         sems_i[1])
        pltpu.async_copy(dstf_hbm.at[pl.ds(base1, CHUNK)], dst_vs[1],
                         sems_i[1])

        def body(jj, carry):
            for b in range(2):
                j = jj * 2 + b
                cid = j * N_TILES + s

                @pl.when(cid < n_chunks)
                def _():
                    pltpu.make_async_copy(
                        g_hbm.at[src_vs[b]], bufs[b], sems[b]).wait()
                    nid = cid + N_TILES

                    @pl.when(nid < n_chunks)
                    def _():
                        pltpu.make_async_copy(
                            srcf_hbm.at[pl.ds(nid * CHUNK, CHUNK)],
                            src_vs[1 - b], sems_i[1 - b]).wait()
                        pltpu.make_async_copy(
                            dstf_hbm.at[pl.ds(nid * CHUNK, CHUNK)],
                            dst_vs[1 - b], sems_i[1 - b]).wait()
                        pltpu.async_copy(
                            g_hbm.at[src_vs[1 - b]], bufs[1 - b],
                            sems[1 - b])
                    pltpu.sync_copy(bufs[b], acc.at[dst_vs[b]], add=True)
                    nid2 = cid + 2 * N_TILES

                    @pl.when(nid2 < n_chunks)
                    def _():
                        base2 = nid2 * CHUNK
                        pltpu.async_copy(
                            srcf_hbm.at[pl.ds(base2, CHUNK)],
                            src_vs[b], sems_i[b])
                        pltpu.async_copy(
                            dstf_hbm.at[pl.ds(base2, CHUNK)],
                            dst_vs[b], sems_i[b])
            return carry

        lax.fori_loop(0, (n_chunks // N_TILES + 2) // 2, body, 0)

    @pl.when(c == 0)
    def _():
        run(g0_hbm)

    @pl.when(c == 1)
    def _():
        run(g1_hbm)

    plsc.subcore_barrier()

    @pl.when(jnp.logical_and(c == 0, s < WB_TILES))
    def _():
        pltpu.sync_copy(acc.at[pl.ds(row0, WB_ROWS)],
                        out0_hbm.at[pl.ds(row0, WB_ROWS)])

    @pl.when(jnp.logical_and(c == 1, s < WB_TILES))
    def _():
        pltpu.sync_copy(acc.at[pl.ds(row0, WB_ROWS)],
                        out1_hbm.at[pl.ds(row0, WB_ROWS)])


_prop_call = pl.kernel(
    _prop_body,
    out_type=[jax.ShapeDtypeStruct((N, HALF), jnp.float32)] * 2,
    mesh=_mesh,
    scratch_types=[
        pltpu.VMEM((CHUNK,), jnp.int32),
        pltpu.VMEM((CHUNK,), jnp.int32),
        pltpu.VMEM((CHUNK,), jnp.int32),
        pltpu.VMEM((CHUNK,), jnp.int32),
        pltpu.VMEM((CHUNK, HALF), jnp.float32),
        pltpu.VMEM((CHUNK, HALF), jnp.float32),
        pltpu.VMEM_SHARED((N, HALF), jnp.float32),
        pltpu.SemaphoreType.DMA,
        pltpu.SemaphoreType.DMA,
        pltpu.SemaphoreType.DMA,
        pltpu.SemaphoreType.DMA,
    ],
)



def _dinv(d0_ref, d1_ref):
    deg = d0_ref[...][:, 0:1] + d1_ref[...][:, 0:1] + 1.0
    return lax.rsqrt(deg)


def _mm1_body(x_ref, w_ref, u0_ref, u1_ref):
    u = jnp.dot(x_ref[...], w_ref[...], preferred_element_type=jnp.float32,
                precision=lax.Precision.HIGHEST)
    u0_ref[...] = u[:, :HALF]
    u1_ref[...] = u[:, HALF:]


def _scale_body(u0_ref, u1_ref, d0_ref, d1_ref, g0_ref, g1_ref):
    dinv = _dinv(d0_ref, d1_ref)
    g0_ref[...] = u0_ref[...] * dinv
    g1_ref[...] = u1_ref[...] * dinv


def _mid_body(s0_ref, s1_ref, g0_ref, g1_ref, d0_ref, d1_ref, w_ref,
              o0_ref, o1_ref):
    dinv = _dinv(d0_ref, d1_ref)
    h = jnp.concatenate([s0_ref[...] + g0_ref[...],
                         s1_ref[...] + g1_ref[...]], axis=1) * dinv
    h = jnp.maximum(h, 0.0)
    u = jnp.dot(h, w_ref[...], preferred_element_type=jnp.float32,
                precision=lax.Precision.HIGHEST)
    g = u * dinv
    o0_ref[...] = g[:, :HALF]
    o1_ref[...] = g[:, HALF:]


def _fin_body(s0_ref, s1_ref, g0_ref, g1_ref, d0_ref, d1_ref, z_ref):
    z = jnp.concatenate([s0_ref[...] + g0_ref[...],
                         s1_ref[...] + g1_ref[...]], axis=1)
    z = z * _dinv(d0_ref, d1_ref)
    z_ref[...] = jnp.maximum(z, 0.0)


def _row_spec(w):
    return pl.BlockSpec((RB, w), lambda i: (i, 0))


def _full_spec():
    return pl.BlockSpec((D, D), lambda i: (0, 0))


_mm1 = pl.pallas_call(
    _mm1_body,
    grid=(N // RB,),
    in_specs=[_row_spec(D), _full_spec()],
    out_specs=[_row_spec(HALF), _row_spec(HALF)],
    out_shape=[jax.ShapeDtypeStruct((N, HALF), jnp.float32)] * 2,
)

_scale = pl.pallas_call(
    _scale_body,
    grid=(N // RB,),
    in_specs=[_row_spec(HALF)] * 4,
    out_specs=[_row_spec(HALF), _row_spec(HALF)],
    out_shape=[jax.ShapeDtypeStruct((N, HALF), jnp.float32)] * 2,
)

_mid = pl.pallas_call(
    _mid_body,
    grid=(N // RB,),
    in_specs=[_row_spec(HALF)] * 6 + [_full_spec()],
    out_specs=[_row_spec(HALF), _row_spec(HALF)],
    out_shape=[jax.ShapeDtypeStruct((N, HALF), jnp.float32)] * 2,
)

_fin = pl.pallas_call(
    _fin_body,
    grid=(N // RB,),
    in_specs=[_row_spec(HALF)] * 6,
    out_specs=_row_spec(D),
    out_shape=jax.ShapeDtypeStruct((N, D), jnp.float32),
)



def kernel(x, edge_index, W1, W2):
    src = edge_index[0].astype(jnp.int32)
    dst = edge_index[1].astype(jnp.int32)
    pad = E_PAD - E
    src2 = jnp.reshape(jnp.concatenate(
        [src, jnp.zeros((pad,), jnp.int32)]), (N_CHUNKS, CHUNK))
    dst2 = jnp.reshape(jnp.concatenate(
        [dst, jnp.full((pad,), N, jnp.int32)]), (N_CHUNKS, CHUNK))

    zeros_h = jnp.zeros((WB_ROWS, HALF), jnp.float32)
    ones_h = jnp.ones((CHUNK, HALF), jnp.float32)

    deg0, deg1 = _deg_call(dst2, ones_h, zeros_h)
    u0, u1 = _mm1(x, W1)
    g0, g1 = _scale(u0, u1, deg0, deg1)
    s0, s1 = _prop_call(src, dst, g0, g1, zeros_h)

    g20, g21 = _mid(s0, s1, g0, g1, deg0, deg1, W2)
    s20, s21 = _prop_call(src, dst, g20, g21, zeros_h)

    return _fin(s20, s21, g20, g21, deg0, deg1)

# --- scband reference (transcript-rebuilt; emitter-appended) ---
"""Pipeline reference for scband-model-20383914787449 (READ-ONLY COPY).

The authoritative reference and input builder live on the scoring server;
editing this copy changes nothing except your own understanding.
"""

import jax, jax.numpy as jnp
import numpy as np

N_NODES = 10000
N_EDGES = 160000
D_FEAT = 256
D_HID = 256


def setup_inputs(seed: int = 0) -> dict:
    key = jax.random.key(seed)
    k1, k2, k3, k4 = jax.random.split(key, 4)
    x = jax.random.normal(k1, (N_NODES, D_FEAT), dtype=jnp.float32)
    edge_index = jax.random.randint(k2, (2, N_EDGES), 0, N_NODES, dtype=jnp.int64)
    # Encoder parameters: 2-layer GCN (GRACE-style encoder)
    W1 = jax.random.normal(k3, (D_FEAT, D_HID), dtype=jnp.float32) * (1.0 / np.sqrt(D_FEAT))
    W2 = jax.random.normal(k4, (D_HID, D_HID), dtype=jnp.float32) * (1.0 / np.sqrt(D_HID))
    return {"x": x, "edge_index": edge_index, "W1": W1, "W2": W2}


def _gcn_conv(h, src, dst, W, n_nodes):
    # linear transform
    h = h @ W
    # add self loops
    loop = jnp.arange(n_nodes, dtype=src.dtype)
    src2 = jnp.concatenate([src, loop])
    dst2 = jnp.concatenate([dst, loop])
    # symmetric degree normalization
    ones = jnp.ones(src2.shape[0], dtype=h.dtype)
    deg = jax.ops.segment_sum(ones, dst2, num_segments=n_nodes)
    dinv = jnp.where(deg > 0, deg ** -0.5, 0.0)
    norm = dinv[src2] * dinv[dst2]
    # gather messages from src, scale, scatter-add to dst
    msg = h[src2] * norm[:, None]
    out = jax.ops.segment_sum(msg, dst2, num_segments=n_nodes)
    return out


def reference(x, edge_index, W1, W2):
    # Model.forward(x, edge_index) -> encoder(x, edge_index)
    # Encoder = 2-layer GCN with ReLU activation after each conv (GRACE-style).
    src = edge_index[0]
    dst = edge_index[1]
    n = x.shape[0]
    h = jax.nn.relu(_gcn_conv(x, src, dst, W1, n))
    z = jax.nn.relu(_gcn_conv(h, src, dst, W2, n))
    return z

if __name__ == "__main__":
    import jax
    _d = setup_inputs()
    print(jax.jit(kernel)(*tuple(_d.values())))

</pallas_src>

<mosaic_0001>
#map = affine_map<(d0, d1) -> (0, 0)>
module attributes {stable_mosaic.version = 14 : i64} {
  func.func @_deg_body(%arg0: i32, %arg1: i32, %arg2: memref<1280x128xi32, #tpu.memory_space<hbm>>, %arg3: memref<128x128xf32, #tpu.memory_space<hbm>>, %arg4: memref<1000x128xf32, #tpu.memory_space<hbm>>, %arg5: memref<10000x128xf32, #tpu.memory_space<hbm>>, %arg6: memref<10000x128xf32, #tpu.memory_space<hbm>>, %arg7: memref<40x128xi32, #tpu.memory_space<vmem>>, %arg8: memref<128x128xf32, #tpu.memory_space<vmem>>, %arg9: memref<10016x128xf32, #tpu.memory_space<vmem_shared>>) attributes {dimension_semantics = [#tpu.dimension_semantics<core_parallel>, #tpu.dimension_semantics<subcore_parallel>], iteration_bounds = array<i64: 2, 16>, scalar_prefetch = 0 : i64, scratch_operands = 3 : i64, tpu.core_type = #tpu.core_type<sc_vector_subcore>, window_params = [{transform_indices = #map}, {transform_indices = #map}, {transform_indices = #map}, {transform_indices = #map}, {transform_indices = #map}]} {
    %mul3A = arith.constant 1000 : i32
    %mul3A_0 = arith.muli %arg1, %mul3A : i32
    %mul3A_1 = arith.constant 16 : i32
    %mul3A_2 = arith.muli %arg0, %mul3A_1 : i32
    %add3A = arith.addi %mul3A_2, %arg1 : i32
    %mul3A_3 = arith.constant 40 : i32
    %mul3A_4 = arith.muli %add3A, %mul3A_3 : i32
    "tpu.region"() ({
      %run_scoped3A = tpu.sem_alloc : memref<!tpu.dma_semaphore, #tpu.memory_space<semaphore_mem>>
      %dma_start3A = arith.constant 0 : i32
      %dma_start3A_27 = tpu.memref_slice %arg2[%mul3A_4, %dma_start3A] : memref<1280x128xi32, #tpu.memory_space<hbm>> -> memref<40x128xi32, #tpu.memory_space<hbm>>
      %dma_start3A_28 = arith.constant 0 : i32
      %dma_start3A_29 = tpu.memref_slice %arg2[%mul3A_4, %dma_start3A_28] : memref<1280x128xi32, #tpu.memory_space<hbm>> -> memref<40x128xi32, #tpu.memory_space<hbm>>
      tpu.enqueue_dma source(%dma_start3A_29 : memref<40x128xi32, #tpu.memory_space<hbm>>) target(%arg7 : memref<40x128xi32, #tpu.memory_space<vmem>>) target_semaphore(%run_scoped3A : memref<!tpu.dma_semaphore, #tpu.memory_space<semaphore_mem>>)
      %dma_wait3A = arith.constant 0 : i32
      %dma_wait3A_30 = tpu.memref_slice %arg2[%mul3A_4, %dma_wait3A] : memref<1280x128xi32, #tpu.memory_space<hbm>> -> memref<40x128xi32, #tpu.memory_space<hbm>>
      %dma_wait3A_31 = arith.constant 0 : i32
      %dma_wait3A_32 = tpu.memref_slice %arg2[%mul3A_4, %dma_wait3A_31] : memref<1280x128xi32, #tpu.memory_space<hbm>> -> memref<40x128xi32, #tpu.memory_space<hbm>>
      tpu.wait_dma2 semaphore(%run_scoped3A : memref<!tpu.dma_semaphore, #tpu.memory_space<semaphore_mem>>) src(%dma_wait3A_32 : memref<40x128xi32, #tpu.memory_space<hbm>>) dst(%arg7 : memref<40x128xi32, #tpu.memory_space<vmem>>)
      tpu.yield
    }) : () -> ()
    "tpu.region"() ({
      %run_scoped3A = tpu.sem_alloc : memref<!tpu.dma_semaphore, #tpu.memory_space<semaphore_mem>>
      tpu.enqueue_dma source(%arg3 : memref<128x128xf32, #tpu.memory_space<hbm>>) target(%arg8 : memref<128x128xf32, #tpu.memory_space<vmem>>) target_semaphore(%run_scoped3A : memref<!tpu.dma_semaphore, #tpu.memory_space<semaphore_mem>>)
      tpu.wait_dma2 semaphore(%run_scoped3A : memref<!tpu.dma_semaphore, #tpu.memory_space<semaphore_mem>>) src(%arg3 : memref<128x128xf32, #tpu.memory_space<hbm>>) dst(%arg8 : memref<128x128xf32, #tpu.memory_space<vmem>>)
      tpu.yield
    }) : () -> ()
    %lt3A = arith.constant 10 : i32
    %lt3A_5 = arith.cmpi slt, %arg1, %lt3A : i32
    %convert_element_type3A = arith.extui %lt3A_5 : i1 to i32
    %cond3A = arith.constant 0 : i32
    %cond3A_6 = arith.cmpi ne, %convert_element_type3A, %cond3A : i32
    scf.if %cond3A_6 {
      "tpu.region"() ({
        %run_scoped3A = tpu.sem_alloc : memref<!tpu.dma_semaphore, #tpu.memory_space<semaphore_mem>>
        %dma_start3A = arith.constant 0 : i32
        %dma_start3A_27 = tpu.memref_slice %arg9[%mul3A_0, %dma_start3A] : memref<10016x128xf32, #tpu.memory_space<vmem_shared>> -> memref<1000x128xf32, #tpu.memory_space<vmem_shared>>
        tpu.enqueue_dma source(%arg4 : memref<1000x128xf32, #tpu.memory_space<hbm>>) target(%dma_start3A_27 : memref<1000x128xf32, #tpu.memory_space<vmem_shared>>) target_semaphore(%run_scoped3A : memref<!tpu.dma_semaphore, #tpu.memory_space<semaphore_mem>>)
        %dma_wait3A = arith.constant 0 : i32
        %dma_wait3A_28 = tpu.memref_slice %arg9[%mul3A_0, %dma_wait3A] : memref<10016x128xf32, #tpu.memory_space<vmem_shared>> -> memref<1000x128xf32, #tpu.memory_space<vmem_shared>>
        tpu.wait_dma2 semaphore(%run_scoped3A : memref<!tpu.dma_semaphore, #tpu.memory_space<semaphore_mem>>) src(%arg4 : memref<1000x128xf32, #tpu.memory_space<hbm>>) dst(%dma_wait3A_28 : memref<1000x128xf32, #tpu.memory_space<vmem_shared>>)
        tpu.yield
      }) : () -> ()
    } else {
    }
    %barrier3A = arith.constant 0 : index
    tpu.barrier barrier_id(%barrier3A)
    %scan3A = arith.constant 0 : i32
    %scan3A_7 = arith.constant 0 : i32
    %scan3A_8 = arith.constant 40 : i32
    %scan3A_9 = arith.addi %scan3A_7, %scan3A_8 : i32
    %scan3A_10 = arith.constant 1 : i32
    scf.for %scan3A_27 = %scan3A_7 to %scan3A_9 step %scan3A_10  : i32 {
      "tpu.region"() ({
        %run_scoped3A = tpu.sem_alloc : memref<!tpu.dma_semaphore, #tpu.memory_space<semaphore_mem>>
        %dma_start3A = arith.constant 0 : i32
        %dma_start3A_28 = tpu.memref_slice %arg7[%scan3A_27, %dma_start3A] : memref<40x128xi32, #tpu.memory_space<vmem>> -> memref<1x128xi32, #tpu.memory_space<vmem>>
        %dma_start3A_29 = tpu.memref_squeeze %dma_start3A_28 : memref<1x128xi32, #tpu.memory_space<vmem>> -> memref<128xi32, #tpu.memory_space<vmem>>
        %dma_start3A_30 = arith.constant 0 : i32
        %dma_start3A_31 = arith.constant 0 : i32
        %dma_start3A_32 = tpu.memref_slice %arg9[%dma_start3A_30, %dma_start3A_31] : memref<10016x128xf32, #tpu.memory_space<vmem_shared>> -> memref<10016x128xf32, #tpu.memory_space<vmem_shared>>
        tpu.enqueue_indirect_dma source(%arg8 : memref<128x128xf32, #tpu.memory_space<vmem>>) target(%dma_start3A_32 : memref<10016x128xf32, #tpu.memory_space<vmem_shared>>) offsets(%dma_start3A_29 : memref<128xi32, #tpu.memory_space<vmem>>) semaphore(%run_scoped3A : memref<!tpu.dma_semaphore, #tpu.memory_space<semaphore_mem>>) {add = true}
        %dma_wait3A = arith.constant 0 : i32
        %dma_wait3A_33 = tpu.memref_slice %arg7[%scan3A_27, %dma_wait3A] : memref<40x128xi32, #tpu.memory_space<vmem>> -> memref<1x128xi32, #tpu.memory_space<vmem>>
        %dma_wait3A_34 = tpu.memref_squeeze %dma_wait3A_33 : memref<1x128xi32, #tpu.memory_space<vmem>> -> memref<128xi32, #tpu.memory_space<vmem>>
        %dma_wait3A_35 = arith.constant 0 : i32
        %dma_wait3A_36 = arith.constant 0 : i32
        %dma_wait3A_37 = tpu.memref_slice %arg9[%dma_wait3A_35, %dma_wait3A_36] : memref<10016x128xf32, #tpu.memory_space<vmem_shared>> -> memref<10016x128xf32, #tpu.memory_space<vmem_shared>>
        tpu.wait_indirect_dma semaphore(%run_scoped3A : memref<!tpu.dma_semaphore, #tpu.memory_space<semaphore_mem>>) src(%arg8 : memref<128x128xf32, #tpu.memory_space<vmem>>) dst(%dma_wait3A_37 : memref<10016x128xf32, #tpu.memory_space<vmem_shared>>)
        tpu.yield
      }) : () -> ()
    }
    %scan3A_11 = arith.constant 40 : i32
    %barrier3A_12 = arith.constant 0 : index
    tpu.barrier barrier_id(%barrier3A_12)
    %eq3A = arith.constant 0 : i32
    %eq3A_13 = arith.cmpi eq, %arg0, %eq3A : i32
    %lt3A_14 = arith.constant 10 : i32
    %lt3A_15 = arith.cmpi slt, %arg1, %lt3A_14 : i32
    %and3A = arith.andi %eq3A_13, %lt3A_15 : i1
    %convert_element_type3A_16 = arith.extui %and3A : i1 to i32
    %cond3A_17 = arith.constant 0 : i32
    %cond3A_18 = arith.cmpi ne, %convert_element_type3A_16, %cond3A_17 : i32
    scf.if %cond3A_18 {
      "tpu.region"() ({
        %run_scoped3A = tpu.sem_alloc : memref<!tpu.dma_semaphore, #tpu.memory_space<semaphore_mem>>
        %dma_start3A = arith.constant 0 : i32
        %dma_start3A_27 = tpu.memref_slice %arg5[%mul3A_0, %dma_start3A] : memref<10000x128xf32, #tpu.memory_space<hbm>> -> memref<1000x128xf32, #tpu.memory_space<hbm>>
        %dma_start3A_28 = arith.constant 0 : i32
        %dma_start3A_29 = tpu.memref_slice %arg9[%mul3A_0, %dma_start3A_28] : memref<10016x128xf32, #tpu.memory_space<vmem_shared>> -> memref<1000x128xf32, #tpu.memory_space<vmem_shared>>
        tpu.enqueue_dma source(%dma_start3A_29 : memref<1000x128xf32, #tpu.memory_space<vmem_shared>>) target(%dma_start3A_27 : memref<1000x128xf32, #tpu.memory_space<hbm>>) target_semaphore(%run_scoped3A : memref<!tpu.dma_semaphore, #tpu.memory_space<semaphore_mem>>)
        %dma_wait3A = arith.constant 0 : i32
        %dma_wait3A_30 = tpu.memref_slice %arg5[%mul3A_0, %dma_wait3A] : memref<10000x128xf32, #tpu.memory_space<hbm>> -> memref<1000x128xf32, #tpu.memory_space<hbm>>
        %dma_wait3A_31 = arith.constant 0 : i32
        %dma_wait3A_32 = tpu.memref_slice %arg9[%mul3A_0, %dma_wait3A_31] : memref<10016x128xf32, #tpu.memory_space<vmem_shared>> -> memref<1000x128xf32, #tpu.memory_space<vmem_shared>>
        tpu.wait_dma2 semaphore(%run_scoped3A : memref<!tpu.dma_semaphore, #tpu.memory_space<semaphore_mem>>) src(%dma_wait3A_32 : memref<1000x128xf32, #tpu.memory_space<vmem_shared>>) dst(%dma_wait3A_30 : memref<1000x128xf32, #tpu.memory_space<hbm>>)
        tpu.yield
      }) : () -> ()
    } else {
    }
    %eq3A_19 = arith.constant 1 : i32
    %eq3A_20 = arith.cmpi eq, %arg0, %eq3A_19 : i32
    %lt3A_21 = arith.constant 10 : i32
    %lt3A_22 = arith.cmpi slt, %arg1, %lt3A_21 : i32
    %and3A_23 = arith.andi %eq3A_20, %lt3A_22 : i1
    %convert_element_type3A_24 = arith.extui %and3A_23 : i1 to i32
    %cond3A_25 = arith.constant 0 : i32
    %cond3A_26 = arith.cmpi ne, %convert_element_type3A_24, %cond3A_25 : i32
    scf.if %cond3A_26 {
      "tpu.region"() ({
        %run_scoped3A = tpu.sem_alloc : memref<!tpu.dma_semaphore, #tpu.memory_space<semaphore_mem>>
        %dma_start3A = arith.constant 0 : i32
        %dma_start3A_27 = tpu.memref_slice %arg6[%mul3A_0, %dma_start3A] : memref<10000x128xf32, #tpu.memory_space<hbm>> -> memref<1000x128xf32, #tpu.memory_space<hbm>>
        %dma_start3A_28 = arith.constant 0 : i32
        %dma_start3A_29 = tpu.memref_slice %arg9[%mul3A_0, %dma_start3A_28] : memref<10016x128xf32, #tpu.memory_space<vmem_shared>> -> memref<1000x128xf32, #tpu.memory_space<vmem_shared>>
        tpu.enqueue_dma source(%dma_start3A_29 : memref<1000x128xf32, #tpu.memory_space<vmem_shared>>) target(%dma_start3A_27 : memref<1000x128xf32, #tpu.memory_space<hbm>>) target_semaphore(%run_scoped3A : memref<!tpu.dma_semaphore, #tpu.memory_space<semaphore_mem>>)
        %dma_wait3A = arith.constant 0 : i32
        %dma_wait3A_30 = tpu.memref_slice %arg6[%mul3A_0, %dma_wait3A] : memref<10000x128xf32, #tpu.memory_space<hbm>> -> memref<1000x128xf32, #tpu.memory_space<hbm>>
        %dma_wait3A_31 = arith.constant 0 : i32
        %dma_wait3A_32 = tpu.memref_slice %arg9[%mul3A_0, %dma_wait3A_31] : memref<10016x128xf32, #tpu.memory_space<vmem_shared>> -> memref<1000x128xf32, #tpu.memory_space<vmem_shared>>
        tpu.wait_dma2 semaphore(%run_scoped3A : memref<!tpu.dma_semaphore, #tpu.memory_space<semaphore_mem>>) src(%dma_wait3A_32 : memref<1000x128xf32, #tpu.memory_space<vmem_shared>>) dst(%dma_wait3A_30 : memref<1000x128xf32, #tpu.memory_space<hbm>>)
        tpu.yield
      }) : () -> ()
    } else {
    }
    return
  }
}

#map = affine_map<(d0, d1) -> (0)>
#map1 = affine_map<(d0, d1) -> (0, 0)>
module attributes {stable_mosaic.version = 14 : i64} {
  func.func @_prop_body(%arg0: i32, %arg1: i32, %arg2: memref<160000xi32, #tpu.memory_space<hbm>>, %arg3: memref<160000xi32, #tpu.memory_space<hbm>>, %arg4: memref<10000x128xf32, #tpu.memory_space<hbm>>, %arg5: memref<10000x128xf32, #tpu.memory_space<hbm>>, %arg6: memref<1000x128xf32, #tpu.memory_space<hbm>>, %arg7: memref<10000x128xf32, #tpu.memory_space<hbm>>, %arg8: memref<10000x128xf32, #tpu.memory_space<hbm>>, %arg9: memref<128xi32, #tpu.memory_space<vmem>>, %arg10: memref<128xi32, #tpu.memory_space<vmem>>, %arg11: memref<128xi32, #tpu.memory_space<vmem>>, %arg12: memref<128xi32, #tpu.memory_space<vmem>>, %arg13: memref<128x128xf32, #tpu.memory_space<vmem>>, %arg14: memref<128x128xf32, #tpu.memory_space<vmem>>, %arg15: memref<10000x128xf32, #tpu.memory_space<vmem_shared>>, %arg16: memref<!tpu.dma_semaphore, #tpu.memory_space<semaphore_mem>>, %arg17: memref<!tpu.dma_semaphore, #tpu.memory_space<semaphore_mem>>, %arg18: memref<!tpu.dma_semaphore, #tpu.memory_space<semaphore_mem>>, %arg19: memref<!tpu.dma_semaphore, #tpu.memory_space<semaphore_mem>>) attributes {dimension_semantics = [#tpu.dimension_semantics<core_parallel>, #tpu.dimension_semantics<subcore_parallel>], iteration_bounds = array<i64: 2, 16>, scalar_prefetch = 0 : i64, scratch_operands = 11 : i64, tpu.core_type = #tpu.core_type<sc_vector_subcore>, window_params = [{transform_indices = #map}, {transform_indices = #map}, {transform_indices = #map1}, {transform_indices = #map1}, {transform_indices = #map1}, {transform_indices = #map1}, {transform_indices = #map1}]} {
    %mul3A = arith.constant 1000 : i32
    %mul3A_0 = arith.muli %arg1, %mul3A : i32
    %lt3A = arith.constant 10 : i32
    %lt3A_1 = arith.cmpi slt, %arg1, %lt3A : i32
    %convert_element_type3A = arith.extui %lt3A_1 : i1 to i32
    %cond3A = arith.constant 0 : i32
    %cond3A_2 = arith.cmpi ne, %convert_element_type3A, %cond3A : i32
    scf.if %cond3A_2 {
      "tpu.region"() ({
        %run_scoped3A = tpu.sem_alloc : memref<!tpu.dma_semaphore, #tpu.memory_space<semaphore_mem>>
        %dma_start3A = arith.constant 0 : i32
        %dma_start3A_28 = tpu.memref_slice %arg15[%mul3A_0, %dma_start3A] : memref<10000x128xf32, #tpu.memory_space<vmem_shared>> -> memref<1000x128xf32, #tpu.memory_space<vmem_shared>>
        tpu.enqueue_dma source(%arg6 : memref<1000x128xf32, #tpu.memory_space<hbm>>) target(%dma_start3A_28 : memref<1000x128xf32, #tpu.memory_space<vmem_shared>>) target_semaphore(%run_scoped3A : memref<!tpu.dma_semaphore, #tpu.memory_space<semaphore_mem>>)
        %dma_wait3A = arith.constant 0 : i32
        %dma_wait3A_29 = tpu.memref_slice %arg15[%mul3A_0, %dma_wait3A] : memref<10000x128xf32, #tpu.memory_space<vmem_shared>> -> memref<1000x128xf32, #tpu.memory_space<vmem_shared>>
        tpu.wait_dma2 semaphore(%run_scoped3A : memref<!tpu.dma_semaphore, #tpu.memory_space<semaphore_mem>>) src(%arg6 : memref<1000x128xf32, #tpu.memory_space<hbm>>) dst(%dma_wait3A_29 : memref<1000x128xf32, #tpu.memory_space<vmem_shared>>)
        tpu.yield
      }) : () -> ()
    } else {
    }
    %barrier3A = arith.constant 0 : index
    tpu.barrier barrier_id(%barrier3A)
    %eq3A = arith.constant 0 : i32
    %eq3A_3 = arith.cmpi eq, %arg0, %eq3A : i32
    %convert_element_type3A_4 = arith.extui %eq3A_3 : i1 to i32
    %cond3A_5 = arith.constant 0 : i32
    %cond3A_6 = arith.cmpi ne, %convert_element_type3A_4, %cond3A_5 : i32
    scf.if %cond3A_6 {
      %mul3A_28 = arith.constant 128 : i32
      %mul3A_29 = arith.muli %arg1, %mul3A_28 : i32
      "tpu.region"() ({
        %run_scoped3A = tpu.sem_alloc : memref<!tpu.dma_semaphore, #tpu.memory_space<semaphore_mem>>
        %dma_start3A_46 = tpu.memref_slice %arg2[%mul3A_29] : memref<160000xi32, #tpu.memory_space<hbm>> -> memref<128xi32, #tpu.memory_space<hbm>>
        %dma_start3A_47 = tpu.memref_slice %arg2[%mul3A_29] : memref<160000xi32, #tpu.memory_space<hbm>> -> memref<128xi32, #tpu.memory_space<hbm>>
        tpu.enqueue_dma source(%dma_start3A_47 : memref<128xi32, #tpu.memory_space<hbm>>) target(%arg9 : memref<128xi32, #tpu.memory_space<vmem>>) target_semaphore(%run_scoped3A : memref<!tpu.dma_semaphore, #tpu.memory_space<semaphore_mem>>)
        %dma_wait3A = tpu.memref_slice %arg2[%mul3A_29] : memref<160000xi32, #tpu.memory_space<hbm>> -> memref<128xi32, #tpu.memory_space<hbm>>
        %dma_wait3A_48 = tpu.memref_slice %arg2[%mul3A_29] : memref<160000xi32, #tpu.memory_space<hbm>> -> memref<128xi32, #tpu.memory_space<hbm>>
        tpu.wait_dma2 semaphore(%run_scoped3A : memref<!tpu.dma_semaphore, #tpu.memory_space<semaphore_mem>>) src(%dma_wait3A_48 : memref<128xi32, #tpu.memory_space<hbm>>) dst(%arg9 : memref<128xi32, #tpu.memory_space<vmem>>)
        tpu.yield
      }) : () -> ()
      %mul3A_30 = arith.constant 128 : i32
      %mul3A_31 = arith.muli %arg1, %mul3A_30 : i32
      "tpu.region"() ({
        %run_scoped3A = tpu.sem_alloc : memref<!tpu.dma_semaphore, #tpu.memory_space<semaphore_mem>>
        %dma_start3A_46 = tpu.memref_slice %arg3[%mul3A_31] : memref<160000xi32, #tpu.memory_space<hbm>> -> memref<128xi32, #tpu.memory_space<hbm>>
        %dma_start3A_47 = tpu.memref_slice %arg3[%mul3A_31] : memref<160000xi32, #tpu.memory_space<hbm>> -> memref<128xi32, #tpu.memory_space<hbm>>
        tpu.enqueue_dma source(%dma_start3A_47 : memref<128xi32, #tpu.memory_space<hbm>>) target(%arg11 : memref<128xi32, #tpu.memory_space<vmem>>) target_semaphore(%run_scoped3A : memref<!tpu.dma_semaphore, #tpu.memory_space<semaphore_mem>>)
        %dma_wait3A = tpu.memref_slice %arg3[%mul3A_31] : memref<160000xi32, #tpu.memory_space<hbm>> -> memref<128xi32, #tpu.memory_space<hbm>>
        %dma_wait3A_48 = tpu.memref_slice %arg3[%mul3A_31] : memref<160000xi32, #tpu.memory_space<hbm>> -> memref<128xi32, #tpu.memory_space<hbm>>
        tpu.wait_dma2 semaphore(%run_scoped3A : memref<!tpu.dma_semaphore, #tpu.memory_space<semaphore_mem>>) src(%dma_wait3A_48 : memref<128xi32, #tpu.memory_space<hbm>>) dst(%arg11 : memref<128xi32, #tpu.memory_space<vmem>>)
        tpu.yield
      }) : () -> ()
      %dma_start3A = arith.constant 0 : i32
      %dma_start3A_32 = arith.constant 0 : i32
      %dma_start3A_33 = tpu.memref_slice %arg4[%dma_start3A, %dma_start3A_32] : memref<10000x128xf32, #tpu.memory_space<hbm>> -> memref<10000x128xf32, #tpu.memory_space<hbm>>
      tpu.enqueue_indirect_dma source(%dma_start3A_33 : memref<10000x128xf32, #tpu.memory_space<hbm>>) target(%arg13 : memref<128x128xf32, #tpu.memory_space<vmem>>) offsets(%arg9 : memref<128xi32, #tpu.memory_space<vmem>>) semaphore(%arg16 : memref<!tpu.dma_semaphore, #tpu.memory_space<semaphore_mem>>)
      %add3A = arith.constant 16 : i32
      %add3A_34 = arith.addi %add3A, %arg1 : i32
      %mul3A_35 = arith.constant 128 : i32
      %mul3A_36 = arith.muli %add3A_34, %mul3A_35 : i32
      %dma_start3A_37 = tpu.memref_slice %arg2[%mul3A_36] : memref<160000xi32, #tpu.memory_space<hbm>> -> memref<128xi32, #tpu.memory_space<hbm>>
      %dma_start3A_38 = tpu.memref_slice %arg2[%mul3A_36] : memref<160000xi32, #tpu.memory_space<hbm>> -> memref<128xi32, #tpu.memory_space<hbm>>
      tpu.enqueue_dma source(%dma_start3A_38 : memref<128xi32, #tpu.memory_space<hbm>>) target(%arg10 : memref<128xi32, #tpu.memory_space<vmem>>) target_semaphore(%arg19 : memref<!tpu.dma_semaphore, #tpu.memory_space<semaphore_mem>>)
      %dma_start3A_39 = tpu.memref_slice %arg3[%mul3A_36] : memref<160000xi32, #tpu.memory_space<hbm>> -> memref<128xi32, #tpu.memory_space<hbm>>
      %dma_start3A_40 = tpu.memref_slice %arg3[%mul3A_36] : memref<160000xi32, #tpu.memory_space<hbm>> -> memref<128xi32, #tpu.memory_space<hbm>>
      tpu.enqueue_dma source(%dma_start3A_40 : memref<128xi32, #tpu.memory_space<hbm>>) target(%arg12 : memref<128xi32, #tpu.memory_space<vmem>>) target_semaphore(%arg19 : memref<!tpu.dma_semaphore, #tpu.memory_space<semaphore_mem>>)
      %scan3A = arith.constant 0 : i32
      %scan3A_41 = arith.constant 0 : i32
      %scan3A_42 = arith.constant 40 : i32
      %scan3A_43 = arith.addi %scan3A_41, %scan3A_42 : i32
      %scan3A_44 = arith.constant 1 : i32
      scf.for %scan3A_46 = %scan3A_41 to %scan3A_43 step %scan3A_44  : i32 {
        %mul3A_47 = arith.constant 2 : i32
        %mul3A_48 = arith.muli %scan3A_46, %mul3A_47 : i32
        %add3A_49 = arith.constant 0 : i32
        %add3A_50 = arith.addi %mul3A_48, %add3A_49 : i32
        %mul3A_51 = arith.constant 16 : i32
        %mul3A_52 = arith.muli %add3A_50, %mul3A_51 : i32
        %add3A_53 = arith.addi %mul3A_52, %arg1 : i32
        %lt3A_54 = arith.constant 1250 : i32
        %lt3A_55 = arith.cmpi slt, %add3A_53, %lt3A_54 : i32
        %convert_element_type3A_56 = arith.extui %lt3A_55 : i1 to i32
        %cond3A_57 = arith.constant 0 : i32
        %cond3A_58 = arith.cmpi ne, %convert_element_type3A_56, %cond3A_57 : i32
        scf.if %cond3A_58 {
          %dma_wait3A = arith.constant 0 : i32
          %dma_wait3A_71 = arith.constant 0 : i32
          %dma_wait3A_72 = tpu.memref_slice %arg4[%dma_wait3A, %dma_wait3A_71] : memref<10000x128xf32, #tpu.memory_space<hbm>> -> memref<10000x128xf32, #tpu.memory_space<hbm>>
          tpu.wait_indirect_dma semaphore(%arg16 : memref<!tpu.dma_semaphore, #tpu.memory_space<semaphore_mem>>) src(%dma_wait3A_72 : memref<10000x128xf32, #tpu.memory_space<hbm>>) dst(%arg13 : memref<128x128xf32, #tpu.memory_space<vmem>>)
          %add3A_73 = arith.constant 16 : i32
          %add3A_74 = arith.addi %add3A_53, %add3A_73 : i32
          %lt3A_75 = arith.constant 1250 : i32
          %lt3A_76 = arith.cmpi slt, %add3A_74, %lt3A_75 : i32
          %convert_element_type3A_77 = arith.extui %lt3A_76 : i1 to i32
          %cond3A_78 = arith.constant 0 : i32
          %cond3A_79 = arith.cmpi ne, %convert_element_type3A_77, %cond3A_78 : i32
          scf.if %cond3A_79 {
            %mul3A_87 = arith.constant 128 : i32
            %mul3A_88 = arith.muli %add3A_74, %mul3A_87 : i32
            %dma_wait3A_89 = tpu.memref_slice %arg2[%mul3A_88] : memref<160000xi32, #tpu.memory_space<hbm>> -> memref<128xi32, #tpu.memory_space<hbm>>
            %dma_wait3A_90 = tpu.memref_slice %arg2[%mul3A_88] : memref<160000xi32, #tpu.memory_space<hbm>> -> memref<128xi32, #tpu.memory_space<hbm>>
            tpu.wait_dma2 semaphore(%arg19 : memref<!tpu.dma_semaphore, #tpu.memory_space<semaphore_mem>>) src(%dma_wait3A_90 : memref<128xi32, #tpu.memory_space<hbm>>) dst(%arg10 : memref<128xi32, #tpu.memory_space<vmem>>)
            %mul3A_91 = arith.constant 128 : i32
            %mul3A_92 = arith.muli %add3A_74, %mul3A_91 : i32
            %dma_wait3A_93 = tpu.memref_slice %arg3[%mul3A_92] : memref<160000xi32, #tpu.memory_space<hbm>> -> memref<128xi32, #tpu.memory_space<hbm>>
            %dma_wait3A_94 = tpu.memref_slice %arg3[%mul3A_92] : memref<160000xi32, #tpu.memory_space<hbm>> -> memref<128xi32, #tpu.memory_space<hbm>>
            tpu.wait_dma2 semaphore(%arg19 : memref<!tpu.dma_semaphore, #tpu.memory_space<semaphore_mem>>) src(%dma_wait3A_94 : memref<128xi32, #tpu.memory_space<hbm>>) dst(%arg12 : memref<128xi32, #tpu.memory_space<vmem>>)
            %dma_start3A_95 = arith.constant 0 : i32
            %dma_start3A_96 = arith.constant 0 : i32
            %dma_start3A_97 = tpu.memref_slice %arg4[%dma_start3A_95, %dma_start3A_96] : memref<10000x128xf32, #tpu.memory_space<hbm>> -> memref<10000x128xf32, #tpu.memory_space<hbm>>
            tpu.enqueue_indirect_dma source(%dma_start3A_97 : memref<10000x128xf32, #tpu.memory_space<hbm>>) target(%arg14 : memref<128x128xf32, #tpu.memory_space<vmem>>) offsets(%arg10 : memref<128xi32, #tpu.memory_space<vmem>>) semaphore(%arg17 : memref<!tpu.dma_semaphore, #tpu.memory_space<semaphore_mem>>)
          } else {
          }
          "tpu.region"() ({
            %run_scoped3A = tpu.sem_alloc : memref<!tpu.dma_semaphore, #tpu.memory_space<semaphore_mem>>
            %dma_start3A_87 = arith.constant 0 : i32
            %dma_start3A_88 = arith.constant 0 : i32
            %dma_start3A_89 = tpu.memref_slice %arg15[%dma_start3A_87, %dma_start3A_88] : memref<10000x128xf32, #tpu.memory_space<vmem_shared>> -> memref<10000x128xf32, #tpu.memory_space<vmem_shared>>
            tpu.enqueue_indirect_dma source(%arg13 : memref<128x128xf32, #tpu.memory_space<vmem>>) target(%dma_start3A_89 : memref<10000x128xf32, #tpu.memory_space<vmem_shared>>) offsets(%arg11 : memref<128xi32, #tpu.memory_space<vmem>>) semaphore(%run_scoped3A : memref<!tpu.dma_semaphore, #tpu.memory_space<semaphore_mem>>) {add = true}
            %dma_wait3A_90 = arith.constant 0 : i32
            %dma_wait3A_91 = arith.constant 0 : i32
            %dma_wait3A_92 = tpu.memref_slice %arg15[%dma_wait3A_90, %dma_wait3A_91] : memref<10000x128xf32, #tpu.memory_space<vmem_shared>> -> memref<10000x128xf32, #tpu.memory_space<vmem_shared>>
            tpu.wait_indirect_dma semaphore(%run_scoped3A : memref<!tpu.dma_semaphore, #tpu.memory_space<semaphore_mem>>) src(%arg13 : memref<128x128xf32, #tpu.memory_space<vmem>>) dst(%dma_wait3A_92 : memref<10000x128xf32, #tpu.memory_space<vmem_shared>>)
            tpu.yield
          }) : () -> ()
          %add3A_80 = arith.constant 32 : i32
          %add3A_81 = arith.addi %add3A_53, %add3A_80 : i32
          %lt3A_82 = arith.constant 1250 : i32
          %lt3A_83 = arith.cmpi slt, %add3A_81, %lt3A_82 : i32
          %convert_element_type3A_84 = arith.extui %lt3A_83 : i1 to i32
          %cond3A_85 = arith.constant 0 : i32
          %cond3A_86 = arith.cmpi ne, %convert_element_type3A_84, %cond3A_85 : i32
          scf.if %cond3A_86 {
            %mul3A_87 = arith.constant 128 : i32
            %mul3A_88 = arith.muli %add3A_81, %mul3A_87 : i32
            %dma_start3A_89 = tpu.memref_slice %arg2[%mul3A_88] : memref<160000xi32, #tpu.memory_space<hbm>> -> memref<128xi32, #tpu.memory_space<hbm>>
            %dma_start3A_90 = tpu.memref_slice %arg2[%mul3A_88] : memref<160000xi32, #tpu.memory_space<hbm>> -> memref<128xi32, #tpu.memory_space<hbm>>
            tpu.enqueue_dma source(%dma_start3A_90 : memref<128xi32, #tpu.memory_space<hbm>>) target(%arg9 : memref<128xi32, #tpu.memory_space<vmem>>) target_semaphore(%arg18 : memref<!tpu.dma_semaphore, #tpu.memory_space<semaphore_mem>>)
            %dma_start3A_91 = tpu.memref_slice %arg3[%mul3A_88] : memref<160000xi32, #tpu.memory_space<hbm>> -> memref<128xi32, #tpu.memory_space<hbm>>
            %dma_start3A_92 = tpu.memref_slice %arg3[%mul3A_88] : memref<160000xi32, #tpu.memory_space<hbm>> -> memref<128xi32, #tpu.memory_space<hbm>>
            tpu.enqueue_dma source(%dma_start3A_92 : memref<128xi32, #tpu.memory_space<hbm>>) target(%arg11 : memref<128xi32, #tpu.memory_space<vmem>>) target_semaphore(%arg18 : memref<!tpu.dma_semaphore, #tpu.memory_space<semaphore_mem>>)
          } else {
          }
        } else {
        }
        %mul3A_59 = arith.constant 2 : i32
        %mul3A_60 = arith.muli %scan3A_46, %mul3A_59 : i32
        %add3A_61 = arith.constant 1 : i32
        %add3A_62 = arith.addi %mul3A_60, %add3A_61 : i32
        %mul3A_63 = arith.constant 16 : i32
        %mul3A_64 = arith.muli %add3A_62, %mul3A_63 : i32
        %add3A_65 = arith.addi %mul3A_64, %arg1 : i32
        %lt3A_66 = arith.constant 1250 : i32
        %lt3A_67 = arith.cmpi slt, %add3A_65, %lt3A_66 : i32
        %convert_element_type3A_68 = arith.extui %lt3A_67 : i1 to i32
        %cond3A_69 = arith.constant 0 : i32
        %cond3A_70 = arith.cmpi ne, %convert_element_type3A_68, %cond3A_69 : i32
        scf.if %cond3A_70 {
          %dma_wait3A = arith.constant 0 : i32
          %dma_wait3A_71 = arith.constant 0 : i32
          %dma_wait3A_72 = tpu.memref_slice %arg4[%dma_wait3A, %dma_wait3A_71] : memref<10000x128xf32, #tpu.memory_space<hbm>> -> memref<10000x128xf32, #tpu.memory_space<hbm>>
          tpu.wait_indirect_dma semaphore(%arg17 : memref<!tpu.dma_semaphore, #tpu.memory_space<semaphore_mem>>) src(%dma_wait3A_72 : memref<10000x128xf32, #tpu.memory_space<hbm>>) dst(%arg14 : memref<128x128xf32, #tpu.memory_space<vmem>>)
          %add3A_73 = arith.constant 16 : i32
          %add3A_74 = arith.addi %add3A_65, %add3A_73 : i32
          %lt3A_75 = arith.constant 1250 : i32
          %lt3A_76 = arith.cmpi slt, %add3A_74, %lt3A_75 : i32
          %convert_element_type3A_77 = arith.extui %lt3A_76 : i1 to i32
          %cond3A_78 = arith.constant 0 : i32
          %cond3A_79 = arith.cmpi ne, %convert_element_type3A_77, %cond3A_78 : i32
          scf.if %cond3A_79 {
            %mul3A_87 = arith.constant 128 : i32
            %mul3A_88 = arith.muli %add3A_74, %mul3A_87 : i32
            %dma_wait3A_89 = tpu.memref_slice %arg2[%mul3A_88] : memref<160000xi32, #tpu.memory_space<hbm>> -> memref<128xi32, #tpu.memory_space<hbm>>
            %dma_wait3A_90 = tpu.memref_slice %arg2[%mul3A_88] : memref<160000xi32, #tpu.memory_space<hbm>> -> memref<128xi32, #tpu.memory_space<hbm>>
            tpu.wait_dma2 semaphore(%arg18 : memref<!tpu.dma_semaphore, #tpu.memory_space<semaphore_mem>>) src(%dma_wait3A_90 : memref<128xi32, #tpu.memory_space<hbm>>) dst(%arg9 : memref<128xi32, #tpu.memory_space<vmem>>)
            %mul3A_91 = arith.constant 128 : i32
            %mul3A_92 = arith.muli %add3A_74, %mul3A_91 : i32
            %dma_wait3A_93 = tpu.memref_slice %arg3[%mul3A_92] : memref<160000xi32, #tpu.memory_space<hbm>> -> memref<128xi32, #tpu.memory_space<hbm>>
            %dma_wait3A_94 = tpu.memref_slice %arg3[%mul3A_92] : memref<160000xi32, #tpu.memory_space<hbm>> -> memref<128xi32, #tpu.memory_space<hbm>>
            tpu.wait_dma2 semaphore(%arg18 : memref<!tpu.dma_semaphore, #tpu.memory_space<semaphore_mem>>) src(%dma_wait3A_94 : memref<128xi32, #tpu.memory_space<hbm>>) dst(%arg11 : memref<128xi32, #tpu.memory_space<vmem>>)
            %dma_start3A_95 = arith.constant 0 : i32
            %dma_start3A_96 = arith.constant 0 : i32
            %dma_start3A_97 = tpu.memref_slice %arg4[%dma_start3A_95, %dma_start3A_96] : memref<10000x128xf32, #tpu.memory_space<hbm>> -> memref<10000x128xf32, #tpu.memory_space<hbm>>
            tpu.enqueue_indirect_dma source(%dma_start3A_97 : memref<10000x128xf32, #tpu.memory_space<hbm>>) target(%arg13 : memref<128x128xf32, #tpu.memory_space<vmem>>) offsets(%arg9 : memref<128xi32, #tpu.memory_space<vmem>>) semaphore(%arg16 : memref<!tpu.dma_semaphore, #tpu.memory_space<semaphore_mem>>)
          } else {
          }
          "tpu.region"() ({
            %run_scoped3A = tpu.sem_alloc : memref<!tpu.dma_semaphore, #tpu.memory_space<semaphore_mem>>
            %dma_start3A_87 = arith.constant 0 : i32
            %dma_start3A_88 = arith.constant 0 : i32
            %dma_start3A_89 = tpu.memref_slice %arg15[%dma_start3A_87, %dma_start3A_88] : memref<10000x128xf32, #tpu.memory_space<vmem_shared>> -> memref<10000x128xf32, #tpu.memory_space<vmem_shared>>
            tpu.enqueue_indirect_dma source(%arg14 : memref<128x128xf32, #tpu.memory_space<vmem>>) target(%dma_start3A_89 : memref<10000x128xf32, #tpu.memory_space<vmem_shared>>) offsets(%arg12 : memref<128xi32, #tpu.memory_space<vmem>>) semaphore(%run_scoped3A : memref<!tpu.dma_semaphore, #tpu.memory_space<semaphore_mem>>) {add = true}
            %dma_wait3A_90 = arith.constant 0 : i32
            %dma_wait3A_91 = arith.constant 0 : i32
            %dma_wait3A_92 = tpu.memref_slice %arg15[%dma_wait3A_90, %dma_wait3A_91] : memref<10000x128xf32, #tpu.memory_space<vmem_shared>> -> memref<10000x128xf32, #tpu.memory_space<vmem_shared>>
            tpu.wait_indirect_dma semaphore(%run_scoped3A : memref<!tpu.dma_semaphore, #tpu.memory_space<semaphore_mem>>) src(%arg14 : memref<128x128xf32, #tpu.memory_space<vmem>>) dst(%dma_wait3A_92 : memref<10000x128xf32, #tpu.memory_space<vmem_shared>>)
            tpu.yield
          }) : () -> ()
          %add3A_80 = arith.constant 32 : i32
          %add3A_81 = arith.addi %add3A_65, %add3A_80 : i32
          %lt3A_82 = arith.constant 1250 : i32
          %lt3A_83 = arith.cmpi slt, %add3A_81, %lt3A_82 : i32
          %convert_element_type3A_84 = arith.extui %lt3A_83 : i1 to i32
          %cond3A_85 = arith.constant 0 : i32
          %cond3A_86 = arith.cmpi ne, %convert_element_type3A_84, %cond3A_85 : i32
          scf.if %cond3A_86 {
            %mul3A_87 = arith.constant 128 : i32
            %mul3A_88 = arith.muli %add3A_81, %mul3A_87 : i32
            %dma_start3A_89 = tpu.memref_slice %arg2[%mul3A_88] : memref<160000xi32, #tpu.memory_space<hbm>> -> memref<128xi32, #tpu.memory_space<hbm>>
            %dma_start3A_90 = tpu.memref_slice %arg2[%mul3A_88] : memref<160000xi32, #tpu.memory_space<hbm>> -> memref<128xi32, #tpu.memory_space<hbm>>
            tpu.enqueue_dma source(%dma_start3A_90 : memref<128xi32, #tpu.memory_space<hbm>>) target(%arg10 : memref<128xi32, #tpu.memory_space<vmem>>) target_semaphore(%arg19 : memref<!tpu.dma_semaphore, #tpu.memory_space<semaphore_mem>>)
            %dma_start3A_91 = tpu.memref_slice %arg3[%mul3A_88] : memref<160000xi32, #tpu.memory_space<hbm>> -> memref<128xi32, #tpu.memory_space<hbm>>
            %dma_start3A_92 = tpu.memref_slice %arg3[%mul3A_88] : memref<160000xi32, #tpu.memory_space<hbm>> -> memref<128xi32, #tpu.memory_space<hbm>>
            tpu.enqueue_dma source(%dma_start3A_92 : memref<128xi32, #tpu.memory_space<hbm>>) target(%arg12 : memref<128xi32, #tpu.memory_space<vmem>>) target_semaphore(%arg19 : memref<!tpu.dma_semaphore, #tpu.memory_space<semaphore_mem>>)
          } else {
          }
        } else {
        }
      }
      %scan3A_45 = arith.constant 40 : i32
    } else {
    }
    %eq3A_7 = arith.constant 1 : i32
    %eq3A_8 = arith.cmpi eq, %arg0, %eq3A_7 : i32
    %convert_element_type3A_9 = arith.extui %eq3A_8 : i1 to i32
    %cond3A_10 = arith.constant 0 : i32
    %cond3A_11 = arith.cmpi ne, %convert_element_type3A_9, %cond3A_10 : i32
    scf.if %cond3A_11 {
      %mul3A_28 = arith.constant 128 : i32
      %mul3A_29 = arith.muli %arg1, %mul3A_28 : i32
      "tpu.region"() ({
        %run_scoped3A = tpu.sem_alloc : memref<!tpu.dma_semaphore, #tpu.memory_space<semaphore_mem>>
        %dma_start3A_46 = tpu.memref_slice %arg2[%mul3A_29] : memref<160000xi32, #tpu.memory_space<hbm>> -> memref<128xi32, #tpu.memory_space<hbm>>
        %dma_start3A_47 = tpu.memref_slice %arg2[%mul3A_29] : memref<160000xi32, #tpu.memory_space<hbm>> -> memref<128xi32, #tpu.memory_space<hbm>>
        tpu.enqueue_dma source(%dma_start3A_47 : memref<128xi32, #tpu.memory_space<hbm>>) target(%arg9 : memref<128xi32, #tpu.memory_space<vmem>>) target_semaphore(%run_scoped3A : memref<!tpu.dma_semaphore, #tpu.memory_space<semaphore_mem>>)
        %dma_wait3A = tpu.memref_slice %arg2[%mul3A_29] : memref<160000xi32, #tpu.memory_space<hbm>> -> memref<128xi32, #tpu.memory_space<hbm>>
        %dma_wait3A_48 = tpu.memref_slice %arg2[%mul3A_29] : memref<160000xi32, #tpu.memory_space<hbm>> -> memref<128xi32, #tpu.memory_space<hbm>>
        tpu.wait_dma2 semaphore(%run_scoped3A : memref<!tpu.dma_semaphore, #tpu.memory_space<semaphore_mem>>) src(%dma_wait3A_48 : memref<128xi32, #tpu.memory_space<hbm>>) dst(%arg9 : memref<128xi32, #tpu.memory_space<vmem>>)
        tpu.yield
      }) : () -> ()
      %mul3A_30 = arith.constant 128 : i32
      %mul3A_31 = arith.muli %arg1, %mul3A_30 : i32
      "tpu.region"() ({
        %run_scoped3A = tpu.sem_alloc : memref<!tpu.dma_semaphore, #tpu.memory_space<semaphore_mem>>
        %dma_start3A_46 = tpu.memref_slice %arg3[%mul3A_31] : memref<160000xi32, #tpu.memory_space<hbm>> -> memref<128xi32, #tpu.memory_space<hbm>>
        %dma_start3A_47 = tpu.memref_slice %arg3[%mul3A_31] : memref<160000xi32, #tpu.memory_space<hbm>> -> memref<128xi32, #tpu.memory_space<hbm>>
        tpu.enqueue_dma source(%dma_start3A_47 : memref<128xi32, #tpu.memory_space<hbm>>) target(%arg11 : memref<128xi32, #tpu.memory_space<vmem>>) target_semaphore(%run_scoped3A : memref<!tpu.dma_semaphore, #tpu.memory_space<semaphore_mem>>)
        %dma_wait3A = tpu.memref_slice %arg3[%mul3A_31] : memref<160000xi32, #tpu.memory_space<hbm>> -> memref<128xi32, #tpu.memory_space<hbm>>
        %dma_wait3A_48 = tpu.memref_slice %arg3[%mul3A_31] : memref<160000xi32, #tpu.memory_space<hbm>> -> memref<128xi32, #tpu.memory_space<hbm>>
        tpu.wait_dma2 semaphore(%run_scoped3A : memref<!tpu.dma_semaphore, #tpu.memory_space<semaphore_mem>>) src(%dma_wait3A_48 : memref<128xi32, #tpu.memory_space<hbm>>) dst(%arg11 : memref<128xi32, #tpu.memory_space<vmem>>)
        tpu.yield
      }) : () -> ()
      %dma_start3A = arith.constant 0 : i32
      %dma_start3A_32 = arith.constant 0 : i32
      %dma_start3A_33 = tpu.memref_slice %arg5[%dma_start3A, %dma_start3A_32] : memref<10000x128xf32, #tpu.memory_space<hbm>> -> memref<10000x128xf32, #tpu.memory_space<hbm>>
      tpu.enqueue_indirect_dma source(%dma_start3A_33 : memref<10000x128xf32, #tpu.memory_space<hbm>>) target(%arg13 : memref<128x128xf32, #tpu.memory_space<vmem>>) offsets(%arg9 : memref<128xi32, #tpu.memory_space<vmem>>) semaphore(%arg16 : memref<!tpu.dma_semaphore, #tpu.memory_space<semaphore_mem>>)
      %add3A = arith.constant 16 : i32
      %add3A_34 = arith.addi %add3A, %arg1 : i32
      %mul3A_35 = arith.constant 128 : i32
      %mul3A_36 = arith.muli %add3A_34, %mul3A_35 : i32
      %dma_start3A_37 = tpu.memref_slice %arg2[%mul3A_36] : memref<160000xi32, #tpu.memory_space<hbm>> -> memref<128xi32, #tpu.memory_space<hbm>>
      %dma_start3A_38 = tpu.memref_slice %arg2[%mul3A_36] : memref<160000xi32, #tpu.memory_space<hbm>> -> memref<128xi32, #tpu.memory_space<hbm>>
      tpu.enqueue_dma source(%dma_start3A_38 : memref<128xi32, #tpu.memory_space<hbm>>) target(%arg10 : memref<128xi32, #tpu.memory_space<vmem>>) target_semaphore(%arg19 : memref<!tpu.dma_semaphore, #tpu.memory_space<semaphore_mem>>)
      %dma_start3A_39 = tpu.memref_slice %arg3[%mul3A_36] : memref<160000xi32, #tpu.memory_space<hbm>> -> memref<128xi32, #tpu.memory_space<hbm>>
      %dma_start3A_40 = tpu.memref_slice %arg3[%mul3A_36] : memref<160000xi32, #tpu.memory_space<hbm>> -> memref<128xi32, #tpu.memory_space<hbm>>
      tpu.enqueue_dma source(%dma_start3A_40 : memref<128xi32, #tpu.memory_space<hbm>>) target(%arg12 : memref<128xi32, #tpu.memory_space<vmem>>) target_semaphore(%arg19 : memref<!tpu.dma_semaphore, #tpu.memory_space<semaphore_mem>>)
      %scan3A = arith.constant 0 : i32
      %scan3A_41 = arith.constant 0 : i32
      %scan3A_42 = arith.constant 40 : i32
      %scan3A_43 = arith.addi %scan3A_41, %scan3A_42 : i32
      %scan3A_44 = arith.constant 1 : i32
      scf.for %scan3A_46 = %scan3A_41 to %scan3A_43 step %scan3A_44  : i32 {
        %mul3A_47 = arith.constant 2 : i32
        %mul3A_48 = arith.muli %scan3A_46, %mul3A_47 : i32
        %add3A_49 = arith.constant 0 : i32
        %add3A_50 = arith.addi %mul3A_48, %add3A_49 : i32
        %mul3A_51 = arith.constant 16 : i32
        %mul3A_52 = arith.muli %add3A_50, %mul3A_51 : i32
        %add3A_53 = arith.addi %mul3A_52, %arg1 : i32
        %lt3A_54 = arith.constant 1250 : i32
        %lt3A_55 = arith.cmpi slt, %add3A_53, %lt3A_54 : i32
        %convert_element_type3A_56 = arith.extui %lt3A_55 : i1 to i32
        %cond3A_57 = arith.constant 0 : i32
        %cond3A_58 = arith.cmpi ne, %convert_element_type3A_56, %cond3A_57 : i32
        scf.if %cond3A_58 {
          %dma_wait3A = arith.constant 0 : i32
          %dma_wait3A_71 = arith.constant 0 : i32
          %dma_wait3A_72 = tpu.memref_slice %arg5[%dma_wait3A, %dma_wait3A_71] : memref<10000x128xf32, #tpu.memory_space<hbm>> -> memref<10000x128xf32, #tpu.memory_space<hbm>>
          tpu.wait_indirect_dma semaphore(%arg16 : memref<!tpu.dma_semaphore, #tpu.memory_space<semaphore_mem>>) src(%dma_wait3A_72 : memref<10000x128xf32, #tpu.memory_space<hbm>>) dst(%arg13 : memref<128x128xf32, #tpu.memory_space<vmem>>)
          %add3A_73 = arith.constant 16 : i32
          %add3A_74 = arith.addi %add3A_53, %add3A_73 : i32
          %lt3A_75 = arith.constant 1250 : i32
          %lt3A_76 = arith.cmpi slt, %add3A_74, %lt3A_75 : i32
          %convert_element_type3A_77 = arith.extui %lt3A_76 : i1 to i32
          %cond3A_78 = arith.constant 0 : i32
          %cond3A_79 = arith.cmpi ne, %convert_element_type3A_77, %cond3A_78 : i32
          scf.if %cond3A_79 {
            %mul3A_87 = arith.constant 128 : i32
            %mul3A_88 = arith.muli %add3A_74, %mul3A_87 : i32
            %dma_wait3A_89 = tpu.memref_slice %arg2[%mul3A_88] : memref<160000xi32, #tpu.memory_space<hbm>> -> memref<128xi32, #tpu.memory_space<hbm>>
            %dma_wait3A_90 = tpu.memref_slice %arg2[%mul3A_88] : memref<160000xi32, #tpu.memory_space<hbm>> -> memref<128xi32, #tpu.memory_space<hbm>>
            tpu.wait_dma2 semaphore(%arg19 : memref<!tpu.dma_semaphore, #tpu.memory_space<semaphore_mem>>) src(%dma_wait3A_90 : memref<128xi32, #tpu.memory_space<hbm>>) dst(%arg10 : memref<128xi32, #tpu.memory_space<vmem>>)
            %mul3A_91 = arith.constant 128 : i32
            %mul3A_92 = arith.muli %add3A_74, %mul3A_91 : i32
            %dma_wait3A_93 = tpu.memref_slice %arg3[%mul3A_92] : memref<160000xi32, #tpu.memory_space<hbm>> -> memref<128xi32, #tpu.memory_space<hbm>>
            %dma_wait3A_94 = tpu.memref_slice %arg3[%mul3A_92] : memref<160000xi32, #tpu.memory_space<hbm>> -> memref<128xi32, #tpu.memory_space<hbm>>
            tpu.wait_dma2 semaphore(%arg19 : memref<!tpu.dma_semaphore, #tpu.memory_space<semaphore_mem>>) src(%dma_wait3A_94 : memref<128xi32, #tpu.memory_space<hbm>>) dst(%arg12 : memref<128xi32, #tpu.memory_space<vmem>>)
            %dma_start3A_95 = arith.constant 0 : i32
            %dma_start3A_96 = arith.constant 0 : i32
            %dma_start3A_97 = tpu.memref_slice %arg5[%dma_start3A_95, %dma_start3A_96] : memref<10000x128xf32, #tpu.memory_space<hbm>> -> memref<10000x128xf32, #tpu.memory_space<hbm>>
            tpu.enqueue_indirect_dma source(%dma_start3A_97 : memref<10000x128xf32, #tpu.memory_space<hbm>>) target(%arg14 : memref<128x128xf32, #tpu.memory_space<vmem>>) offsets(%arg10 : memref<128xi32, #tpu.memory_space<vmem>>) semaphore(%arg17 : memref<!tpu.dma_semaphore, #tpu.memory_space<semaphore_mem>>)
          } else {
          }
          "tpu.region"() ({
            %run_scoped3A = tpu.sem_alloc : memref<!tpu.dma_semaphore, #tpu.memory_space<semaphore_mem>>
            %dma_start3A_87 = arith.constant 0 : i32
            %dma_start3A_88 = arith.constant 0 : i32
            %dma_start3A_89 = tpu.memref_slice %arg15[%dma_start3A_87, %dma_start3A_88] : memref<10000x128xf32, #tpu.memory_space<vmem_shared>> -> memref<10000x128xf32, #tpu.memory_space<vmem_shared>>
            tpu.enqueue_indirect_dma source(%arg13 : memref<128x128xf32, #tpu.memory_space<vmem>>) target(%dma_start3A_89 : memref<10000x128xf32, #tpu.memory_space<vmem_shared>>) offsets(%arg11 : memref<128xi32, #tpu.memory_space<vmem>>) semaphore(%run_scoped3A : memref<!tpu.dma_semaphore, #tpu.memory_space<semaphore_mem>>) {add = true}
            %dma_wait3A_90 = arith.constant 0 : i32
            %dma_wait3A_91 = arith.constant 0 : i32
            %dma_wait3A_92 = tpu.memref_slice %arg15[%dma_wait3A_90, %dma_wait3A_91] : memref<10000x128xf32, #tpu.memory_space<vmem_shared>> -> memref<10000x128xf32, #tpu.memory_space<vmem_shared>>
            tpu.wait_indirect_dma semaphore(%run_scoped3A : memref<!tpu.dma_semaphore, #tpu.memory_space<semaphore_mem>>) src(%arg13 : memref<128x128xf32, #tpu.memory_space<vmem>>) dst(%dma_wait3A_92 : memref<10000x128xf32, #tpu.memory_space<vmem_shared>>)
            tpu.yield
          }) : () -> ()
          %add3A_80 = arith.constant 32 : i32
          %add3A_81 = arith.addi %add3A_53, %add3A_80 : i32
          %lt3A_82 = arith.constant 1250 : i32
          %lt3A_83 = arith.cmpi slt, %add3A_81, %lt3A_82 : i32
          %convert_element_type3A_84 = arith.extui %lt3A_83 : i1 to i32
          %cond3A_85 = arith.constant 0 : i32
          %cond3A_86 = arith.cmpi ne, %convert_element_type3A_84, %cond3A_85 : i32
          scf.if %cond3A_86 {
            %mul3A_87 = arith.constant 128 : i32
            %mul3A_88 = arith.muli %add3A_81, %mul3A_87 : i32
            %dma_start3A_89 = tpu.memref_slice %arg2[%mul3A_88] : memref<160000xi32, #tpu.memory_space<hbm>> -> memref<128xi32, #tpu.memory_space<hbm>>
            %dma_start3A_90 = tpu.memref_slice %arg2[%mul3A_88] : memref<160000xi32, #tpu.memory_space<hbm>> -> memref<128xi32, #tpu.memory_space<hbm>>
            tpu.enqueue_dma source(%dma_start3A_90 : memref<128xi32, #tpu.memory_space<hbm>>) target(%arg9 : memref<128xi32, #tpu.memory_space<vmem>>) target_semaphore(%arg18 : memref<!tpu.dma_semaphore, #tpu.memory_space<semaphore_mem>>)
            %dma_start3A_91 = tpu.memref_slice %arg3[%mul3A_88] : memref<160000xi32, #tpu.memory_space<hbm>> -> memref<128xi32, #tpu.memory_space<hbm>>
            %dma_start3A_92 = tpu.memref_slice %arg3[%mul3A_88] : memref<160000xi32, #tpu.memory_space<hbm>> -> memref<128xi32, #tpu.memory_space<hbm>>
            tpu.enqueue_dma source(%dma_start3A_92 : memref<128xi32, #tpu.memory_space<hbm>>) target(%arg11 : memref<128xi32, #tpu.memory_space<vmem>>) target_semaphore(%arg18 : memref<!tpu.dma_semaphore, #tpu.memory_space<semaphore_mem>>)
          } else {
          }
        } else {
        }
        %mul3A_59 = arith.constant 2 : i32
        %mul3A_60 = arith.muli %scan3A_46, %mul3A_59 : i32
        %add3A_61 = arith.constant 1 : i32
        %add3A_62 = arith.addi %mul3A_60, %add3A_61 : i32
        %mul3A_63 = arith.constant 16 : i32
        %mul3A_64 = arith.muli %add3A_62, %mul3A_63 : i32
        %add3A_65 = arith.addi %mul3A_64, %arg1 : i32
        %lt3A_66 = arith.constant 1250 : i32
        %lt3A_67 = arith.cmpi slt, %add3A_65, %lt3A_66 : i32
        %convert_element_type3A_68 = arith.extui %lt3A_67 : i1 to i32
        %cond3A_69 = arith.constant 0 : i32
        %cond3A_70 = arith.cmpi ne, %convert_element_type3A_68, %cond3A_69 : i32
        scf.if %cond3A_70 {
          %dma_wait3A = arith.constant 0 : i32
          %dma_wait3A_71 = arith.constant 0 : i32
          %dma_wait3A_72 = tpu.memref_slice %arg5[%dma_wait3A, %dma_wait3A_71] : memref<10000x128xf32, #tpu.memory_space<hbm>> -> memref<10000x128xf32, #tpu.memory_space<hbm>>
          tpu.wait_indirect_dma semaphore(%arg17 : memref<!tpu.dma_semaphore, #tpu.memory_space<semaphore_mem>>) src(%dma_wait3A_72 : memref<10000x128xf32, #tpu.memory_space<hbm>>) dst(%arg14 : memref<128x128xf32, #tpu.memory_space<vmem>>)
          %add3A_73 = arith.constant 16 : i32
          %add3A_74 = arith.addi %add3A_65, %add3A_73 : i32
          %lt3A_75 = arith.constant 1250 : i32
          %lt3A_76 = arith.cmpi slt, %add3A_74, %lt3A_75 : i32
          %convert_element_type3A_77 = arith.extui %lt3A_76 : i1 to i32
          %cond3A_78 = arith.constant 0 : i32
          %cond3A_79 = arith.cmpi ne, %convert_element_type3A_77, %cond3A_78 : i32
          scf.if %cond3A_79 {
            %mul3A_87 = arith.constant 128 : i32
            %mul3A_88 = arith.muli %add3A_74, %mul3A_87 : i32
            %dma_wait3A_89 = tpu.memref_slice %arg2[%mul3A_88] : memref<160000xi32, #tpu.memory_space<hbm>> -> memref<128xi32, #tpu.memory_space<hbm>>
            %dma_wait3A_90 = tpu.memref_slice %arg2[%mul3A_88] : memref<160000xi32, #tpu.memory_space<hbm>> -> memref<128xi32, #tpu.memory_space<hbm>>
            tpu.wait_dma2 semaphore(%arg18 : memref<!tpu.dma_semaphore, #tpu.memory_space<semaphore_mem>>) src(%dma_wait3A_90 : memref<128xi32, #tpu.memory_space<hbm>>) dst(%arg9 : memref<128xi32, #tpu.memory_space<vmem>>)
            %mul3A_91 = arith.constant 128 : i32
            %mul3A_92 = arith.muli %add3A_74, %mul3A_91 : i32
            %dma_wait3A_93 = tpu.memref_slice %arg3[%mul3A_92] : memref<160000xi32, #tpu.memory_space<hbm>> -> memref<128xi32, #tpu.memory_space<hbm>>
            %dma_wait3A_94 = tpu.memref_slice %arg3[%mul3A_92] : memref<160000xi32, #tpu.memory_space<hbm>> -> memref<128xi32, #tpu.memory_space<hbm>>
            tpu.wait_dma2 semaphore(%arg18 : memref<!tpu.dma_semaphore, #tpu.memory_space<semaphore_mem>>) src(%dma_wait3A_94 : memref<128xi32, #tpu.memory_space<hbm>>) dst(%arg11 : memref<128xi32, #tpu.memory_space<vmem>>)
            %dma_start3A_95 = arith.constant 0 : i32
            %dma_start3A_96 = arith.constant 0 : i32
            %dma_start3A_97 = tpu.memref_slice %arg5[%dma_start3A_95, %dma_start3A_96] : memref<10000x128xf32, #tpu.memory_space<hbm>> -> memref<10000x128xf32, #tpu.memory_space<hbm>>
            tpu.enqueue_indirect_dma source(%dma_start3A_97 : memref<10000x128xf32, #tpu.memory_space<hbm>>) target(%arg13 : memref<128x128xf32, #tpu.memory_space<vmem>>) offsets(%arg9 : memref<128xi32, #tpu.memory_space<vmem>>) semaphore(%arg16 : memref<!tpu.dma_semaphore, #tpu.memory_space<semaphore_mem>>)
          } else {
          }
          "tpu.region"() ({
            %run_scoped3A = tpu.sem_alloc : memref<!tpu.dma_semaphore, #tpu.memory_space<semaphore_mem>>
            %dma_start3A_87 = arith.constant 0 : i32
            %dma_start3A_88 = arith.constant 0 : i32
            %dma_start3A_89 = tpu.memref_slice %arg15[%dma_start3A_87, %dma_start3A_88] : memref<10000x128xf32, #tpu.memory_space<vmem_shared>> -> memref<10000x128xf32, #tpu.memory_space<vmem_shared>>
            tpu.enqueue_indirect_dma source(%arg14 : memref<128x128xf32, #tpu.memory_space<vmem>>) target(%dma_start3A_89 : memref<10000x128xf32, #tpu.memory_space<vmem_shared>>) offsets(%arg12 : memref<128xi32, #tpu.memory_space<vmem>>) semaphore(%run_scoped3A : memref<!tpu.dma_semaphore, #tpu.memory_space<semaphore_mem>>) {add = true}
            %dma_wait3A_90 = arith.constant 0 : i32
            %dma_wait3A_91 = arith.constant 0 : i32
            %dma_wait3A_92 = tpu.memref_slice %arg15[%dma_wait3A_90, %dma_wait3A_91] : memref<10000x128xf32, #tpu.memory_space<vmem_shared>> -> memref<10000x128xf32, #tpu.memory_space<vmem_shared>>
            tpu.wait_indirect_dma semaphore(%run_scoped3A : memref<!tpu.dma_semaphore, #tpu.memory_space<semaphore_mem>>) src(%arg14 : memref<128x128xf32, #tpu.memory_space<vmem>>) dst(%dma_wait3A_92 : memref<10000x128xf32, #tpu.memory_space<vmem_shared>>)
            tpu.yield
          }) : () -> ()
          %add3A_80 = arith.constant 32 : i32
          %add3A_81 = arith.addi %add3A_65, %add3A_80 : i32
          %lt3A_82 = arith.constant 1250 : i32
          %lt3A_83 = arith.cmpi slt, %add3A_81, %lt3A_82 : i32
          %convert_element_type3A_84 = arith.extui %lt3A_83 : i1 to i32
          %cond3A_85 = arith.constant 0 : i32
          %cond3A_86 = arith.cmpi ne, %convert_element_type3A_84, %cond3A_85 : i32
          scf.if %cond3A_86 {
            %mul3A_87 = arith.constant 128 : i32
            %mul3A_88 = arith.muli %add3A_81, %mul3A_87 : i32
            %dma_start3A_89 = tpu.memref_slice %arg2[%mul3A_88] : memref<160000xi32, #tpu.memory_space<hbm>> -> memref<128xi32, #tpu.memory_space<hbm>>
            %dma_start3A_90 = tpu.memref_slice %arg2[%mul3A_88] : memref<160000xi32, #tpu.memory_space<hbm>> -> memref<128xi32, #tpu.memory_space<hbm>>
            tpu.enqueue_dma source(%dma_start3A_90 : memref<128xi32, #tpu.memory_space<hbm>>) target(%arg10 : memref<128xi32, #tpu.memory_space<vmem>>) target_semaphore(%arg19 : memref<!tpu.dma_semaphore, #tpu.memory_space<semaphore_mem>>)
            %dma_start3A_91 = tpu.memref_slice %arg3[%mul3A_88] : memref<160000xi32, #tpu.memory_space<hbm>> -> memref<128xi32, #tpu.memory_space<hbm>>
            %dma_start3A_92 = tpu.memref_slice %arg3[%mul3A_88] : memref<160000xi32, #tpu.memory_space<hbm>> -> memref<128xi32, #tpu.memory_space<hbm>>
            tpu.enqueue_dma source(%dma_start3A_92 : memref<128xi32, #tpu.memory_space<hbm>>) target(%arg12 : memref<128xi32, #tpu.memory_space<vmem>>) target_semaphore(%arg19 : memref<!tpu.dma_semaphore, #tpu.memory_space<semaphore_mem>>)
          } else {
          }
        } else {
        }
      }
      %scan3A_45 = arith.constant 40 : i32
    } else {
    }
    %barrier3A_12 = arith.constant 0 : index
    tpu.barrier barrier_id(%barrier3A_12)
    %eq3A_13 = arith.constant 0 : i32
    %eq3A_14 = arith.cmpi eq, %arg0, %eq3A_13 : i32
    %lt3A_15 = arith.constant 10 : i32
    %lt3A_16 = arith.cmpi slt, %arg1, %lt3A_15 : i32
    %and3A = arith.andi %eq3A_14, %lt3A_16 : i1
    %convert_element_type3A_17 = arith.extui %and3A : i1 to i32
    %cond3A_18 = arith.constant 0 : i32
    %cond3A_19 = arith.cmpi ne, %convert_element_type3A_17, %cond3A_18 : i32
    scf.if %cond3A_19 {
      "tpu.region"() ({
        %run_scoped3A = tpu.sem_alloc : memref<!tpu.dma_semaphore, #tpu.memory_space<semaphore_mem>>
        %dma_start3A = arith.constant 0 : i32
        %dma_start3A_28 = tpu.memref_slice %arg7[%mul3A_0, %dma_start3A] : memref<10000x128xf32, #tpu.memory_space<hbm>> -> memref<1000x128xf32, #tpu.memory_space<hbm>>
        %dma_start3A_29 = arith.constant 0 : i32
        %dma_start3A_30 = tpu.memref_slice %arg15[%mul3A_0, %dma_start3A_29] : memref<10000x128xf32, #tpu.memory_space<vmem_shared>> -> memref<1000x128xf32, #tpu.memory_space<vmem_shared>>
        tpu.enqueue_dma source(%dma_start3A_30 : memref<1000x128xf32, #tpu.memory_space<vmem_shared>>) target(%dma_start3A_28 : memref<1000x128xf32, #tpu.memory_space<hbm>>) target_semaphore(%run_scoped3A : memref<!tpu.dma_semaphore, #tpu.memory_space<semaphore_mem>>)
        %dma_wait3A = arith.constant 0 : i32
        %dma_wait3A_31 = tpu.memref_slice %arg7[%mul3A_0, %dma_wait3A] : memref<10000x128xf32, #tpu.memory_space<hbm>> -> memref<1000x128xf32, #tpu.memory_space<hbm>>
        %dma_wait3A_32 = arith.constant 0 : i32
        %dma_wait3A_33 = tpu.memref_slice %arg15[%mul3A_0, %dma_wait3A_32] : memref<10000x128xf32, #tpu.memory_space<vmem_shared>> -> memref<1000x128xf32, #tpu.memory_space<vmem_shared>>
        tpu.wait_dma2 semaphore(%run_scoped3A : memref<!tpu.dma_semaphore, #tpu.memory_space<semaphore_mem>>) src(%dma_wait3A_33 : memref<1000x128xf32, #tpu.memory_space<vmem_shared>>) dst(%dma_wait3A_31 : memref<1000x128xf32, #tpu.memory_space<hbm>>)
        tpu.yield
      }) : () -> ()
    } else {
    }
    %eq3A_20 = arith.constant 1 : i32
    %eq3A_21 = arith.cmpi eq, %arg0, %eq3A_20 : i32
    %lt3A_22 = arith.constant 10 : i32
    %lt3A_23 = arith.cmpi slt, %arg1, %lt3A_22 : i32
    %and3A_24 = arith.andi %eq3A_21, %lt3A_23 : i1
    %convert_element_type3A_25 = arith.extui %and3A_24 : i1 to i32
    %cond3A_26 = arith.constant 0 : i32
    %cond3A_27 = arith.cmpi ne, %convert_element_type3A_25, %cond3A_26 : i32
    scf.if %cond3A_27 {
      "tpu.region"() ({
        %run_scoped3A = tpu.sem_alloc : memref<!tpu.dma_semaphore, #tpu.memory_space<semaphore_mem>>
        %dma_start3A = arith.constant 0 : i32
        %dma_start3A_28 = tpu.memref_slice %arg8[%mul3A_0, %dma_start3A] : memref<10000x128xf32, #tpu.memory_space<hbm>> -> memref<1000x128xf32, #tpu.memory_space<hbm>>
        %dma_start3A_29 = arith.constant 0 : i32
        %dma_start3A_30 = tpu.memref_slice %arg15[%mul3A_0, %dma_start3A_29] : memref<10000x128xf32, #tpu.memory_space<vmem_shared>> -> memref<1000x128xf32, #tpu.memory_space<vmem_shared>>
        tpu.enqueue_dma source(%dma_start3A_30 : memref<1000x128xf32, #tpu.memory_space<vmem_shared>>) target(%dma_start3A_28 : memref<1000x128xf32, #tpu.memory_space<hbm>>) target_semaphore(%run_scoped3A : memref<!tpu.dma_semaphore, #tpu.memory_space<semaphore_mem>>)
        %dma_wait3A = arith.constant 0 : i32
        %dma_wait3A_31 = tpu.memref_slice %arg8[%mul3A_0, %dma_wait3A] : memref<10000x128xf32, #tpu.memory_space<hbm>> -> memref<1000x128xf32, #tpu.memory_space<hbm>>
        %dma_wait3A_32 = arith.constant 0 : i32
        %dma_wait3A_33 = tpu.memref_slice %arg15[%mul3A_0, %dma_wait3A_32] : memref<10000x128xf32, #tpu.memory_space<vmem_shared>> -> memref<1000x128xf32, #tpu.memory_space<vmem_shared>>
        tpu.wait_dma2 semaphore(%run_scoped3A : memref<!tpu.dma_semaphore, #tpu.memory_space<semaphore_mem>>) src(%dma_wait3A_33 : memref<1000x128xf32, #tpu.memory_space<vmem_shared>>) dst(%dma_wait3A_31 : memref<1000x128xf32, #tpu.memory_space<hbm>>)
        tpu.yield
      }) : () -> ()
    } else {
    }
    return
  }
}

#map = affine_map<(d0, d1) -> (0)>
#map1 = affine_map<(d0, d1) -> (0, 0)>
module attributes {stable_mosaic.version = 14 : i64} {
  func.func @_prop_body(%arg0: i32, %arg1: i32, %arg2: memref<160000xi32, #tpu.memory_space<hbm>>, %arg3: memref<160000xi32, #tpu.memory_space<hbm>>, %arg4: memref<10000x128xf32, #tpu.memory_space<hbm>>, %arg5: memref<10000x128xf32, #tpu.memory_space<hbm>>, %arg6: memref<1000x128xf32, #tpu.memory_space<hbm>>, %arg7: memref<10000x128xf32, #tpu.memory_space<hbm>>, %arg8: memref<10000x128xf32, #tpu.memory_space<hbm>>, %arg9: memref<128xi32, #tpu.memory_space<vmem>>, %arg10: memref<128xi32, #tpu.memory_space<vmem>>, %arg11: memref<128xi32, #tpu.memory_space<vmem>>, %arg12: memref<128xi32, #tpu.memory_space<vmem>>, %arg13: memref<128x128xf32, #tpu.memory_space<vmem>>, %arg14: memref<128x128xf32, #tpu.memory_space<vmem>>, %arg15: memref<10000x128xf32, #tpu.memory_space<vmem_shared>>, %arg16: memref<!tpu.dma_semaphore, #tpu.memory_space<semaphore_mem>>, %arg17: memref<!tpu.dma_semaphore, #tpu.memory_space<semaphore_mem>>, %arg18: memref<!tpu.dma_semaphore, #tpu.memory_space<semaphore_mem>>, %arg19: memref<!tpu.dma_semaphore, #tpu.memory_space<semaphore_mem>>) attributes {dimension_semantics = [#tpu.dimension_semantics<core_parallel>, #tpu.dimension_semantics<subcore_parallel>], iteration_bounds = array<i64: 2, 16>, scalar_prefetch = 0 : i64, scratch_operands = 11 : i64, tpu.core_type = #tpu.core_type<sc_vector_subcore>, window_params = [{transform_indices = #map}, {transform_indices = #map}, {transform_indices = #map1}, {transform_indices = #map1}, {transform_indices = #map1}, {transform_indices = #map1}, {transform_indices = #map1}]} {
    %mul3A = arith.constant 1000 : i32
    %mul3A_0 = arith.muli %arg1, %mul3A : i32
    %lt3A = arith.constant 10 : i32
    %lt3A_1 = arith.cmpi slt, %arg1, %lt3A : i32
    %convert_element_type3A = arith.extui %lt3A_1 : i1 to i32
    %cond3A = arith.constant 0 : i32
    %cond3A_2 = arith.cmpi ne, %convert_element_type3A, %cond3A : i32
    scf.if %cond3A_2 {
      "tpu.region"() ({
        %run_scoped3A = tpu.sem_alloc : memref<!tpu.dma_semaphore, #tpu.memory_space<semaphore_mem>>
        %dma_start3A = arith.constant 0 : i32
        %dma_start3A_28 = tpu.memref_slice %arg15[%mul3A_0, %dma_start3A] : memref<10000x128xf32, #tpu.memory_space<vmem_shared>> -> memref<1000x128xf32, #tpu.memory_space<vmem_shared>>
        tpu.enqueue_dma source(%arg6 : memref<1000x128xf32, #tpu.memory_space<hbm>>) target(%dma_start3A_28 : memref<1000x128xf32, #tpu.memory_space<vmem_shared>>) target_semaphore(%run_scoped3A : memref<!tpu.dma_semaphore, #tpu.memory_space<semaphore_mem>>)
        %dma_wait3A = arith.constant 0 : i32
        %dma_wait3A_29 = tpu.memref_slice %arg15[%mul3A_0, %dma_wait3A] : memref<10000x128xf32, #tpu.memory_space<vmem_shared>> -> memref<1000x128xf32, #tpu.memory_space<vmem_shared>>
        tpu.wait_dma2 semaphore(%run_scoped3A : memref<!tpu.dma_semaphore, #tpu.memory_space<semaphore_mem>>) src(%arg6 : memref<1000x128xf32, #tpu.memory_space<hbm>>) dst(%dma_wait3A_29 : memref<1000x128xf32, #tpu.memory_space<vmem_shared>>)
        tpu.yield
      }) : () -> ()
    } else {
    }
    %barrier3A = arith.constant 0 : index
    tpu.barrier barrier_id(%barrier3A)
    %eq3A = arith.constant 0 : i32
    %eq3A_3 = arith.cmpi eq, %arg0, %eq3A : i32
    %convert_element_type3A_4 = arith.extui %eq3A_3 : i1 to i32
    %cond3A_5 = arith.constant 0 : i32
    %cond3A_6 = arith.cmpi ne, %convert_element_type3A_4, %cond3A_5 : i32
    scf.if %cond3A_6 {
      %mul3A_28 = arith.constant 128 : i32
      %mul3A_29 = arith.muli %arg1, %mul3A_28 : i32
      "tpu.region"() ({
        %run_scoped3A = tpu.sem_alloc : memref<!tpu.dma_semaphore, #tpu.memory_space<semaphore_mem>>
        %dma_start3A_46 = tpu.memref_slice %arg2[%mul3A_29] : memref<160000xi32, #tpu.memory_space<hbm>> -> memref<128xi32, #tpu.memory_space<hbm>>
        %dma_start3A_47 = tpu.memref_slice %arg2[%mul3A_29] : memref<160000xi32, #tpu.memory_space<hbm>> -> memref<128xi32, #tpu.memory_space<hbm>>
        tpu.enqueue_dma source(%dma_start3A_47 : memref<128xi32, #tpu.memory_space<hbm>>) target(%arg9 : memref<128xi32, #tpu.memory_space<vmem>>) target_semaphore(%run_scoped3A : memref<!tpu.dma_semaphore, #tpu.memory_space<semaphore_mem>>)
        %dma_wait3A = tpu.memref_slice %arg2[%mul3A_29] : memref<160000xi32, #tpu.memory_space<hbm>> -> memref<128xi32, #tpu.memory_space<hbm>>
        %dma_wait3A_48 = tpu.memref_slice %arg2[%mul3A_29] : memref<160000xi32, #tpu.memory_space<hbm>> -> memref<128xi32, #tpu.memory_space<hbm>>
        tpu.wait_dma2 semaphore(%run_scoped3A : memref<!tpu.dma_semaphore, #tpu.memory_space<semaphore_mem>>) src(%dma_wait3A_48 : memref<128xi32, #tpu.memory_space<hbm>>) dst(%arg9 : memref<128xi32, #tpu.memory_space<vmem>>)
        tpu.yield
      }) : () -> ()
      %mul3A_30 = arith.constant 128 : i32
      %mul3A_31 = arith.muli %arg1, %mul3A_30 : i32
      "tpu.region"() ({
        %run_scoped3A = tpu.sem_alloc : memref<!tpu.dma_semaphore, #tpu.memory_space<semaphore_mem>>
        %dma_start3A_46 = tpu.memref_slice %arg3[%mul3A_31] : memref<160000xi32, #tpu.memory_space<hbm>> -> memref<128xi32, #tpu.memory_space<hbm>>
        %dma_start3A_47 = tpu.memref_slice %arg3[%mul3A_31] : memref<160000xi32, #tpu.memory_space<hbm>> -> memref<128xi32, #tpu.memory_space<hbm>>
        tpu.enqueue_dma source(%dma_start3A_47 : memref<128xi32, #tpu.memory_space<hbm>>) target(%arg11 : memref<128xi32, #tpu.memory_space<vmem>>) target_semaphore(%run_scoped3A : memref<!tpu.dma_semaphore, #tpu.memory_space<semaphore_mem>>)
        %dma_wait3A = tpu.memref_slice %arg3[%mul3A_31] : memref<160000xi32, #tpu.memory_space<hbm>> -> memref<128xi32, #tpu.memory_space<hbm>>
        %dma_wait3A_48 = tpu.memref_slice %arg3[%mul3A_31] : memref<160000xi32, #tpu.memory_space<hbm>> -> memref<128xi32, #tpu.memory_space<hbm>>
        tpu.wait_dma2 semaphore(%run_scoped3A : memref<!tpu.dma_semaphore, #tpu.memory_space<semaphore_mem>>) src(%dma_wait3A_48 : memref<128xi32, #tpu.memory_space<hbm>>) dst(%arg11 : memref<128xi32, #tpu.memory_space<vmem>>)
        tpu.yield
      }) : () -> ()
      %dma_start3A = arith.constant 0 : i32
      %dma_start3A_32 = arith.constant 0 : i32
      %dma_start3A_33 = tpu.memref_slice %arg4[%dma_start3A, %dma_start3A_32] : memref<10000x128xf32, #tpu.memory_space<hbm>> -> memref<10000x128xf32, #tpu.memory_space<hbm>>
      tpu.enqueue_indirect_dma source(%dma_start3A_33 : memref<10000x128xf32, #tpu.memory_space<hbm>>) target(%arg13 : memref<128x128xf32, #tpu.memory_space<vmem>>) offsets(%arg9 : memref<128xi32, #tpu.memory_space<vmem>>) semaphore(%arg16 : memref<!tpu.dma_semaphore, #tpu.memory_space<semaphore_mem>>)
      %add3A = arith.constant 16 : i32
      %add3A_34 = arith.addi %add3A, %arg1 : i32
      %mul3A_35 = arith.constant 128 : i32
      %mul3A_36 = arith.muli %add3A_34, %mul3A_35 : i32
      %dma_start3A_37 = tpu.memref_slice %arg2[%mul3A_36] : memref<160000xi32, #tpu.memory_space<hbm>> -> memref<128xi32, #tpu.memory_space<hbm>>
      %dma_start3A_38 = tpu.memref_slice %arg2[%mul3A_36] : memref<160000xi32, #tpu.memory_space<hbm>> -> memref<128xi32, #tpu.memory_space<hbm>>
      tpu.enqueue_dma source(%dma_start3A_38 : memref<128xi32, #tpu.memory_space<hbm>>) target(%arg10 : memref<128xi32, #tpu.memory_space<vmem>>) target_semaphore(%arg19 : memref<!tpu.dma_semaphore, #tpu.memory_space<semaphore_mem>>)
      %dma_start3A_39 = tpu.memref_slice %arg3[%mul3A_36] : memref<160000xi32, #tpu.memory_space<hbm>> -> memref<128xi32, #tpu.memory_space<hbm>>
      %dma_start3A_40 = tpu.memref_slice %arg3[%mul3A_36] : memref<160000xi32, #tpu.memory_space<hbm>> -> memref<128xi32, #tpu.memory_space<hbm>>
      tpu.enqueue_dma source(%dma_start3A_40 : memref<128xi32, #tpu.memory_space<hbm>>) target(%arg12 : memref<128xi32, #tpu.memory_space<vmem>>) target_semaphore(%arg19 : memref<!tpu.dma_semaphore, #tpu.memory_space<semaphore_mem>>)
      %scan3A = arith.constant 0 : i32
      %scan3A_41 = arith.constant 0 : i32
      %scan3A_42 = arith.constant 40 : i32
      %scan3A_43 = arith.addi %scan3A_41, %scan3A_42 : i32
      %scan3A_44 = arith.constant 1 : i32
      scf.for %scan3A_46 = %scan3A_41 to %scan3A_43 step %scan3A_44  : i32 {
        %mul3A_47 = arith.constant 2 : i32
        %mul3A_48 = arith.muli %scan3A_46, %mul3A_47 : i32
        %add3A_49 = arith.constant 0 : i32
        %add3A_50 = arith.addi %mul3A_48, %add3A_49 : i32
        %mul3A_51 = arith.constant 16 : i32
        %mul3A_52 = arith.muli %add3A_50, %mul3A_51 : i32
        %add3A_53 = arith.addi %mul3A_52, %arg1 : i32
        %lt3A_54 = arith.constant 1250 : i32
        %lt3A_55 = arith.cmpi slt, %add3A_53, %lt3A_54 : i32
        %convert_element_type3A_56 = arith.extui %lt3A_55 : i1 to i32
        %cond3A_57 = arith.constant 0 : i32
        %cond3A_58 = arith.cmpi ne, %convert_element_type3A_56, %cond3A_57 : i32
        scf.if %cond3A_58 {
          %dma_wait3A = arith.constant 0 : i32
          %dma_wait3A_71 = arith.constant 0 : i32
          %dma_wait3A_72 = tpu.memref_slice %arg4[%dma_wait3A, %dma_wait3A_71] : memref<10000x128xf32, #tpu.memory_space<hbm>> -> memref<10000x128xf32, #tpu.memory_space<hbm>>
          tpu.wait_indirect_dma semaphore(%arg16 : memref<!tpu.dma_semaphore, #tpu.memory_space<semaphore_mem>>) src(%dma_wait3A_72 : memref<10000x128xf32, #tpu.memory_space<hbm>>) dst(%arg13 : memref<128x128xf32, #tpu.memory_space<vmem>>)
          %add3A_73 = arith.constant 16 : i32
          %add3A_74 = arith.addi %add3A_53, %add3A_73 : i32
          %lt3A_75 = arith.constant 1250 : i32
          %lt3A_76 = arith.cmpi slt, %add3A_74, %lt3A_75 : i32
          %convert_element_type3A_77 = arith.extui %lt3A_76 : i1 to i32
          %cond3A_78 = arith.constant 0 : i32
          %cond3A_79 = arith.cmpi ne, %convert_element_type3A_77, %cond3A_78 : i32
          scf.if %cond3A_79 {
            %mul3A_87 = arith.constant 128 : i32
            %mul3A_88 = arith.muli %add3A_74, %mul3A_87 : i32
            %dma_wait3A_89 = tpu.memref_slice %arg2[%mul3A_88] : memref<160000xi32, #tpu.memory_space<hbm>> -> memref<128xi32, #tpu.memory_space<hbm>>
            %dma_wait3A_90 = tpu.memref_slice %arg2[%mul3A_88] : memref<160000xi32, #tpu.memory_space<hbm>> -> memref<128xi32, #tpu.memory_space<hbm>>
            tpu.wait_dma2 semaphore(%arg19 : memref<!tpu.dma_semaphore, #tpu.memory_space<semaphore_mem>>) src(%dma_wait3A_90 : memref<128xi32, #tpu.memory_space<hbm>>) dst(%arg10 : memref<128xi32, #tpu.memory_space<vmem>>)
            %mul3A_91 = arith.constant 128 : i32
            %mul3A_92 = arith.muli %add3A_74, %mul3A_91 : i32
            %dma_wait3A_93 = tpu.memref_slice %arg3[%mul3A_92] : memref<160000xi32, #tpu.memory_space<hbm>> -> memref<128xi32, #tpu.memory_space<hbm>>
            %dma_wait3A_94 = tpu.memref_slice %arg3[%mul3A_92] : memref<160000xi32, #tpu.memory_space<hbm>> -> memref<128xi32, #tpu.memory_space<hbm>>
            tpu.wait_dma2 semaphore(%arg19 : memref<!tpu.dma_semaphore, #tpu.memory_space<semaphore_mem>>) src(%dma_wait3A_94 : memref<128xi32, #tpu.memory_space<hbm>>) dst(%arg12 : memref<128xi32, #tpu.memory_space<vmem>>)
            %dma_start3A_95 = arith.constant 0 : i32
            %dma_start3A_96 = arith.constant 0 : i32
            %dma_start3A_97 = tpu.memref_slice %arg4[%dma_start3A_95, %dma_start3A_96] : memref<10000x128xf32, #tpu.memory_space<hbm>> -> memref<10000x128xf32, #tpu.memory_space<hbm>>
            tpu.enqueue_indirect_dma source(%dma_start3A_97 : memref<10000x128xf32, #tpu.memory_space<hbm>>) target(%arg14 : memref<128x128xf32, #tpu.memory_space<vmem>>) offsets(%arg10 : memref<128xi32, #tpu.memory_space<vmem>>) semaphore(%arg17 : memref<!tpu.dma_semaphore, #tpu.memory_space<semaphore_mem>>)
          } else {
          }
          "tpu.region"() ({
            %run_scoped3A = tpu.sem_alloc : memref<!tpu.dma_semaphore, #tpu.memory_space<semaphore_mem>>
            %dma_start3A_87 = arith.constant 0 : i32
            %dma_start3A_88 = arith.constant 0 : i32
            %dma_start3A_89 = tpu.memref_slice %arg15[%dma_start3A_87, %dma_start3A_88] : memref<10000x128xf32, #tpu.memory_space<vmem_shared>> -> memref<10000x128xf32, #tpu.memory_space<vmem_shared>>
            tpu.enqueue_indirect_dma source(%arg13 : memref<128x128xf32, #tpu.memory_space<vmem>>) target(%dma_start3A_89 : memref<10000x128xf32, #tpu.memory_space<vmem_shared>>) offsets(%arg11 : memref<128xi32, #tpu.memory_space<vmem>>) semaphore(%run_scoped3A : memref<!tpu.dma_semaphore, #tpu.memory_space<semaphore_mem>>) {add = true}
            %dma_wait3A_90 = arith.constant 0 : i32
            %dma_wait3A_91 = arith.constant 0 : i32
            %dma_wait3A_92 = tpu.memref_slice %arg15[%dma_wait3A_90, %dma_wait3A_91] : memref<10000x128xf32, #tpu.memory_space<vmem_shared>> -> memref<10000x128xf32, #tpu.memory_space<vmem_shared>>
            tpu.wait_indirect_dma semaphore(%run_scoped3A : memref<!tpu.dma_semaphore, #tpu.memory_space<semaphore_mem>>) src(%arg13 : memref<128x128xf32, #tpu.memory_space<vmem>>) dst(%dma_wait3A_92 : memref<10000x128xf32, #tpu.memory_space<vmem_shared>>)
            tpu.yield
          }) : () -> ()
          %add3A_80 = arith.constant 32 : i32
          %add3A_81 = arith.addi %add3A_53, %add3A_80 : i32
          %lt3A_82 = arith.constant 1250 : i32
          %lt3A_83 = arith.cmpi slt, %add3A_81, %lt3A_82 : i32
          %convert_element_type3A_84 = arith.extui %lt3A_83 : i1 to i32
          %cond3A_85 = arith.constant 0 : i32
          %cond3A_86 = arith.cmpi ne, %convert_element_type3A_84, %cond3A_85 : i32
          scf.if %cond3A_86 {
            %mul3A_87 = arith.constant 128 : i32
            %mul3A_88 = arith.muli %add3A_81, %mul3A_87 : i32
            %dma_start3A_89 = tpu.memref_slice %arg2[%mul3A_88] : memref<160000xi32, #tpu.memory_space<hbm>> -> memref<128xi32, #tpu.memory_space<hbm>>
            %dma_start3A_90 = tpu.memref_slice %arg2[%mul3A_88] : memref<160000xi32, #tpu.memory_space<hbm>> -> memref<128xi32, #tpu.memory_space<hbm>>
            tpu.enqueue_dma source(%dma_start3A_90 : memref<128xi32, #tpu.memory_space<hbm>>) target(%arg9 : memref<128xi32, #tpu.memory_space<vmem>>) target_semaphore(%arg18 : memref<!tpu.dma_semaphore, #tpu.memory_space<semaphore_mem>>)
            %dma_start3A_91 = tpu.memref_slice %arg3[%mul3A_88] : memref<160000xi32, #tpu.memory_space<hbm>> -> memref<128xi32, #tpu.memory_space<hbm>>
            %dma_start3A_92 = tpu.memref_slice %arg3[%mul3A_88] : memref<160000xi32, #tpu.memory_space<hbm>> -> memref<128xi32, #tpu.memory_space<hbm>>
            tpu.enqueue_dma source(%dma_start3A_92 : memref<128xi32, #tpu.memory_space<hbm>>) target(%arg11 : memref<128xi32, #tpu.memory_space<vmem>>) target_semaphore(%arg18 : memref<!tpu.dma_semaphore, #tpu.memory_space<semaphore_mem>>)
          } else {
          }
        } else {
        }
        %mul3A_59 = arith.constant 2 : i32
        %mul3A_60 = arith.muli %scan3A_46, %mul3A_59 : i32
        %add3A_61 = arith.constant 1 : i32
        %add3A_62 = arith.addi %mul3A_60, %add3A_61 : i32
        %mul3A_63 = arith.constant 16 : i32
        %mul3A_64 = arith.muli %add3A_62, %mul3A_63 : i32
        %add3A_65 = arith.addi %mul3A_64, %arg1 : i32
        %lt3A_66 = arith.constant 1250 : i32
        %lt3A_67 = arith.cmpi slt, %add3A_65, %lt3A_66 : i32
        %convert_element_type3A_68 = arith.extui %lt3A_67 : i1 to i32
        %cond3A_69 = arith.constant 0 : i32
        %cond3A_70 = arith.cmpi ne, %convert_element_type3A_68, %cond3A_69 : i32
        scf.if %cond3A_70 {
          %dma_wait3A = arith.constant 0 : i32
          %dma_wait3A_71 = arith.constant 0 : i32
          %dma_wait3A_72 = tpu.memref_slice %arg4[%dma_wait3A, %dma_wait3A_71] : memref<10000x128xf32, #tpu.memory_space<hbm>> -> memref<10000x128xf32, #tpu.memory_space<hbm>>
          tpu.wait_indirect_dma semaphore(%arg17 : memref<!tpu.dma_semaphore, #tpu.memory_space<semaphore_mem>>) src(%dma_wait3A_72 : memref<10000x128xf32, #tpu.memory_space<hbm>>) dst(%arg14 : memref<128x128xf32, #tpu.memory_space<vmem>>)
          %add3A_73 = arith.constant 16 : i32
          %add3A_74 = arith.addi %add3A_65, %add3A_73 : i32
          %lt3A_75 = arith.constant 1250 : i32
          %lt3A_76 = arith.cmpi slt, %add3A_74, %lt3A_75 : i32
          %convert_element_type3A_77 = arith.extui %lt3A_76 : i1 to i32
          %cond3A_78 = arith.constant 0 : i32
          %cond3A_79 = arith.cmpi ne, %convert_element_type3A_77, %cond3A_78 : i32
          scf.if %cond3A_79 {
            %mul3A_87 = arith.constant 128 : i32
            %mul3A_88 = arith.muli %add3A_74, %mul3A_87 : i32
            %dma_wait3A_89 = tpu.memref_slice %arg2[%mul3A_88] : memref<160000xi32, #tpu.memory_space<hbm>> -> memref<128xi32, #tpu.memory_space<hbm>>
            %dma_wait3A_90 = tpu.memref_slice %arg2[%mul3A_88] : memref<160000xi32, #tpu.memory_space<hbm>> -> memref<128xi32, #tpu.memory_space<hbm>>
            tpu.wait_dma2 semaphore(%arg18 : memref<!tpu.dma_semaphore, #tpu.memory_space<semaphore_mem>>) src(%dma_wait3A_90 : memref<128xi32, #tpu.memory_space<hbm>>) dst(%arg9 : memref<128xi32, #tpu.memory_space<vmem>>)
            %mul3A_91 = arith.constant 128 : i32
            %mul3A_92 = arith.muli %add3A_74, %mul3A_91 : i32
            %dma_wait3A_93 = tpu.memref_slice %arg3[%mul3A_92] : memref<160000xi32, #tpu.memory_space<hbm>> -> memref<128xi32, #tpu.memory_space<hbm>>
            %dma_wait3A_94 = tpu.memref_slice %arg3[%mul3A_92] : memref<160000xi32, #tpu.memory_space<hbm>> -> memref<128xi32, #tpu.memory_space<hbm>>
            tpu.wait_dma2 semaphore(%arg18 : memref<!tpu.dma_semaphore, #tpu.memory_space<semaphore_mem>>) src(%dma_wait3A_94 : memref<128xi32, #tpu.memory_space<hbm>>) dst(%arg11 : memref<128xi32, #tpu.memory_space<vmem>>)
            %dma_start3A_95 = arith.constant 0 : i32
            %dma_start3A_96 = arith.constant 0 : i32
            %dma_start3A_97 = tpu.memref_slice %arg4[%dma_start3A_95, %dma_start3A_96] : memref<10000x128xf32, #tpu.memory_space<hbm>> -> memref<10000x128xf32, #tpu.memory_space<hbm>>
            tpu.enqueue_indirect_dma source(%dma_start3A_97 : memref<10000x128xf32, #tpu.memory_space<hbm>>) target(%arg13 : memref<128x128xf32, #tpu.memory_space<vmem>>) offsets(%arg9 : memref<128xi32, #tpu.memory_space<vmem>>) semaphore(%arg16 : memref<!tpu.dma_semaphore, #tpu.memory_space<semaphore_mem>>)
          } else {
          }
          "tpu.region"() ({
            %run_scoped3A = tpu.sem_alloc : memref<!tpu.dma_semaphore, #tpu.memory_space<semaphore_mem>>
            %dma_start3A_87 = arith.constant 0 : i32
            %dma_start3A_88 = arith.constant 0 : i32
            %dma_start3A_89 = tpu.memref_slice %arg15[%dma_start3A_87, %dma_start3A_88] : memref<10000x128xf32, #tpu.memory_space<vmem_shared>> -> memref<10000x128xf32, #tpu.memory_space<vmem_shared>>
            tpu.enqueue_indirect_dma source(%arg14 : memref<128x128xf32, #tpu.memory_space<vmem>>) target(%dma_start3A_89 : memref<10000x128xf32, #tpu.memory_space<vmem_shared>>) offsets(%arg12 : memref<128xi32, #tpu.memory_space<vmem>>) semaphore(%run_scoped3A : memref<!tpu.dma_semaphore, #tpu.memory_space<semaphore_mem>>) {add = true}
            %dma_wait3A_90 = arith.constant 0 : i32
            %dma_wait3A_91 = arith.constant 0 : i32
            %dma_wait3A_92 = tpu.memref_slice %arg15[%dma_wait3A_90, %dma_wait3A_91] : memref<10000x128xf32, #tpu.memory_space<vmem_shared>> -> memref<10000x128xf32, #tpu.memory_space<vmem_shared>>
            tpu.wait_indirect_dma semaphore(%run_scoped3A : memref<!tpu.dma_semaphore, #tpu.memory_space<semaphore_mem>>) src(%arg14 : memref<128x128xf32, #tpu.memory_space<vmem>>) dst(%dma_wait3A_92 : memref<10000x128xf32, #tpu.memory_space<vmem_shared>>)
            tpu.yield
          }) : () -> ()
          %add3A_80 = arith.constant 32 : i32
          %add3A_81 = arith.addi %add3A_65, %add3A_80 : i32
          %lt3A_82 = arith.constant 1250 : i32
          %lt3A_83 = arith.cmpi slt, %add3A_81, %lt3A_82 : i32
          %convert_element_type3A_84 = arith.extui %lt3A_83 : i1 to i32
          %cond3A_85 = arith.constant 0 : i32
          %cond3A_86 = arith.cmpi ne, %convert_element_type3A_84, %cond3A_85 : i32
          scf.if %cond3A_86 {
            %mul3A_87 = arith.constant 128 : i32
            %mul3A_88 = arith.muli %add3A_81, %mul3A_87 : i32
            %dma_start3A_89 = tpu.memref_slice %arg2[%mul3A_88] : memref<160000xi32, #tpu.memory_space<hbm>> -> memref<128xi32, #tpu.memory_space<hbm>>
            %dma_start3A_90 = tpu.memref_slice %arg2[%mul3A_88] : memref<160000xi32, #tpu.memory_space<hbm>> -> memref<128xi32, #tpu.memory_space<hbm>>
            tpu.enqueue_dma source(%dma_start3A_90 : memref<128xi32, #tpu.memory_space<hbm>>) target(%arg10 : memref<128xi32, #tpu.memory_space<vmem>>) target_semaphore(%arg19 : memref<!tpu.dma_semaphore, #tpu.memory_space<semaphore_mem>>)
            %dma_start3A_91 = tpu.memref_slice %arg3[%mul3A_88] : memref<160000xi32, #tpu.memory_space<hbm>> -> memref<128xi32, #tpu.memory_space<hbm>>
            %dma_start3A_92 = tpu.memref_slice %arg3[%mul3A_88] : memref<160000xi32, #tpu.memory_space<hbm>> -> memref<128xi32, #tpu.memory_space<hbm>>
            tpu.enqueue_dma source(%dma_start3A_92 : memref<128xi32, #tpu.memory_space<hbm>>) target(%arg12 : memref<128xi32, #tpu.memory_space<vmem>>) target_semaphore(%arg19 : memref<!tpu.dma_semaphore, #tpu.memory_space<semaphore_mem>>)
          } else {
          }
        } else {
        }
      }
      %scan3A_45 = arith.constant 40 : i32
    } else {
    }
    %eq3A_7 = arith.constant 1 : i32
    %eq3A_8 = arith.cmpi eq, %arg0, %eq3A_7 : i32
    %convert_element_type3A_9 = arith.extui %eq3A_8 : i1 to i32
    %cond3A_10 = arith.constant 0 : i32
    %cond3A_11 = arith.cmpi ne, %convert_element_type3A_9, %cond3A_10 : i32
    scf.if %cond3A_11 {
      %mul3A_28 = arith.constant 128 : i32
      %mul3A_29 = arith.muli %arg1, %mul3A_28 : i32
      "tpu.region"() ({
        %run_scoped3A = tpu.sem_alloc : memref<!tpu.dma_semaphore, #tpu.memory_space<semaphore_mem>>
        %dma_start3A_46 = tpu.memref_slice %arg2[%mul3A_29] : memref<160000xi32, #tpu.memory_space<hbm>> -> memref<128xi32, #tpu.memory_space<hbm>>
        %dma_start3A_47 = tpu.memref_slice %arg2[%mul3A_29] : memref<160000xi32, #tpu.memory_space<hbm>> -> memref<128xi32, #tpu.memory_space<hbm>>
        tpu.enqueue_dma source(%dma_start3A_47 : memref<128xi32, #tpu.memory_space<hbm>>) target(%arg9 : memref<128xi32, #tpu.memory_space<vmem>>) target_semaphore(%run_scoped3A : memref<!tpu.dma_semaphore, #tpu.memory_space<semaphore_mem>>)
        %dma_wait3A = tpu.memref_slice %arg2[%mul3A_29] : memref<160000xi32, #tpu.memory_space<hbm>> -> memref<128xi32, #tpu.memory_space<hbm>>
        %dma_wait3A_48 = tpu.memref_slice %arg2[%mul3A_29] : memref<160000xi32, #tpu.memory_space<hbm>> -> memref<128xi32, #tpu.memory_space<hbm>>
        tpu.wait_dma2 semaphore(%run_scoped3A : memref<!tpu.dma_semaphore, #tpu.memory_space<semaphore_mem>>) src(%dma_wait3A_48 : memref<128xi32, #tpu.memory_space<hbm>>) dst(%arg9 : memref<128xi32, #tpu.memory_space<vmem>>)
        tpu.yield
      }) : () -> ()
      %mul3A_30 = arith.constant 128 : i32
      %mul3A_31 = arith.muli %arg1, %mul3A_30 : i32
      "tpu.region"() ({
        %run_scoped3A = tpu.sem_alloc : memref<!tpu.dma_semaphore, #tpu.memory_space<semaphore_mem>>
        %dma_start3A_46 = tpu.memref_slice %arg3[%mul3A_31] : memref<160000xi32, #tpu.memory_space<hbm>> -> memref<128xi32, #tpu.memory_space<hbm>>
        %dma_start3A_47 = tpu.memref_slice %arg3[%mul3A_31] : memref<160000xi32, #tpu.memory_space<hbm>> -> memref<128xi32, #tpu.memory_space<hbm>>
        tpu.enqueue_dma source(%dma_start3A_47 : memref<128xi32, #tpu.memory_space<hbm>>) target(%arg11 : memref<128xi32, #tpu.memory_space<vmem>>) target_semaphore(%run_scoped3A : memref<!tpu.dma_semaphore, #tpu.memory_space<semaphore_mem>>)
        %dma_wait3A = tpu.memref_slice %arg3[%mul3A_31] : memref<160000xi32, #tpu.memory_space<hbm>> -> memref<128xi32, #tpu.memory_space<hbm>>
        %dma_wait3A_48 = tpu.memref_slice %arg3[%mul3A_31] : memref<160000xi32, #tpu.memory_space<hbm>> -> memref<128xi32, #tpu.memory_space<hbm>>
        tpu.wait_dma2 semaphore(%run_scoped3A : memref<!tpu.dma_semaphore, #tpu.memory_space<semaphore_mem>>) src(%dma_wait3A_48 : memref<128xi32, #tpu.memory_space<hbm>>) dst(%arg11 : memref<128xi32, #tpu.memory_space<vmem>>)
        tpu.yield
      }) : () -> ()
      %dma_start3A = arith.constant 0 : i32
      %dma_start3A_32 = arith.constant 0 : i32
      %dma_start3A_33 = tpu.memref_slice %arg5[%dma_start3A, %dma_start3A_32] : memref<10000x128xf32, #tpu.memory_space<hbm>> -> memref<10000x128xf32, #tpu.memory_space<hbm>>
      tpu.enqueue_indirect_dma source(%dma_start3A_33 : memref<10000x128xf32, #tpu.memory_space<hbm>>) target(%arg13 : memref<128x128xf32, #tpu.memory_space<vmem>>) offsets(%arg9 : memref<128xi32, #tpu.memory_space<vmem>>) semaphore(%arg16 : memref<!tpu.dma_semaphore, #tpu.memory_space<semaphore_mem>>)
      %add3A = arith.constant 16 : i32
      %add3A_34 = arith.addi %add3A, %arg1 : i32
      %mul3A_35 = arith.constant 128 : i32
      %mul3A_36 = arith.muli %add3A_34, %mul3A_35 : i32
      %dma_start3A_37 = tpu.memref_slice %arg2[%mul3A_36] : memref<160000xi32, #tpu.memory_space<hbm>> -> memref<128xi32, #tpu.memory_space<hbm>>
      %dma_start3A_38 = tpu.memref_slice %arg2[%mul3A_36] : memref<160000xi32, #tpu.memory_space<hbm>> -> memref<128xi32, #tpu.memory_space<hbm>>
      tpu.enqueue_dma source(%dma_start3A_38 : memref<128xi32, #tpu.memory_space<hbm>>) target(%arg10 : memref<128xi32, #tpu.memory_space<vmem>>) target_semaphore(%arg19 : memref<!tpu.dma_semaphore, #tpu.memory_space<semaphore_mem>>)
      %dma_start3A_39 = tpu.memref_slice %arg3[%mul3A_36] : memref<160000xi32, #tpu.memory_space<hbm>> -> memref<128xi32, #tpu.memory_space<hbm>>
      %dma_start3A_40 = tpu.memref_slice %arg3[%mul3A_36] : memref<160000xi32, #tpu.memory_space<hbm>> -> memref<128xi32, #tpu.memory_space<hbm>>
      tpu.enqueue_dma source(%dma_start3A_40 : memref<128xi32, #tpu.memory_space<hbm>>) target(%arg12 : memref<128xi32, #tpu.memory_space<vmem>>) target_semaphore(%arg19 : memref<!tpu.dma_semaphore, #tpu.memory_space<semaphore_mem>>)
      %scan3A = arith.constant 0 : i32
      %scan3A_41 = arith.constant 0 : i32
      %scan3A_42 = arith.constant 40 : i32
      %scan3A_43 = arith.addi %scan3A_41, %scan3A_42 : i32
      %scan3A_44 = arith.constant 1 : i32
      scf.for %scan3A_46 = %scan3A_41 to %scan3A_43 step %scan3A_44  : i32 {
        %mul3A_47 = arith.constant 2 : i32
        %mul3A_48 = arith.muli %scan3A_46, %mul3A_47 : i32
        %add3A_49 = arith.constant 0 : i32
        %add3A_50 = arith.addi %mul3A_48, %add3A_49 : i32
        %mul3A_51 = arith.constant 16 : i32
        %mul3A_52 = arith.muli %add3A_50, %mul3A_51 : i32
        %add3A_53 = arith.addi %mul3A_52, %arg1 : i32
        %lt3A_54 = arith.constant 1250 : i32
        %lt3A_55 = arith.cmpi slt, %add3A_53, %lt3A_54 : i32
        %convert_element_type3A_56 = arith.extui %lt3A_55 : i1 to i32
        %cond3A_57 = arith.constant 0 : i32
        %cond3A_58 = arith.cmpi ne, %convert_element_type3A_56, %cond3A_57 : i32
        scf.if %cond3A_58 {
          %dma_wait3A = arith.constant 0 : i32
          %dma_wait3A_71 = arith.constant 0 : i32
          %dma_wait3A_72 = tpu.memref_slice %arg5[%dma_wait3A, %dma_wait3A_71] : memref<10000x128xf32, #tpu.memory_space<hbm>> -> memref<10000x128xf32, #tpu.memory_space<hbm>>
          tpu.wait_indirect_dma semaphore(%arg16 : memref<!tpu.dma_semaphore, #tpu.memory_space<semaphore_mem>>) src(%dma_wait3A_72 : memref<10000x128xf32, #tpu.memory_space<hbm>>) dst(%arg13 : memref<128x128xf32, #tpu.memory_space<vmem>>)
          %add3A_73 = arith.constant 16 : i32
          %add3A_74 = arith.addi %add3A_53, %add3A_73 : i32
          %lt3A_75 = arith.constant 1250 : i32
          %lt3A_76 = arith.cmpi slt, %add3A_74, %lt3A_75 : i32
          %convert_element_type3A_77 = arith.extui %lt3A_76 : i1 to i32
          %cond3A_78 = arith.constant 0 : i32
          %cond3A_79 = arith.cmpi ne, %convert_element_type3A_77, %cond3A_78 : i32
          scf.if %cond3A_79 {
            %mul3A_87 = arith.constant 128 : i32
            %mul3A_88 = arith.muli %add3A_74, %mul3A_87 : i32
            %dma_wait3A_89 = tpu.memref_slice %arg2[%mul3A_88] : memref<160000xi32, #tpu.memory_space<hbm>> -> memref<128xi32, #tpu.memory_space<hbm>>
            %dma_wait3A_90 = tpu.memref_slice %arg2[%mul3A_88] : memref<160000xi32, #tpu.memory_space<hbm>> -> memref<128xi32, #tpu.memory_space<hbm>>
            tpu.wait_dma2 semaphore(%arg19 : memref<!tpu.dma_semaphore, #tpu.memory_space<semaphore_mem>>) src(%dma_wait3A_90 : memref<128xi32, #tpu.memory_space<hbm>>) dst(%arg10 : memref<128xi32, #tpu.memory_space<vmem>>)
            %mul3A_91 = arith.constant 128 : i32
            %mul3A_92 = arith.muli %add3A_74, %mul3A_91 : i32
            %dma_wait3A_93 = tpu.memref_slice %arg3[%mul3A_92] : memref<160000xi32, #tpu.memory_space<hbm>> -> memref<128xi32, #tpu.memory_space<hbm>>
            %dma_wait3A_94 = tpu.memref_slice %arg3[%mul3A_92] : memref<160000xi32, #tpu.memory_space<hbm>> -> memref<128xi32, #tpu.memory_space<hbm>>
            tpu.wait_dma2 semaphore(%arg19 : memref<!tpu.dma_semaphore, #tpu.memory_space<semaphore_mem>>) src(%dma_wait3A_94 : memref<128xi32, #tpu.memory_space<hbm>>) dst(%arg12 : memref<128xi32, #tpu.memory_space<vmem>>)
            %dma_start3A_95 = arith.constant 0 : i32
            %dma_start3A_96 = arith.constant 0 : i32
            %dma_start3A_97 = tpu.memref_slice %arg5[%dma_start3A_95, %dma_start3A_96] : memref<10000x128xf32, #tpu.memory_space<hbm>> -> memref<10000x128xf32, #tpu.memory_space<hbm>>
            tpu.enqueue_indirect_dma source(%dma_start3A_97 : memref<10000x128xf32, #tpu.memory_space<hbm>>) target(%arg14 : memref<128x128xf32, #tpu.memory_space<vmem>>) offsets(%arg10 : memref<128xi32, #tpu.memory_space<vmem>>) semaphore(%arg17 : memref<!tpu.dma_semaphore, #tpu.memory_space<semaphore_mem>>)
          } else {
          }
          "tpu.region"() ({
            %run_scoped3A = tpu.sem_alloc : memref<!tpu.dma_semaphore, #tpu.memory_space<semaphore_mem>>
            %dma_start3A_87 = arith.constant 0 : i32
            %dma_start3A_88 = arith.constant 0 : i32
            %dma_start3A_89 = tpu.memref_slice %arg15[%dma_start3A_87, %dma_start3A_88] : memref<10000x128xf32, #tpu.memory_space<vmem_shared>> -> memref<10000x128xf32, #tpu.memory_space<vmem_shared>>
            tpu.enqueue_indirect_dma source(%arg13 : memref<128x128xf32, #tpu.memory_space<vmem>>) target(%dma_start3A_89 : memref<10000x128xf32, #tpu.memory_space<vmem_shared>>) offsets(%arg11 : memref<128xi32, #tpu.memory_space<vmem>>) semaphore(%run_scoped3A : memref<!tpu.dma_semaphore, #tpu.memory_space<semaphore_mem>>) {add = true}
            %dma_wait3A_90 = arith.constant 0 : i32
            %dma_wait3A_91 = arith.constant 0 : i32
            %dma_wait3A_92 = tpu.memref_slice %arg15[%dma_wait3A_90, %dma_wait3A_91] : memref<10000x128xf32, #tpu.memory_space<vmem_shared>> -> memref<10000x128xf32, #tpu.memory_space<vmem_shared>>
            tpu.wait_indirect_dma semaphore(%run_scoped3A : memref<!tpu.dma_semaphore, #tpu.memory_space<semaphore_mem>>) src(%arg13 : memref<128x128xf32, #tpu.memory_space<vmem>>) dst(%dma_wait3A_92 : memref<10000x128xf32, #tpu.memory_space<vmem_shared>>)
            tpu.yield
          }) : () -> ()
          %add3A_80 = arith.constant 32 : i32
          %add3A_81 = arith.addi %add3A_53, %add3A_80 : i32
          %lt3A_82 = arith.constant 1250 : i32
          %lt3A_83 = arith.cmpi slt, %add3A_81, %lt3A_82 : i32
          %convert_element_type3A_84 = arith.extui %lt3A_83 : i1 to i32
          %cond3A_85 = arith.constant 0 : i32
          %cond3A_86 = arith.cmpi ne, %convert_element_type3A_84, %cond3A_85 : i32
          scf.if %cond3A_86 {
            %mul3A_87 = arith.constant 128 : i32
            %mul3A_88 = arith.muli %add3A_81, %mul3A_87 : i32
            %dma_start3A_89 = tpu.memref_slice %arg2[%mul3A_88] : memref<160000xi32, #tpu.memory_space<hbm>> -> memref<128xi32, #tpu.memory_space<hbm>>
            %dma_start3A_90 = tpu.memref_slice %arg2[%mul3A_88] : memref<160000xi32, #tpu.memory_space<hbm>> -> memref<128xi32, #tpu.memory_space<hbm>>
            tpu.enqueue_dma source(%dma_start3A_90 : memref<128xi32, #tpu.memory_space<hbm>>) target(%arg9 : memref<128xi32, #tpu.memory_space<vmem>>) target_semaphore(%arg18 : memref<!tpu.dma_semaphore, #tpu.memory_space<semaphore_mem>>)
            %dma_start3A_91 = tpu.memref_slice %arg3[%mul3A_88] : memref<160000xi32, #tpu.memory_space<hbm>> -> memref<128xi32, #tpu.memory_space<hbm>>
            %dma_start3A_92 = tpu.memref_slice %arg3[%mul3A_88] : memref<160000xi32, #tpu.memory_space<hbm>> -> memref<128xi32, #tpu.memory_space<hbm>>
            tpu.enqueue_dma source(%dma_start3A_92 : memref<128xi32, #tpu.memory_space<hbm>>) target(%arg11 : memref<128xi32, #tpu.memory_space<vmem>>) target_semaphore(%arg18 : memref<!tpu.dma_semaphore, #tpu.memory_space<semaphore_mem>>)
          } else {
          }
        } else {
        }
        %mul3A_59 = arith.constant 2 : i32
        %mul3A_60 = arith.muli %scan3A_46, %mul3A_59 : i32
        %add3A_61 = arith.constant 1 : i32
        %add3A_62 = arith.addi %mul3A_60, %add3A_61 : i32
        %mul3A_63 = arith.constant 16 : i32
        %mul3A_64 = arith.muli %add3A_62, %mul3A_63 : i32
        %add3A_65 = arith.addi %mul3A_64, %arg1 : i32
        %lt3A_66 = arith.constant 1250 : i32
        %lt3A_67 = arith.cmpi slt, %add3A_65, %lt3A_66 : i32
        %convert_element_type3A_68 = arith.extui %lt3A_67 : i1 to i32
        %cond3A_69 = arith.constant 0 : i32
        %cond3A_70 = arith.cmpi ne, %convert_element_type3A_68, %cond3A_69 : i32
        scf.if %cond3A_70 {
          %dma_wait3A = arith.constant 0 : i32
          %dma_wait3A_71 = arith.constant 0 : i32
          %dma_wait3A_72 = tpu.memref_slice %arg5[%dma_wait3A, %dma_wait3A_71] : memref<10000x128xf32, #tpu.memory_space<hbm>> -> memref<10000x128xf32, #tpu.memory_space<hbm>>
          tpu.wait_indirect_dma semaphore(%arg17 : memref<!tpu.dma_semaphore, #tpu.memory_space<semaphore_mem>>) src(%dma_wait3A_72 : memref<10000x128xf32, #tpu.memory_space<hbm>>) dst(%arg14 : memref<128x128xf32, #tpu.memory_space<vmem>>)
          %add3A_73 = arith.constant 16 : i32
          %add3A_74 = arith.addi %add3A_65, %add3A_73 : i32
          %lt3A_75 = arith.constant 1250 : i32
          %lt3A_76 = arith.cmpi slt, %add3A_74, %lt3A_75 : i32
          %convert_element_type3A_77 = arith.extui %lt3A_76 : i1 to i32
          %cond3A_78 = arith.constant 0 : i32
          %cond3A_79 = arith.cmpi ne, %convert_element_type3A_77, %cond3A_78 : i32
          scf.if %cond3A_79 {
            %mul3A_87 = arith.constant 128 : i32
            %mul3A_88 = arith.muli %add3A_74, %mul3A_87 : i32
            %dma_wait3A_89 = tpu.memref_slice %arg2[%mul3A_88] : memref<160000xi32, #tpu.memory_space<hbm>> -> memref<128xi32, #tpu.memory_space<hbm>>
            %dma_wait3A_90 = tpu.memref_slice %arg2[%mul3A_88] : memref<160000xi32, #tpu.memory_space<hbm>> -> memref<128xi32, #tpu.memory_space<hbm>>
            tpu.wait_dma2 semaphore(%arg18 : memref<!tpu.dma_semaphore, #tpu.memory_space<semaphore_mem>>) src(%dma_wait3A_90 : memref<128xi32, #tpu.memory_space<hbm>>) dst(%arg9 : memref<128xi32, #tpu.memory_space<vmem>>)
            %mul3A_91 = arith.constant 128 : i32
            %mul3A_92 = arith.muli %add3A_74, %mul3A_91 : i32
            %dma_wait3A_93 = tpu.memref_slice %arg3[%mul3A_92] : memref<160000xi32, #tpu.memory_space<hbm>> -> memref<128xi32, #tpu.memory_space<hbm>>
            %dma_wait3A_94 = tpu.memref_slice %arg3[%mul3A_92] : memref<160000xi32, #tpu.memory_space<hbm>> -> memref<128xi32, #tpu.memory_space<hbm>>
            tpu.wait_dma2 semaphore(%arg18 : memref<!tpu.dma_semaphore, #tpu.memory_space<semaphore_mem>>) src(%dma_wait3A_94 : memref<128xi32, #tpu.memory_space<hbm>>) dst(%arg11 : memref<128xi32, #tpu.memory_space<vmem>>)
            %dma_start3A_95 = arith.constant 0 : i32
            %dma_start3A_96 = arith.constant 0 : i32
            %dma_start3A_97 = tpu.memref_slice %arg5[%dma_start3A_95, %dma_start3A_96] : memref<10000x128xf32, #tpu.memory_space<hbm>> -> memref<10000x128xf32, #tpu.memory_space<hbm>>
            tpu.enqueue_indirect_dma source(%dma_start3A_97 : memref<10000x128xf32, #tpu.memory_space<hbm>>) target(%arg13 : memref<128x128xf32, #tpu.memory_space<vmem>>) offsets(%arg9 : memref<128xi32, #tpu.memory_space<vmem>>) semaphore(%arg16 : memref<!tpu.dma_semaphore, #tpu.memory_space<semaphore_mem>>)
          } else {
          }
          "tpu.region"() ({
            %run_scoped3A = tpu.sem_alloc : memref<!tpu.dma_semaphore, #tpu.memory_space<semaphore_mem>>
            %dma_start3A_87 = arith.constant 0 : i32
            %dma_start3A_88 = arith.constant 0 : i32
            %dma_start3A_89 = tpu.memref_slice %arg15[%dma_start3A_87, %dma_start3A_88] : memref<10000x128xf32, #tpu.memory_space<vmem_shared>> -> memref<10000x128xf32, #tpu.memory_space<vmem_shared>>
            tpu.enqueue_indirect_dma source(%arg14 : memref<128x128xf32, #tpu.memory_space<vmem>>) target(%dma_start3A_89 : memref<10000x128xf32, #tpu.memory_space<vmem_shared>>) offsets(%arg12 : memref<128xi32, #tpu.memory_space<vmem>>) semaphore(%run_scoped3A : memref<!tpu.dma_semaphore, #tpu.memory_space<semaphore_mem>>) {add = true}
            %dma_wait3A_90 = arith.constant 0 : i32
            %dma_wait3A_91 = arith.constant 0 : i32
            %dma_wait3A_92 = tpu.memref_slice %arg15[%dma_wait3A_90, %dma_wait3A_91] : memref<10000x128xf32, #tpu.memory_space<vmem_shared>> -> memref<10000x128xf32, #tpu.memory_space<vmem_shared>>
            tpu.wait_indirect_dma semaphore(%run_scoped3A : memref<!tpu.dma_semaphore, #tpu.memory_space<semaphore_mem>>) src(%arg14 : memref<128x128xf32, #tpu.memory_space<vmem>>) dst(%dma_wait3A_92 : memref<10000x128xf32, #tpu.memory_space<vmem_shared>>)
            tpu.yield
          }) : () -> ()
          %add3A_80 = arith.constant 32 : i32
          %add3A_81 = arith.addi %add3A_65, %add3A_80 : i32
          %lt3A_82 = arith.constant 1250 : i32
          %lt3A_83 = arith.cmpi slt, %add3A_81, %lt3A_82 : i32
          %convert_element_type3A_84 = arith.extui %lt3A_83 : i1 to i32
          %cond3A_85 = arith.constant 0 : i32
          %cond3A_86 = arith.cmpi ne, %convert_element_type3A_84, %cond3A_85 : i32
          scf.if %cond3A_86 {
            %mul3A_87 = arith.constant 128 : i32
            %mul3A_88 = arith.muli %add3A_81, %mul3A_87 : i32
            %dma_start3A_89 = tpu.memref_slice %arg2[%mul3A_88] : memref<160000xi32, #tpu.memory_space<hbm>> -> memref<128xi32, #tpu.memory_space<hbm>>
            %dma_start3A_90 = tpu.memref_slice %arg2[%mul3A_88] : memref<160000xi32, #tpu.memory_space<hbm>> -> memref<128xi32, #tpu.memory_space<hbm>>
            tpu.enqueue_dma source(%dma_start3A_90 : memref<128xi32, #tpu.memory_space<hbm>>) target(%arg10 : memref<128xi32, #tpu.memory_space<vmem>>) target_semaphore(%arg19 : memref<!tpu.dma_semaphore, #tpu.memory_space<semaphore_mem>>)
            %dma_start3A_91 = tpu.memref_slice %arg3[%mul3A_88] : memref<160000xi32, #tpu.memory_space<hbm>> -> memref<128xi32, #tpu.memory_space<hbm>>
            %dma_start3A_92 = tpu.memref_slice %arg3[%mul3A_88] : memref<160000xi32, #tpu.memory_space<hbm>> -> memref<128xi32, #tpu.memory_space<hbm>>
            tpu.enqueue_dma source(%dma_start3A_92 : memref<128xi32, #tpu.memory_space<hbm>>) target(%arg12 : memref<128xi32, #tpu.memory_space<vmem>>) target_semaphore(%arg19 : memref<!tpu.dma_semaphore, #tpu.memory_space<semaphore_mem>>)
          } else {
          }
        } else {
        }
      }
      %scan3A_45 = arith.constant 40 : i32
    } else {
    }
    %barrier3A_12 = arith.constant 0 : index
    tpu.barrier barrier_id(%barrier3A_12)
    %eq3A_13 = arith.constant 0 : i32
    %eq3A_14 = arith.cmpi eq, %arg0, %eq3A_13 : i32
    %lt3A_15 = arith.constant 10 : i32
    %lt3A_16 = arith.cmpi slt, %arg1, %lt3A_15 : i32
    %and3A = arith.andi %eq3A_14, %lt3A_16 : i1
    %convert_element_type3A_17 = arith.extui %and3A : i1 to i32
    %cond3A_18 = arith.constant 0 : i32
    %cond3A_19 = arith.cmpi ne, %convert_element_type3A_17, %cond3A_18 : i32
    scf.if %cond3A_19 {
      "tpu.region"() ({
        %run_scoped3A = tpu.sem_alloc : memref<!tpu.dma_semaphore, #tpu.memory_space<semaphore_mem>>
        %dma_start3A = arith.constant 0 : i32
        %dma_start3A_28 = tpu.memref_slice %arg7[%mul3A_0, %dma_start3A] : memref<10000x128xf32, #tpu.memory_space<hbm>> -> memref<1000x128xf32, #tpu.memory_space<hbm>>
        %dma_start3A_29 = arith.constant 0 : i32
        %dma_start3A_30 = tpu.memref_slice %arg15[%mul3A_0, %dma_start3A_29] : memref<10000x128xf32, #tpu.memory_space<vmem_shared>> -> memref<1000x128xf32, #tpu.memory_space<vmem_shared>>
        tpu.enqueue_dma source(%dma_start3A_30 : memref<1000x128xf32, #tpu.memory_space<vmem_shared>>) target(%dma_start3A_28 : memref<1000x128xf32, #tpu.memory_space<hbm>>) target_semaphore(%run_scoped3A : memref<!tpu.dma_semaphore, #tpu.memory_space<semaphore_mem>>)
        %dma_wait3A = arith.constant 0 : i32
        %dma_wait3A_31 = tpu.memref_slice %arg7[%mul3A_0, %dma_wait3A] : memref<10000x128xf32, #tpu.memory_space<hbm>> -> memref<1000x128xf32, #tpu.memory_space<hbm>>
        %dma_wait3A_32 = arith.constant 0 : i32
        %dma_wait3A_33 = tpu.memref_slice %arg15[%mul3A_0, %dma_wait3A_32] : memref<10000x128xf32, #tpu.memory_space<vmem_shared>> -> memref<1000x128xf32, #tpu.memory_space<vmem_shared>>
        tpu.wait_dma2 semaphore(%run_scoped3A : memref<!tpu.dma_semaphore, #tpu.memory_space<semaphore_mem>>) src(%dma_wait3A_33 : memref<1000x128xf32, #tpu.memory_space<vmem_shared>>) dst(%dma_wait3A_31 : memref<1000x128xf32, #tpu.memory_space<hbm>>)
        tpu.yield
      }) : () -> ()
    } else {
    }
    %eq3A_20 = arith.constant 1 : i32
    %eq3A_21 = arith.cmpi eq, %arg0, %eq3A_20 : i32
    %lt3A_22 = arith.constant 10 : i32
    %lt3A_23 = arith.cmpi slt, %arg1, %lt3A_22 : i32
    %and3A_24 = arith.andi %eq3A_21, %lt3A_23 : i1
    %convert_element_type3A_25 = arith.extui %and3A_24 : i1 to i32
    %cond3A_26 = arith.constant 0 : i32
    %cond3A_27 = arith.cmpi ne, %convert_element_type3A_25, %cond3A_26 : i32
    scf.if %cond3A_27 {
      "tpu.region"() ({
        %run_scoped3A = tpu.sem_alloc : memref<!tpu.dma_semaphore, #tpu.memory_space<semaphore_mem>>
        %dma_start3A = arith.constant 0 : i32
        %dma_start3A_28 = tpu.memref_slice %arg8[%mul3A_0, %dma_start3A] : memref<10000x128xf32, #tpu.memory_space<hbm>> -> memref<1000x128xf32, #tpu.memory_space<hbm>>
        %dma_start3A_29 = arith.constant 0 : i32
        %dma_start3A_30 = tpu.memref_slice %arg15[%mul3A_0, %dma_start3A_29] : memref<10000x128xf32, #tpu.memory_space<vmem_shared>> -> memref<1000x128xf32, #tpu.memory_space<vmem_shared>>
        tpu.enqueue_dma source(%dma_start3A_30 : memref<1000x128xf32, #tpu.memory_space<vmem_shared>>) target(%dma_start3A_28 : memref<1000x128xf32, #tpu.memory_space<hbm>>) target_semaphore(%run_scoped3A : memref<!tpu.dma_semaphore, #tpu.memory_space<semaphore_mem>>)
        %dma_wait3A = arith.constant 0 : i32
        %dma_wait3A_31 = tpu.memref_slice %arg8[%mul3A_0, %dma_wait3A] : memref<10000x128xf32, #tpu.memory_space<hbm>> -> memref<1000x128xf32, #tpu.memory_space<hbm>>
        %dma_wait3A_32 = arith.constant 0 : i32
        %dma_wait3A_33 = tpu.memref_slice %arg15[%mul3A_0, %dma_wait3A_32] : memref<10000x128xf32, #tpu.memory_space<vmem_shared>> -> memref<1000x128xf32, #tpu.memory_space<vmem_shared>>
        tpu.wait_dma2 semaphore(%run_scoped3A : memref<!tpu.dma_semaphore, #tpu.memory_space<semaphore_mem>>) src(%dma_wait3A_33 : memref<1000x128xf32, #tpu.memory_space<vmem_shared>>) dst(%dma_wait3A_31 : memref<1000x128xf32, #tpu.memory_space<hbm>>)
        tpu.yield
      }) : () -> ()
    } else {
    }
    return
  }
}

module attributes {stable_mosaic.version = 14 : i64} {
  func.func @_mm1_body(%arg0: i32, %arg1: memref<1000x256xf32, #tpu.memory_space<vmem>>, %arg2: memref<256x256xf32, #tpu.memory_space<vmem>>, %arg3: memref<1000x128xf32, #tpu.memory_space<vmem>>, %arg4: memref<1000x128xf32, #tpu.memory_space<vmem>>) attributes {dimension_semantics = [#tpu.dimension_semantics<arbitrary>], iteration_bounds = array<i64: 10>, scalar_prefetch = 0 : i64, scratch_operands = 0 : i64, tpu.core_type = #tpu.core_type<tc>, window_params = [{transform_indices = @transform_0, window_bounds = array<i64: 1000, 256>}, {pipeline_mode = #tpu.pipeline_mode<synchronous>, transform_indices = @transform_1, window_bounds = array<i64: 256, 256>}, {transform_indices = @transform_2, window_bounds = array<i64: 1000, 128>}, {transform_indices = @transform_3, window_bounds = array<i64: 1000, 128>}]} {
    %get3A = arith.constant 0 : index
    %get3A_0 = arith.constant 0 : index
    %get3A_1 = vector.load %arg1[%get3A, %get3A_0] : memref<1000x256xf32, #tpu.memory_space<vmem>>, vector<1000x256xf32>
    %get3A_2 = arith.constant 0 : index
    %get3A_3 = arith.constant 0 : index
    %get3A_4 = vector.load %arg2[%get3A_2, %get3A_3] : memref<256x256xf32, #tpu.memory_space<vmem>>, vector<256x256xf32>
    %dot_general3A = arith.constant dense<0.000000e+00> : vector<1000x256xf32>
    %dot_general3A_5 = tpu.matmul %get3A_1, %get3A_4, %dot_general3A {dimension_numbers = #tpu.dot_dimension_numbers<[1], [0], [0], [1], [0, 0, 1, 1], [], []>, precision = #tpu.contract_precision<fp32>, transpose_lhs_hint = false} : vector<1000x256xf32>, vector<256x256xf32>, vector<1000x256xf32> -> vector<1000x256xf32>
    %slice3A = vector.extract_strided_slice %dot_general3A_5 {offsets = [0, 0], sizes = [1000, 128], strides = [1, 1]} : vector<1000x256xf32> to vector<1000x128xf32>
    %swap3A = arith.constant 0 : index
    %swap3A_6 = arith.constant 0 : index
    %swap3A_7 = vector.load %arg3[%swap3A, %swap3A_6] : memref<1000x128xf32, #tpu.memory_space<vmem>>, vector<1000x128xf32>
    tpu.vector_store %arg3[%swap3A, %swap3A_6], %slice3A {strides = array<i32>} : memref<1000x128xf32, #tpu.memory_space<vmem>>, vector<1000x128xf32>,
    %slice3A_8 = vector.extract_strided_slice %dot_general3A_5 {offsets = [0, 128], sizes = [1000, 128], strides = [1, 1]} : vector<1000x256xf32> to vector<1000x128xf32>
    %swap3A_9 = arith.constant 0 : index
    %swap3A_10 = arith.constant 0 : index
    %swap3A_11 = vector.load %arg4[%swap3A_9, %swap3A_10] : memref<1000x128xf32, #tpu.memory_space<vmem>>, vector<1000x128xf32>
    tpu.vector_store %arg4[%swap3A_9, %swap3A_10], %slice3A_8 {strides = array<i32>} : memref<1000x128xf32, #tpu.memory_space<vmem>>, vector<1000x128xf32>,
    return
  }
  func.func @transform_0(%arg0: i32) -> (i32, i32) {
    %c0_i32 = arith.constant 0 : i32
    %c0_i32_0 = arith.constant 0 : i32
    return %arg0, %c0_i32 : i32, i32
  }
  func.func @transform_1(%arg0: i32) -> (i32, i32) {
    %c0_i32 = arith.constant 0 : i32
    %c0_i32_0 = arith.constant 0 : i32
    %c0_i32_1 = arith.constant 0 : i32
    return %c0_i32, %c0_i32_0 : i32, i32
  }
  func.func @transform_2(%arg0: i32) -> (i32, i32) {
    %c0_i32 = arith.constant 0 : i32
    %c0_i32_0 = arith.constant 0 : i32
    return %arg0, %c0_i32 : i32, i32
  }
  func.func @transform_3(%arg0: i32) -> (i32, i32) {
    %c0_i32 = arith.constant 0 : i32
    %c0_i32_0 = arith.constant 0 : i32
    return %arg0, %c0_i32 : i32, i32
  }
}

module attributes {stable_mosaic.version = 14 : i64} {
  func.func @_scale_body(%arg0: i32, %arg1: memref<1000x128xf32, #tpu.memory_space<vmem>>, %arg2: memref<1000x128xf32, #tpu.memory_space<vmem>>, %arg3: memref<1000x128xf32, #tpu.memory_space<vmem>>, %arg4: memref<1000x128xf32, #tpu.memory_space<vmem>>, %arg5: memref<1000x128xf32, #tpu.memory_space<vmem>>, %arg6: memref<1000x128xf32, #tpu.memory_space<vmem>>) attributes {dimension_semantics = [#tpu.dimension_semantics<arbitrary>], iteration_bounds = array<i64: 10>, scalar_prefetch = 0 : i64, scratch_operands = 0 : i64, tpu.core_type = #tpu.core_type<tc>, window_params = [{transform_indices = @transform_0, window_bounds = array<i64: 1000, 128>}, {transform_indices = @transform_1, window_bounds = array<i64: 1000, 128>}, {transform_indices = @transform_2, window_bounds = array<i64: 1000, 128>}, {transform_indices = @transform_3, window_bounds = array<i64: 1000, 128>}, {transform_indices = @transform_4, window_bounds = array<i64: 1000, 128>}, {transform_indices = @transform_5, window_bounds = array<i64: 1000, 128>}]} {
    %get3A = arith.constant 0 : index
    %get3A_0 = arith.constant 0 : index
    %get3A_1 = vector.load %arg3[%get3A, %get3A_0] : memref<1000x128xf32, #tpu.memory_space<vmem>>, vector<1000x128xf32>
    %slice3A = vector.extract_strided_slice %get3A_1 {offsets = [0, 0], sizes = [1000, 1], strides = [1, 1]} : vector<1000x128xf32> to vector<1000x1xf32>
    %get3A_2 = arith.constant 0 : index
    %get3A_3 = arith.constant 0 : index
    %get3A_4 = vector.load %arg4[%get3A_2, %get3A_3] : memref<1000x128xf32, #tpu.memory_space<vmem>>, vector<1000x128xf32>
    %slice3A_5 = vector.extract_strided_slice %get3A_4 {offsets = [0, 0], sizes = [1000, 1], strides = [1, 1]} : vector<1000x128xf32> to vector<1000x1xf32>
    %add3A = arith.addf %slice3A, %slice3A_5 : vector<1000x1xf32>
    %add3A_6 = arith.constant 1.000000e+00 : f32
    %add3A_7 = vector.broadcast %add3A_6 : f32 to vector<1000x1xf32>
    %add3A_8 = arith.addf %add3A, %add3A_7 : vector<1000x1xf32>
    %rsqrt3A = math.rsqrt %add3A_8 : vector<1000x1xf32>
    %get3A_9 = arith.constant 0 : index
    %get3A_10 = arith.constant 0 : index
    %get3A_11 = vector.load %arg1[%get3A_9, %get3A_10] : memref<1000x128xf32, #tpu.memory_space<vmem>>, vector<1000x128xf32>
    %mul3A = vector.broadcast %rsqrt3A : vector<1000x1xf32> to vector<1000x128xf32>
    %mul3A_12 = arith.mulf %get3A_11, %mul3A : vector<1000x128xf32>
    %swap3A = arith.constant 0 : index
    %swap3A_13 = arith.constant 0 : index
    %swap3A_14 = vector.load %arg5[%swap3A, %swap3A_13] : memref<1000x128xf32, #tpu.memory_space<vmem>>, vector<1000x128xf32>
    tpu.vector_store %arg5[%swap3A, %swap3A_13], %mul3A_12 {strides = array<i32>} : memref<1000x128xf32, #tpu.memory_space<vmem>>, vector<1000x128xf32>,
    %get3A_15 = arith.constant 0 : index
    %get3A_16 = arith.constant 0 : index
    %get3A_17 = vector.load %arg2[%get3A_15, %get3A_16] : memref<1000x128xf32, #tpu.memory_space<vmem>>, vector<1000x128xf32>
    %mul3A_18 = vector.broadcast %rsqrt3A : vector<1000x1xf32> to vector<1000x128xf32>
    %mul3A_19 = arith.mulf %get3A_17, %mul3A_18 : vector<1000x128xf32>
    %swap3A_20 = arith.constant 0 : index
    %swap3A_21 = arith.constant 0 : index
    %swap3A_22 = vector.load %arg6[%swap3A_20, %swap3A_21] : memref<1000x128xf32, #tpu.memory_space<vmem>>, vector<1000x128xf32>
    tpu.vector_store %arg6[%swap3A_20, %swap3A_21], %mul3A_19 {strides = array<i32>} : memref<1000x128xf32, #tpu.memory_space<vmem>>, vector<1000x128xf32>,
    return
  }
  func.func @transform_0(%arg0: i32) -> (i32, i32) {
    %c0_i32 = arith.constant 0 : i32
    %c0_i32_0 = arith.constant 0 : i32
    return %arg0, %c0_i32 : i32, i32
  }
  func.func @transform_1(%arg0: i32) -> (i32, i32) {
    %c0_i32 = arith.constant 0 : i32
    %c0_i32_0 = arith.constant 0 : i32
    return %arg0, %c0_i32 : i32, i32
  }
  func.func @transform_2(%arg0: i32) -> (i32, i32) {
    %c0_i32 = arith.constant 0 : i32
    %c0_i32_0 = arith.constant 0 : i32
    return %arg0, %c0_i32 : i32, i32
  }
  func.func @transform_3(%arg0: i32) -> (i32, i32) {
    %c0_i32 = arith.constant 0 : i32
    %c0_i32_0 = arith.constant 0 : i32
    return %arg0, %c0_i32 : i32, i32
  }
  func.func @transform_4(%arg0: i32) -> (i32, i32) {
    %c0_i32 = arith.constant 0 : i32
    %c0_i32_0 = arith.constant 0 : i32
    return %arg0, %c0_i32 : i32, i32
  }
  func.func @transform_5(%arg0: i32) -> (i32, i32) {
    %c0_i32 = arith.constant 0 : i32
    %c0_i32_0 = arith.constant 0 : i32
    return %arg0, %c0_i32 : i32, i32
  }
}

module attributes {stable_mosaic.version = 14 : i64} {
  func.func @_mid_body(%arg0: i32, %arg1: memref<1000x128xf32, #tpu.memory_space<vmem>>, %arg2: memref<1000x128xf32, #tpu.memory_space<vmem>>, %arg3: memref<1000x128xf32, #tpu.memory_space<vmem>>, %arg4: memref<1000x128xf32, #tpu.memory_space<vmem>>, %arg5: memref<1000x128xf32, #tpu.memory_space<vmem>>, %arg6: memref<1000x128xf32, #tpu.memory_space<vmem>>, %arg7: memref<256x256xf32, #tpu.memory_space<vmem>>, %arg8: memref<1000x128xf32, #tpu.memory_space<vmem>>, %arg9: memref<1000x128xf32, #tpu.memory_space<vmem>>) attributes {dimension_semantics = [#tpu.dimension_semantics<arbitrary>], iteration_bounds = array<i64: 10>, scalar_prefetch = 0 : i64, scratch_operands = 0 : i64, tpu.core_type = #tpu.core_type<tc>, window_params = [{transform_indices = @transform_0, window_bounds = array<i64: 1000, 128>}, {transform_indices = @transform_1, window_bounds = array<i64: 1000, 128>}, {transform_indices = @transform_2, window_bounds = array<i64: 1000, 128>}, {transform_indices = @transform_3, window_bounds = array<i64: 1000, 128>}, {transform_indices = @transform_4, window_bounds = array<i64: 1000, 128>}, {transform_indices = @transform_5, window_bounds = array<i64: 1000, 128>}, {pipeline_mode = #tpu.pipeline_mode<synchronous>, transform_indices = @transform_6, window_bounds = array<i64: 256, 256>}, {transform_indices = @transform_7, window_bounds = array<i64: 1000, 128>}, {transform_indices = @transform_8, window_bounds = array<i64: 1000, 128>}]} {
    %get3A = arith.constant 0 : index
    %get3A_0 = arith.constant 0 : index
    %get3A_1 = vector.load %arg5[%get3A, %get3A_0] : memref<1000x128xf32, #tpu.memory_space<vmem>>, vector<1000x128xf32>
    %slice3A = vector.extract_strided_slice %get3A_1 {offsets = [0, 0], sizes = [1000, 1], strides = [1, 1]} : vector<1000x128xf32> to vector<1000x1xf32>
    %get3A_2 = arith.constant 0 : index
    %get3A_3 = arith.constant 0 : index
    %get3A_4 = vector.load %arg6[%get3A_2, %get3A_3] : memref<1000x128xf32, #tpu.memory_space<vmem>>, vector<1000x128xf32>
    %slice3A_5 = vector.extract_strided_slice %get3A_4 {offsets = [0, 0], sizes = [1000, 1], strides = [1, 1]} : vector<1000x128xf32> to vector<1000x1xf32>
    %add3A = arith.addf %slice3A, %slice3A_5 : vector<1000x1xf32>
    %add3A_6 = arith.constant 1.000000e+00 : f32
    %add3A_7 = vector.broadcast %add3A_6 : f32 to vector<1000x1xf32>
    %add3A_8 = arith.addf %add3A, %add3A_7 : vector<1000x1xf32>
    %rsqrt3A = math.rsqrt %add3A_8 : vector<1000x1xf32>
    %get3A_9 = arith.constant 0 : index
    %get3A_10 = arith.constant 0 : index
    %get3A_11 = vector.load %arg1[%get3A_9, %get3A_10] : memref<1000x128xf32, #tpu.memory_space<vmem>>, vector<1000x128xf32>
    %get3A_12 = arith.constant 0 : index
    %get3A_13 = arith.constant 0 : index
    %get3A_14 = vector.load %arg3[%get3A_12, %get3A_13] : memref<1000x128xf32, #tpu.memory_space<vmem>>, vector<1000x128xf32>
    %add3A_15 = arith.addf %get3A_11, %get3A_14 : vector<1000x128xf32>
    %get3A_16 = arith.constant 0 : index
    %get3A_17 = arith.constant 0 : index
    %get3A_18 = vector.load %arg2[%get3A_16, %get3A_17] : memref<1000x128xf32, #tpu.memory_space<vmem>>, vector<1000x128xf32>
    %get3A_19 = arith.constant 0 : index
    %get3A_20 = arith.constant 0 : index
    %get3A_21 = vector.load %arg4[%get3A_19, %get3A_20] : memref<1000x128xf32, #tpu.memory_space<vmem>>, vector<1000x128xf32>
    %add3A_22 = arith.addf %get3A_18, %get3A_21 : vector<1000x128xf32>
    %concatenate3A = tpu.concatenate %add3A_15, %add3A_22 in 1 : vector<1000x128xf32>, vector<1000x128xf32> -> vector<1000x256xf32>
    %mul3A = vector.broadcast %rsqrt3A : vector<1000x1xf32> to vector<1000x256xf32>
    %mul3A_23 = arith.mulf %concatenate3A, %mul3A : vector<1000x256xf32>
    %max3A = arith.constant 0.000000e+00 : f32
    %max3A_24 = vector.broadcast %max3A : f32 to vector<1000x256xf32>
    %max3A_25 = arith.maximumf %mul3A_23, %max3A_24 : vector<1000x256xf32>
    %get3A_26 = arith.constant 0 : index
    %get3A_27 = arith.constant 0 : index
    %get3A_28 = vector.load %arg7[%get3A_26, %get3A_27] : memref<256x256xf32, #tpu.memory_space<vmem>>, vector<256x256xf32>
    %dot_general3A = arith.constant dense<0.000000e+00> : vector<1000x256xf32>
    %dot_general3A_29 = tpu.matmul %max3A_25, %get3A_28, %dot_general3A {dimension_numbers = #tpu.dot_dimension_numbers<[1], [0], [0], [1], [0, 0, 1, 1], [], []>, precision = #tpu.contract_precision<fp32>, transpose_lhs_hint = false} : vector<1000x256xf32>, vector<256x256xf32>, vector<1000x256xf32> -> vector<1000x256xf32>
    %mul3A_30 = vector.broadcast %rsqrt3A : vector<1000x1xf32> to vector<1000x256xf32>
    %mul3A_31 = arith.mulf %dot_general3A_29, %mul3A_30 : vector<1000x256xf32>
    %slice3A_32 = vector.extract_strided_slice %mul3A_31 {offsets = [0, 0], sizes = [1000, 128], strides = [1, 1]} : vector<1000x256xf32> to vector<1000x128xf32>
    %swap3A = arith.constant 0 : index
    %swap3A_33 = arith.constant 0 : index
    %swap3A_34 = vector.load %arg8[%swap3A, %swap3A_33] : memref<1000x128xf32, #tpu.memory_space<vmem>>, vector<1000x128xf32>
    tpu.vector_store %arg8[%swap3A, %swap3A_33], %slice3A_32 {strides = array<i32>} : memref<1000x128xf32, #tpu.memory_space<vmem>>, vector<1000x128xf32>,
    %slice3A_35 = vector.extract_strided_slice %mul3A_31 {offsets = [0, 128], sizes = [1000, 128], strides = [1, 1]} : vector<1000x256xf32> to vector<1000x128xf32>
    %swap3A_36 = arith.constant 0 : index
    %swap3A_37 = arith.constant 0 : index
    %swap3A_38 = vector.load %arg9[%swap3A_36, %swap3A_37] : memref<1000x128xf32, #tpu.memory_space<vmem>>, vector<1000x128xf32>
    tpu.vector_store %arg9[%swap3A_36, %swap3A_37], %slice3A_35 {strides = array<i32>} : memref<1000x128xf32, #tpu.memory_space<vmem>>, vector<1000x128xf32>,
    return
  }
  func.func @transform_0(%arg0: i32) -> (i32, i32) {
    %c0_i32 = arith.constant 0 : i32
    %c0_i32_0 = arith.constant 0 : i32
    return %arg0, %c0_i32 : i32, i32
  }
  func.func @transform_1(%arg0: i32) -> (i32, i32) {
    %c0_i32 = arith.constant 0 : i32
    %c0_i32_0 = arith.constant 0 : i32
    return %arg0, %c0_i32 : i32, i32
  }
  func.func @transform_2(%arg0: i32) -> (i32, i32) {
    %c0_i32 = arith.constant 0 : i32
    %c0_i32_0 = arith.constant 0 : i32
    return %arg0, %c0_i32 : i32, i32
  }
  func.func @transform_3(%arg0: i32) -> (i32, i32) {
    %c0_i32 = arith.constant 0 : i32
    %c0_i32_0 = arith.constant 0 : i32
    return %arg0, %c0_i32 : i32, i32
  }
  func.func @transform_4(%arg0: i32) -> (i32, i32) {
    %c0_i32 = arith.constant 0 : i32
    %c0_i32_0 = arith.constant 0 : i32
    return %arg0, %c0_i32 : i32, i32
  }
  func.func @transform_5(%arg0: i32) -> (i32, i32) {
    %c0_i32 = arith.constant 0 : i32
    %c0_i32_0 = arith.constant 0 : i32
    return %arg0, %c0_i32 : i32, i32
  }
  func.func @transform_6(%arg0: i32) -> (i32, i32) {
    %c0_i32 = arith.constant 0 : i32
    %c0_i32_0 = arith.constant 0 : i32
    %c0_i32_1 = arith.constant 0 : i32
    return %c0_i32, %c0_i32_0 : i32, i32
  }
  func.func @transform_7(%arg0: i32) -> (i32, i32) {
    %c0_i32 = arith.constant 0 : i32
    %c0_i32_0 = arith.constant 0 : i32
    return %arg0, %c0_i32 : i32, i32
  }
  func.func @transform_8(%arg0: i32) -> (i32, i32) {
    %c0_i32 = arith.constant 0 : i32
    %c0_i32_0 = arith.constant 0 : i32
    return %arg0, %c0_i32 : i32, i32
  }
}

module attributes {stable_mosaic.version = 14 : i64} {
  func.func @_fin_body(%arg0: i32, %arg1: memref<1000x128xf32, #tpu.memory_space<vmem>>, %arg2: memref<1000x128xf32, #tpu.memory_space<vmem>>, %arg3: memref<1000x128xf32, #tpu.memory_space<vmem>>, %arg4: memref<1000x128xf32, #tpu.memory_space<vmem>>, %arg5: memref<1000x128xf32, #tpu.memory_space<vmem>>, %arg6: memref<1000x128xf32, #tpu.memory_space<vmem>>, %arg7: memref<1000x256xf32, #tpu.memory_space<vmem>>) attributes {dimension_semantics = [#tpu.dimension_semantics<arbitrary>], iteration_bounds = array<i64: 10>, scalar_prefetch = 0 : i64, scratch_operands = 0 : i64, tpu.core_type = #tpu.core_type<tc>, window_params = [{transform_indices = @transform_0, window_bounds = array<i64: 1000, 128>}, {transform_indices = @transform_1, window_bounds = array<i64: 1000, 128>}, {transform_indices = @transform_2, window_bounds = array<i64: 1000, 128>}, {transform_indices = @transform_3, window_bounds = array<i64: 1000, 128>}, {transform_indices = @transform_4, window_bounds = array<i64: 1000, 128>}, {transform_indices = @transform_5, window_bounds = array<i64: 1000, 128>}, {transform_indices = @transform_6, window_bounds = array<i64: 1000, 256>}]} {
    %get3A = arith.constant 0 : index
    %get3A_0 = arith.constant 0 : index
    %get3A_1 = vector.load %arg1[%get3A, %get3A_0] : memref<1000x128xf32, #tpu.memory_space<vmem>>, vector<1000x128xf32>
    %get3A_2 = arith.constant 0 : index
    %get3A_3 = arith.constant 0 : index
    %get3A_4 = vector.load %arg3[%get3A_2, %get3A_3] : memref<1000x128xf32, #tpu.memory_space<vmem>>, vector<1000x128xf32>
    %add3A = arith.addf %get3A_1, %get3A_4 : vector<1000x128xf32>
    %get3A_5 = arith.constant 0 : index
    %get3A_6 = arith.constant 0 : index
    %get3A_7 = vector.load %arg2[%get3A_5, %get3A_6] : memref<1000x128xf32, #tpu.memory_space<vmem>>, vector<1000x128xf32>
    %get3A_8 = arith.constant 0 : index
    %get3A_9 = arith.constant 0 : index
    %get3A_10 = vector.load %arg4[%get3A_8, %get3A_9] : memref<1000x128xf32, #tpu.memory_space<vmem>>, vector<1000x128xf32>
    %add3A_11 = arith.addf %get3A_7, %get3A_10 : vector<1000x128xf32>
    %concatenate3A = tpu.concatenate %add3A, %add3A_11 in 1 : vector<1000x128xf32>, vector<1000x128xf32> -> vector<1000x256xf32>
    %get3A_12 = arith.constant 0 : index
    %get3A_13 = arith.constant 0 : index
    %get3A_14 = vector.load %arg5[%get3A_12, %get3A_13] : memref<1000x128xf32, #tpu.memory_space<vmem>>, vector<1000x128xf32>
    %slice3A = vector.extract_strided_slice %get3A_14 {offsets = [0, 0], sizes = [1000, 1], strides = [1, 1]} : vector<1000x128xf32> to vector<1000x1xf32>
    %get3A_15 = arith.constant 0 : index
    %get3A_16 = arith.constant 0 : index
    %get3A_17 = vector.load %arg6[%get3A_15, %get3A_16] : memref<1000x128xf32, #tpu.memory_space<vmem>>, vector<1000x128xf32>
    %slice3A_18 = vector.extract_strided_slice %get3A_17 {offsets = [0, 0], sizes = [1000, 1], strides = [1, 1]} : vector<1000x128xf32> to vector<1000x1xf32>
    %add3A_19 = arith.addf %slice3A, %slice3A_18 : vector<1000x1xf32>
    %add3A_20 = arith.constant 1.000000e+00 : f32
    %add3A_21 = vector.broadcast %add3A_20 : f32 to vector<1000x1xf32>
    %add3A_22 = arith.addf %add3A_19, %add3A_21 : vector<1000x1xf32>
    %rsqrt3A = math.rsqrt %add3A_22 : vector<1000x1xf32>
    %mul3A = vector.broadcast %rsqrt3A : vector<1000x1xf32> to vector<1000x256xf32>
    %mul3A_23 = arith.mulf %concatenate3A, %mul3A : vector<1000x256xf32>
    %max3A = arith.constant 0.000000e+00 : f32
    %max3A_24 = vector.broadcast %max3A : f32 to vector<1000x256xf32>
    %max3A_25 = arith.maximumf %mul3A_23, %max3A_24 : vector<1000x256xf32>
    %swap3A = arith.constant 0 : index
    %swap3A_26 = arith.constant 0 : index
    %swap3A_27 = vector.load %arg7[%swap3A, %swap3A_26] : memref<1000x256xf32, #tpu.memory_space<vmem>>, vector<1000x256xf32>
    tpu.vector_store %arg7[%swap3A, %swap3A_26], %max3A_25 {strides = array<i32>} : memref<1000x256xf32, #tpu.memory_space<vmem>>, vector<1000x256xf32>,
    return
  }
  func.func @transform_0(%arg0: i32) -> (i32, i32) {
    %c0_i32 = arith.constant 0 : i32
    %c0_i32_0 = arith.constant 0 : i32
    return %arg0, %c0_i32 : i32, i32
  }
  func.func @transform_1(%arg0: i32) -> (i32, i32) {
    %c0_i32 = arith.constant 0 : i32
    %c0_i32_0 = arith.constant 0 : i32
    return %arg0, %c0_i32 : i32, i32
  }
  func.func @transform_2(%arg0: i32) -> (i32, i32) {
    %c0_i32 = arith.constant 0 : i32
    %c0_i32_0 = arith.constant 0 : i32
    return %arg0, %c0_i32 : i32, i32
  }
  func.func @transform_3(%arg0: i32) -> (i32, i32) {
    %c0_i32 = arith.constant 0 : i32
    %c0_i32_0 = arith.constant 0 : i32
    return %arg0, %c0_i32 : i32, i32
  }
  func.func @transform_4(%arg0: i32) -> (i32, i32) {
    %c0_i32 = arith.constant 0 : i32
    %c0_i32_0 = arith.constant 0 : i32
    return %arg0, %c0_i32 : i32, i32
  }
  func.func @transform_5(%arg0: i32) -> (i32, i32) {
    %c0_i32 = arith.constant 0 : i32
    %c0_i32_0 = arith.constant 0 : i32
    return %arg0, %c0_i32 : i32, i32
  }
  func.func @transform_6(%arg0: i32) -> (i32, i32) {
    %c0_i32 = arith.constant 0 : i32
    %c0_i32_0 = arith.constant 0 : i32
    return %arg0, %c0_i32 : i32, i32
  }
}

</mosaic_0001>

<sc_bundles>
// kernel: kernel.12.cloned.1.call-start
scs
__scs_entry_jumppad:
0x0: {  	(pc) =	sbr.rel $0x88, $3  }
0x1: {  	(tag) =	ssettag $0x0;
	lr =	simm.s32 $0x1  }
0x2: {  	[smem:$0x3F9D] =	sst lr;
	_ =	strace $0xD0000000  }
0x3: {  	_ = 	snop  }
0x4: {  	_ = 	snop  }
0x5: {  	_ = 	snop  }
0x6: {  	_ = 	snop  }
0x7: {  	_ = 	snop  }
__scs_overlays_trampoline_lowered:
0x8: {  	[smem:$0x3FAC] =	sst s0  }
0x9: {  	[smem:$0x3FAD] =	sst s1  }
0xa: {  	[smem:$0x3FAE] =	sst s2  }
0xb: {  	[smem:$0x3FAF] =	sst s3  }
0xc: {  	[smem:$0x3FB0] =	sst s4  }
0xd: {  	[smem:$0x3FB1] =	sst s5  }
0xe: {  	[smem:$0x3FB2] =	sst s6  }
0xf: {  	[smem:$0x3FB3] =	sst s7  }
0x10: {  	[smem:$0x3FB4] =	sst s8  }
0x11: {  	[smem:$0x3FB5] =	sst s9;
	s0 =	simm.s32 @!p0 $0x0  }
0x12: {  	s1 =	sld [smem:$0x3F9B];
	s0 =	simm.s32 @p0 $0x1  }
0x13: {  	[smem:$0x3FB6] =	sst s0;
	s0 =	simm.s32 @!p1 $0x0  }
0x14: {  	s2 =	sld [smem:$0x3F9A];
	s0 =	simm.s32 @p1 $0x1  }
0x15: {  	[smem:$0x3FB7] =	sst s0;
	s0 =	simm.s32 @!p2 $0x0  }
0x16: {  	s3 =	sld [smem:$0x3FDB];
	s0 =	simm.s32 @p2 $0x1  }
0x17: {  	s4 =	simm.s32 $0x1BF5;
	[smem:$0x3FB9] =	sst s0  }
0x18: {  	s0 =	sld [smem:$0x3F9C];
	_ =	swait.ge [sflag:s4], $0x0  }
0x19: {  	s7 =	sld [smem:$0x3F9D]  }
0x1a: {  	s8 =	sadd.s32 $0xFFFFE003, lr  }
0x1b: {  	s9 =	sadd.s32 $0xFFFFFEF7, lr;
	s5 =	simm.s32 $0xFFFFFFFF;
	p2 =	slt.u32 s8, $0xFFFFF086  }
0x1c: {  	p1 =	slt.u32 s9, $0xF7A;
	s5 =	simm.s32 @!p2 $0x0  }
0x1d: {  	s5 =	simm.s32 @p1 $0x1;
	p0 =	seq.s32 s7, s2  }
0x1e: {  	s7 =	smul.u32 @!p0 $0xF7A, s2;
	p2 =	seq.s32 @!p0 s5, $0x0  }
0x1f: {  	s9 =	smul.u32 $0xF7A, s1;
	s8 =	simm.s32 @!p0 $0x1BF5;
	p2 =	por !p2, p0  }
0x20: {  	[sflag:s8] =	ssyncset.s32 @!p0 $0xFFFFF086;
	s6 =	sadd.s32 @!p0 s3, s7;
	s7 =	simm.s32 @!p0 $0x108  }
0x21: {  	s3 =	sadd.s32 s3, s9;
	s6 =	sadd.s32 @!p0 $0x88, s6;
	s7 =	simm.s32 @p2 $0x1082  }
0x22: {  	[simem:s7], [sflag:s8] =	dma.local @!p0 [hbm:s6], $0xF7A  }
0x23: {  	s9 =	sor.u32 $0xD0000000, s2;
	s6 =	simm.s32 $0x108;
	_ =	swait.ge @!p0 [sflag:s8], $0x0  }
0x24: {  	s3 =	sadd.s32 $0x88, s3;
	s6 =	simm.s32 @!p1 $0x1082;
	[sflag:s4] =	ssyncset.s32 $0xFFFFF086  }
0x25: {  	[simem:s6], [sflag:s4] =	dma.local [hbm:s3], $0xF7A  }
0x26: {  	[smem:$0x3F9D] =	sst s1;
	(tag) =	ssettag s2;
	_ =	strace s9  }
0x27: {  	s1 =	sld [smem:$0x3FAD]  }
0x28: {  	s2 =	sld [smem:$0x3FAE]  }
0x29: {  	s4 =	sld [smem:$0x3FB0]  }
0x2a: {  	p0 =	seq.s32 s5, $0x0;
	s5 =	sld [smem:$0x3FB1]  }
0x2b: {  	s6 =	sld [smem:$0x3FB2]  }
0x2c: {  	s7 =	sld [smem:$0x3FB3]  }
0x2d: {  	s3 =	simm.s32 $0x108;
	s8 =	sld [smem:$0x3FB4]  }
0x2e: {  	s3 =	simm.s32 @!p0 $0x1082;
	s9 =	sld [smem:$0x3FB5]  }
0x2f: {  	lr =	sadd.s32 s0, s3;
	s0 =	sld [smem:$0x3FAC]  }
0x30: {  	s3 =	sld [smem:$0x3FAF]  }
0x31: {  	[smem:$0x3FB8] =	sst s10  }
0x32: {  	s10 =	sld [smem:$0x3FB6];
	_ =	sdelay $0x3  }
0x33: {  	p0 =	seq.s32 s10, $0x1;
	s10 =	sld [smem:$0x3FB8];
	_ =	sdelay $0x3  }
0x34: {  	[smem:$0x3FB8] =	sst s10  }
0x35: {  	s10 =	sld [smem:$0x3FB7];
	_ =	sdelay $0x3  }
0x36: {  	p1 =	seq.s32 s10, $0x1;
	s10 =	sld [smem:$0x3FB8];
	_ =	sdelay $0x3  }
0x37: {  	[smem:$0x3FB8] =	sst s10  }
0x38: {  	s10 =	sld [smem:$0x3FB9]  }
0x39: {  	_ = 	snop;
	(pc) =	sbr.ind lr, $3  }
0x3a: {  	_ = 	snop  }
0x3b: {  	_ = 	snop  }
0x3c: {  	p2 =	seq.s32 s10, $0x1;
	s10 =	sld [smem:$0x3FB8]  }
0x3d: {  	_ =	shalt  }
0x3e: {  	_ =	shalt  }
0x3f: {  	_ =	shalt  }
0x40: {  	_ =	shalt  }
0x41: {  	_ =	shalt  }
0x42: {  	_ =	shalt  }
0x43: {  	_ =	shalt  }
0x44: {  	_ =	shalt  }
0x45: {  	_ =	shalt  }
0x46: {  	_ =	shalt  }
0x47: {  	_ =	shalt  }
0x48: {  	_ =	shalt  }
0x49: {  	_ =	shalt  }
0x4a: {  	_ =	shalt  }
0x4b: {  	_ =	shalt  }
0x4c: {  	_ =	shalt  }
0x4d: {  	_ =	shalt  }
0x4e: {  	_ =	shalt  }
0x4f: {  	_ =	shalt  }
0x50: {  	_ =	shalt  }
0x51: {  	_ =	shalt  }
0x52: {  	_ =	shalt  }
0x53: {  	_ =	shalt  }
0x54: {  	_ =	shalt  }
0x55: {  	_ =	shalt  }
0x56: {  	_ =	shalt  }
0x57: {  	_ =	shalt  }
0x58: {  	_ =	shalt  }
0x59: {  	_ =	shalt  }
0x5a: {  	_ =	shalt  }
0x5b: {  	_ =	shalt  }
0x5c: {  	_ =	shalt  }
0x5d: {  	_ =	shalt  }
0x5e: {  	_ =	shalt  }
0x5f: {  	_ =	shalt  }
0x60: {  	_ =	shalt  }
0x61: {  	_ =	shalt  }
0x62: {  	_ =	shalt  }
0x63: {  	_ =	shalt  }
0x64: {  	_ =	shalt  }
0x65: {  	_ =	shalt  }
0x66: {  	_ =	shalt  }
0x67: {  	_ =	shalt  }
0x68: {  	_ =	shalt  }
0x69: {  	_ =	shalt  }
0x6a: {  	_ =	shalt  }
0x6b: {  	_ =	shalt  }
0x6c: {  	_ =	shalt  }
0x6d: {  	_ =	shalt  }
0x6e: {  	_ =	shalt  }
0x6f: {  	_ =	shalt  }
0x70: {  	_ =	shalt  }
0x71: {  	_ =	shalt  }
0x72: {  	_ =	shalt  }
0x73: {  	_ =	shalt  }
0x74: {  	_ =	shalt  }
0x75: {  	_ =	shalt  }
0x76: {  	_ =	shalt  }
0x77: {  	_ =	shalt  }
0x78: {  	_ =	shalt  }
0x79: {  	_ =	shalt  }
0x7a: {  	_ =	shalt  }
0x7b: {  	_ =	shalt  }
0x7c: {  	_ =	shalt  }
0x7d: {  	_ =	shalt  }
0x7e: {  	_ =	shalt  }
0x7f: {  	_ =	shalt  }
0x80: {  	_ =	shalt  }
0x81: {  	_ =	shalt  }
0x82: {  	_ =	shalt  }
0x83: {  	_ =	shalt  }
0x84: {  	_ =	shalt  }
0x85: {  	_ =	shalt  }
0x86: {  	_ =	shalt  }
0x87: {  	_ =	shalt  }
.Lfunc_end0:
.L_simem_size_0:
called_computation.1_lowered:
.L_overlay_start_0:
0x88: {  	s2 =	sld [smem:$0x3FD9]  }
0x89: {  	s3 =	sld [smem:$0x3FFE];
	_ =	sdelay $0x1  }
0x8a: {  	s1 =	srdreg.scid  }
0x8b: {  	s0 =	sand.u32 $0x1, s1  }
0x8c: {  	s17 =	sshll.u32 s0, $0xA;
	s2 =	sadd.s32 s3, s2  }
0x8d: {  	s2 =	sadd.s32 s2, s17  }
0x8e: {  	[smem:$0x3FC4] =	sst s2  }
0x8f: {  	_ = 	snop  }
0x90: {  	s2 =	sld [smem:$0x3FD0];
	(tm) =	ssettm $0x1  }
0x91: {  	s18 =	sld [smem:$0x3FFB];
	_ =	sdelay $0x3  }
0x92: {  	_ =	strace s18  }
0x93: {  	s3 =	sld [smem:$0x3FFC];
	_ =	sdelay $0x3  }
0x94: {  	_ =	strace s3  }
0x95: {  	s3 =	sld [smem:$0x3FFD];
	_ =	sdelay $0x3  }
0x96: {  	_ =	strace s3  }
0x97: {  	_ =	strace $0x8FFFFFFF  }
0x98: {  	s19 =	sld [smem:$0x3FDB];
	_ =	sdelay $0x1  }
0x99: {  	s4 =	simm.s32 $_scs_section_size  }
0x9a: {  	s5 =	simm.s32 $_size__tile_overlayer_lowered;
	s6 =	simm.s32 $_tile_overlayer_lowered  }
0x9b: {  	s22 =	simm.s32 $0x1BFF;
	s21 =	sshll.u32 s6, $0x1;
	s3 =	sadd.s32 s4, s19  }
0x9c: {  	s7 =	simm.s32 $0x0;
	s20 =	sshll.u32 s5, $0x1;
	s5 =	sadd.s32 s21, s3  }
0x9d: {  	[timem:s7], [sflag:s22] =	dma.local [hbm:s5], s20  }
0x9e: {  	_ =	swait.ge [sflag:s22], s20  }
0x9f: {  	s4 =	ssub.s32 $0x0, s20;
	[sflag:s22] =	ssyncset.done $0x0  }
0xa0: {  	[sflag:s22] =	ssyncadd.s32 s4;
	_ =	sdelay $0x1  }
0xa1: {  	s23 =	simm.s32 $0x1B8B  }
0xa2: {  	_ =	swait.ge [sflag:s23], $0x1  }
0xa3: {  	[sflag:s23] =	ssyncset.done $0x0  }
0xa4: {  	s25 =	simm.s32 $0x1B8E;
	s24 =	sld [smem:$0x3FFE];
	[sflag:s23] =	ssyncadd.s32 $0xFFFFFFFF  }
0xa5: {  	s26 =	simm.s32 $execute0_lowered;
	[smem:$0x3FD2] =	sst s25  }
0xa6: {  	s5 =	sshll.u32 s26, $0x1;
	_ =	strace $0x80000049;
	[dreg:$0x1] =	wrdreg $0xFFFFFFFF  }
0xa7: {  	s28 =	simm.s32 $_size_execute0_lowered;
	s3 =	sadd.s32 s3, s5;
	[dreg:$0x0] =	wrdreg $0x0  }
0xa8: {  	s5 =	sshll.u32 s28, $0x1;
	[dreg:$0x2] =	wrdreg s3  }
0xa9: {  	[dreg:$0x3] =	wrdreg s5  }
0xaa: {  	[dreg:$0x4] =	wrdreg $0xC0  }
0xab: {  	_ =	task [dreg:s7], $0x5FFFF  }
0xac: {  	[dreg:$0x1] =	wrdreg $0xFFFFFFFF  }
0xad: {  	[dreg:$0x0] =	wrdreg $0x60  }
0xae: {  	[dreg:$0x2] =	wrdreg s24  }
0xaf: {  	[dreg:$0x3] =	wrdreg s2  }
0xb0: {  	[dreg:$0x4] =	wrdreg $0x82000  }
0xb1: {  	[dreg:$0x5] =	wrdreg $0x9  }
0xb2: {  	_ =	task.clear_ibuf [dreg:s7], $0x6FFFF;
	_ =	strace $0x90000049  }
0xb3: {  	s29 =	simm.s32 $0x9;
	_ =	strace $0x8000004B  }
0xb4: {  	_ =	swait.ge [sflag:s29], $0x1  }
0xb5: {  	[sflag:s29] =	ssyncadd.s32 $0xFFFFFFFF  }
0xb6: {  	_ =	strace $0x9000004B  }
0xb7: {  	_ =	sfence  }
0xb8: {  	s30 =	sld [smem:$0x0];
	_ =	sdelay $0x2  }
0xb9: {  	s31 =	sshll.u32 s1, $0xD;
	s1 =	sshrl.u32 s1, $0x2  }
0xba: {  	s3 =	sand.u32 $0x4000, s31;
	s1 =	sadd.s32 s1, s30  }
0xbb: {  	s0 =	sor.u32 s3, s0;
	s1 =	sshll.u32 s1, $0x11  }
0xbc: {  	s0 =	sor.u32 s1, s0  }
0xbd: {  	s0 =	sadd.s32 $0x8F2B, s0  }
0xbe: {  	[sflag:s0] =	ssyncadd.remote.s32 $0x1  }
0xbf: {  	_ =	sfence.sel $0xFFFF  }
0xc0: {  	[dreg:$0x0] =	wrdreg $0xFFFFFFFF;
	(pc) =	sbr.abs _section_cstart, $3  }
0xc1: {  	[dreg:$0x1] =	wrdreg $0xFFFFFFFF  }
0xc2: {  	_ =	task.clear_ibuf [dreg:s7], $0x2FFFF;
	_ =	strace $0x9FFFFFFF  }
0xc3: {  	(tm) =	ssettm $0x7FFFFFFF  }
tec
execute0_lowered:
.L_overlay_start_1:
0x0: {  	(tag) =	ssettag $0x1  }
0x1: {  	s0 =	rddreg [dreg:$0x0]  }
0x2: {  	s1 =	rddreg [dreg:$0x1]  }
0x3: {  	s2 =	rddreg [dreg:$0x2];
	s3 =	simm.s32 $0x0  }
0x4: {  	s5 =	srdreg.scid;
	s4 =	stileid.u32;
	s20 =	simm.s32 $0x100  }
0x5: {  	s21 =	simm.s32 $0x80;
	s22 =	simm.s32 $0x200;
	s23 =	simm.s32 $0x180  }
0x6: {  	s28 =	simm.s32 $0x2;
	s29 =	simm.s32 $0x3;
	s30 =	simm.s32 $0x0  }
0x7: {  	[smem:$0x7FF] =	sst s3;
	s15 =	sadd.s32 $0x3200, s0;
	s19 =	sand.u32 $0x1, s5  }
0x8: {  	s16 =	sadd.s32 $0x8200, s0;
	s7 =	smul.u32 $0x3E80, s4;
	s5 =	sadd.s32 $0x5FE00, s0  }
0x9: {  	s10 =	smul.u32 $0x7D000, s4;
	s6 =	sadd.s32 $0xDA00, s0;
	p0 =	slt.u32 s4, $0xA  }
0xa: {  	s25 =	sshll.u32 s4, $0x4;
	s31 =	sor.u32 $0x4C0, s4;
	p3 =	sgt.u32 s4, $0x9  }
0xb: {  	_ =	strace $0x8000004A;
	s8 =	ssub.s32 $0x2, s19;
	[dreg:$0x4] =	wrdreg s6  }
0xc: {  	p1 =	seq.s32 s19, $0x0;
	s11 =	sor.u32 $0x100, s25;
	p2 =	seq.s32 s19, $0x1  }
0xd: {  	s17 =	sshll.u32 s31, $0x4;
	s18 =	sshll.u32 @!p3 s4, $0x6;
	p4 =	sne.s32 s19, $0x0  }
0xe: {  	s19 =	simm.s32 $0x5;
	p5 =	sgt.u32 s31, $0x4C1;
	s9 =	sshrl.u32 s8, $0x1  }
0xf: {  	s0 =	sadd.s32 s7, s0;
	s24 =	sshrl.u32 s10, $0x2;
	s26 =	sadd.s32 s15, s11  }
0x10: {  	s11 =	sadd.s32 s16, s11;
	p1 =	por !p1, !p0;
	s6 =	simm.s32 @!p2 $0x0  }
0x11: {  	p0 =	por !p0, !p2;
	s17 =	sor.u32 $0x200, s17;
	s14 =	ssub.s32 s8, s9  }
0x12: {  	s7 =	sadd.s32 s24, s2;
	s8 =	sadd.s32 s15, s25;
	s9 =	sadd.s32 s16, s25  }
0x13: {  	[dreg:$0x5] =	wrdreg s26;
	p1 =	por !p1, !p1;
	s12 =	sadd.s32 $0x87000, s0  }
.Ltmp0:
0x14: {  	s6 =	simm.s32 @p2 $0x1;
	p2 =	por !p0, !p0;
	(pc) =	sbr.rel .LBB2_1-.Ltmp0, $4  }
0x15: {  	s13 =	sadd.s32 $0xAE200, s0;
	s25 =	sor.u32 $0x4E0, s4;
	s15 =	sadd.s32 s15, s17  }
0x16: {  	s16 =	sadd.s32 s16, s17;
	s17 =	sor.u32 @!p3 $0x1C05, s18;
	s24 =	simm.s32 $0x1  }
0x17: {  	s26 =	simm.s32 $0x4200;
	[smem:$0x7FD] =	sst s6;
	s14 =	smax.u32 s14, $0x1  }
0x18: {  	s18 =	sshrl.u32 @!p3 s7, $0x3;
	p6 =	sgt.u32 s25, $0x4E1;
	s25 =	simm.s32 $0x4  }
.LBB2_8:
0x19: {  	[tilespmem:s23], [sflag:$0x4] =	stream.linear.gather [hbm4b:s0+s3], $0x80, $0x38;
	[tilespmem:$0x1BA80] =	vst v63  }
0x1a: {  	_ =	swait.ge [sflag:s24], $0x4000  }
0x1b: {  	[sflag:s24] =	ssyncset.done $0x0  }
0x1c: {  	[sflag:s24] =	ssyncadd.s32 $0xFFFFC000  }
0x1d: {  	_ =	swait.ge [sflag:s25], $0x80  }
0x1e: {  	[sflag:s25] =	ssyncset.done $0x0  }
0x1f: {  	[sflag:s25] =	ssyncadd.s32 $0xFFFFFF80  }
0x20: {  	_ =	swait.ge [sflag:s25], $0x80  }
0x21: {  	[sflag:s25] =	ssyncset.done $0x0  }
0x22: {  	[sflag:s25] =	ssyncadd.s32 $0xFFFFFF80  }
0x23: {  	[tilespmem:s26], [sflag:$0x2] =	stream.indirect.gather [hbm4b:s5+s21], $0x80, s21, s21, $0xb8;
	[tilespmem:$0x1BA80] =	vst v63  }
0x24: {  	_ = 	snop  }
0x25: {  	[spmem:s2] =	stream.indirect.scatter.add.f32 [tilespmem:s22], [sflag:$0x5], $0x80, s20, s21, $0xb8;
	[tilespmem:$0x1BA80] =	vst v63  }
0x26: {  	_ =	swait.ge [sflag:s19], $0x4000  }
0x27: {  	[sflag:s19] =	ssyncset.done $0x0  }
0x28: {  	s0 =	simm.s32 @!p5 $0x0;
	[sflag:s19] =	ssyncadd.s32 $0xFFFFC000  }
0x29: {  	[tilespmem:s0], [sflag:$0x3] =	stream.linear.gather @!p5 [hbm4b:s15+s0], $0x80, $0x38;
	[tilespmem:$0x1BA80] =	vst v63  }
0x2a: {  	s6 =	simm.s32 @!p5 $0x100  }
0x2b: {  	[tilespmem:s6], [sflag:$0x3] =	stream.linear.gather @!p5 [hbm4b:s16+s0], $0x80, $0x38;
	[tilespmem:$0x1BA80] =	vst v63  }
0x2c: {  	_ =	swait.ge [sflag:s28], $0x4000  }
0x2d: {  	[sflag:s28] =	ssyncset.done $0x0  }
0x2e: {  	s6 =	simm.s32 @!p5 $0x3;
	[sflag:s28] =	ssyncadd.s32 $0xFFFFC000  }
0x2f: {  	_ =	swait.ge @!p5 [sflag:s6], $0x80  }
0x30: {  	[sflag:s6] =	ssyncset.done @!p5 $0x0  }
0x31: {  	[sflag:s6] =	ssyncadd.s32 @!p5 $0xFFFFFF80  }
0x32: {  	_ =	swait.ge @!p5 [sflag:s6], $0x80  }
0x33: {  	[sflag:s6] =	ssyncset.done @!p5 $0x0  }
0x34: {  	s10 =	simm.s32 @!p5 $0x200;
	[sflag:s6] =	ssyncadd.s32 @!p5 $0xFFFFFF80;
	s6 =	simm.s32 @!p5 $0x80  }
0x35: {  	[tilespmem:s10], [sflag:$0x1] =	stream.indirect.gather @!p5 [hbm4b:s5+s6], $0x80, s0, s6, $0xb8;
	[tilespmem:$0x1BA80] =	vst v63  }
0x36: {  	_ = 	snop  }
0x37: {  	[spmem:s2] =	stream.indirect.scatter.add.f32 [tilespmem:s26], [sflag:$0x5], $0x80, s23, s21, $0xb8;
	[tilespmem:$0x1BA80] =	vst v63  }
0x38: {  	_ =	swait.ge [sflag:s19], $0x4000  }
0x39: {  	[sflag:s19] =	ssyncset.done $0x0  }
0x3a: {  	s0 =	simm.s32 @!p6 $0x1;
	[sflag:s19] =	ssyncadd.s32 $0xFFFFC000  }
0x3b: {  	_ =	swait.ge @!p6 [sflag:s0], $0x4000  }
0x3c: {  	s6 =	simm.s32 @!p6 $0x100;
	[sflag:s0] =	ssyncset.done @!p6 $0x0  }
0x3d: {  	s10 =	simm.s32 @!p6 $0x200;
	[sflag:s0] =	ssyncadd.s32 @!p6 $0xFFFFC000;
	s0 =	simm.s32 @!p6 $0x80  }
0x3e: {  	[spmem:s2] =	stream.indirect.scatter.add.f32 @!p6 [tilespmem:s10], [sflag:$0x5], $0x80, s6, s0, $0xb8;
	[tilespmem:$0x1BA80] =	vst v63  }
0x3f: {  	s0 =	simm.s32 @!p6 $0x5  }
0x40: {  	_ =	swait.ge @!p6 [sflag:s0], $0x4000  }
0x41: {  	[sflag:s0] =	ssyncset.done @!p6 $0x0  }
0x42: {  	[sflag:s0] =	ssyncadd.s32 @!p6 $0xFFFFC000  }
.LBB2_9:
0x43: {  	s0 =	sshll.u32 @p1 s4, $0x6  }
0x44: {  	[bflag:$0x0] =	sbarrier.arrive $0xFFFF;
	s6 =	sshrl.u32 @p1 s7, $0x3;
	s0 =	sor.u32 @p1 $0x1C05, s0  }
0x45: {  	[hbm:s12], [sflag:s0] =	dma.local @p1 [spmem:s6], $0x3E80  }
0x46: {  	s0 =	simm.s32 @p1 $0x5  }
0x47: {  	s30 =	sadd.s32 $0x1, s30;
	_ =	swait.ge @p1 [sflag:s0], $0x3E80  }
0x48: {  	p0 =	sne.s32 s30, s14;
	s6 =	sshll.u32 @p2 s4, $0x6;
	[sflag:s0] =	ssyncset.done @p1 $0x0  }
0x49: {  	[sflag:s0] =	ssyncadd.s32 @p1 $0xFFFFC180;
	s0 =	sor.u32 @p2 $0x1C05, s6;
	s6 =	sshrl.u32 @p2 s7, $0x3  }
0x4a: {  	[hbm:s13], [sflag:s0] =	dma.local @p2 [spmem:s6], $0x3E80  }
.Ltmp1:
0x4b: {  	_ = 	snop;
	(pc) =	sbr.rel @!p0 .LBB2_10-.Ltmp1, $4  }
0x4c: {  	s0 =	simm.s32 @p2 $0x5  }
0x4d: {  	_ =	swait.ge @p2 [sflag:s0], $0x3E80  }
0x4e: {  	[sflag:s0] =	ssyncset.done @p2 $0x0  }
0x4f: {  	[sflag:s0] =	ssyncadd.s32 @p2 $0xFFFFC180  }
.LBB2_1:
0x50: {  	s0 =	rddreg [dreg:$0x4]  }
0x51: {  	[spmem:s18], [sflag:s17] =	dma.local @!p3 [hbm:s0], $0x3E80  }
0x52: {  	s0 =	simm.s32 @!p3 $0x5  }
.Ltmp2:
0x53: {  	_ =	swait.ge @!p3 [sflag:s0], $0x3E80;
	(pc) =	sbr.rel @p4 .LBB2_5-.Ltmp2, $3  }
0x54: {  	[sflag:s0] =	ssyncset.done @!p3 $0x0  }
0x55: {  	[sflag:s0] =	ssyncadd.s32 @!p3 $0xFFFFC180  }
0x56: {  	[bflag:$0x0] =	sbarrier.arrive $0xFFFF;
	_ =	sdelay $0x1  }
0x57: {  	[tilespmem:s3], [sflag:$0x5] =	stream.linear.gather [hbm4b:s8+s3], $0x80, $0x38;
	[tilespmem:$0x1BA80] =	vst v63  }
0x58: {  	_ =	swait.ge [sflag:s19], $0x80  }
0x59: {  	[sflag:s19] =	ssyncset.done $0x0  }
0x5a: {  	[sflag:s19] =	ssyncadd.s32 $0xFFFFFF80  }
0x5b: {  	[tilespmem:s20], [sflag:$0x5] =	stream.linear.gather [hbm4b:s9+s3], $0x80, $0x38;
	[tilespmem:$0x1BA80] =	vst v63  }
0x5c: {  	_ =	swait.ge [sflag:s19], $0x80  }
0x5d: {  	[sflag:s19] =	ssyncset.done $0x0  }
0x5e: {  	[sflag:s19] =	ssyncadd.s32 $0xFFFFFF80  }
0x5f: {  	[tilespmem:s22], [sflag:$0x1] =	stream.indirect.gather [hbm4b:s1+s21], $0x80, s3, s21, $0xb8;
	[tilespmem:$0x1BA80] =	vst v63  }
0x60: {  	s0 =	rddreg [dreg:$0x5]  }
0x61: {  	[tilespmem:s21], [sflag:$0x4] =	stream.linear.gather [hbm4b:s0+s3], $0x80, $0x38;
	[tilespmem:$0x1BA80] =	vst v63  }
0x62: {  	_ = 	snop  }
0x63: {  	[tilespmem:s23], [sflag:$0x4] =	stream.linear.gather [hbm4b:s11+s3], $0x80, $0x38;
	[tilespmem:$0x1BA80] =	vst v63  }
0x64: {  	_ =	swait.ge [sflag:s24], $0x4000  }
0x65: {  	[sflag:s24] =	ssyncset.done $0x0  }
0x66: {  	[sflag:s24] =	ssyncadd.s32 $0xFFFFC000  }
0x67: {  	_ =	swait.ge [sflag:s25], $0x80  }
0x68: {  	[sflag:s25] =	ssyncset.done $0x0  }
0x69: {  	[sflag:s25] =	ssyncadd.s32 $0xFFFFFF80  }
0x6a: {  	_ =	swait.ge [sflag:s25], $0x80  }
0x6b: {  	[sflag:s25] =	ssyncset.done $0x0  }
0x6c: {  	[sflag:s25] =	ssyncadd.s32 $0xFFFFFF80  }
0x6d: {  	[tilespmem:s26], [sflag:$0x2] =	stream.indirect.gather [hbm4b:s1+s21], $0x80, s21, s21, $0xb8;
	[tilespmem:$0x1BA80] =	vst v63  }
0x6e: {  	_ = 	snop  }
0x6f: {  	[spmem:s2] =	stream.indirect.scatter.add.f32 [tilespmem:s22], [sflag:$0x5], $0x80, s20, s21, $0xb8;
	[tilespmem:$0x1BA80] =	vst v63  }
0x70: {  	_ =	swait.ge [sflag:s19], $0x4000  }
0x71: {  	s10 =	sadd.s32 $0xFFFFB400, s8;
	[sflag:s19] =	ssyncset.done $0x0  }
0x72: {  	s6 =	sadd.s32 $0xFFFFB400, s9;
	s31 =	sadd.s32 $0x4E00, s10;
	[sflag:s19] =	ssyncadd.s32 $0xFFFFC000  }
0x73: {  	[tilespmem:s3], [sflag:$0x3] =	stream.linear.gather [hbm4b:s31+s3], $0x80, $0x38;
	[tilespmem:$0x1BA80] =	vst v63  }
0x74: {  	s31 =	sadd.s32 $0x4E00, s6  }
0x75: {  	[tilespmem:s20], [sflag:$0x3] =	stream.linear.gather [hbm4b:s31+s3], $0x80, $0x38;
	[tilespmem:$0x1BA80] =	vst v63  }
0x76: {  	_ =	swait.ge [sflag:s28], $0x4000  }
0x77: {  	[sflag:s28] =	ssyncset.done $0x0  }
0x78: {  	[sflag:s28] =	ssyncadd.s32 $0xFFFFC000  }
0x79: {  	_ =	swait.ge [sflag:s29], $0x80  }
0x7a: {  	[sflag:s29] =	ssyncset.done $0x0  }
0x7b: {  	[sflag:s29] =	ssyncadd.s32 $0xFFFFFF80  }
0x7c: {  	_ =	swait.ge [sflag:s29], $0x80  }
0x7d: {  	[sflag:s29] =	ssyncset.done $0x0  }
0x7e: {  	[sflag:s29] =	ssyncadd.s32 $0xFFFFFF80  }
0x7f: {  	[tilespmem:s22], [sflag:$0x1] =	stream.indirect.gather [hbm4b:s1+s21], $0x80, s3, s21, $0xb8;
	[tilespmem:$0x1BA80] =	vst v63  }
0x80: {  	_ = 	snop  }
0x81: {  	[spmem:s2] =	stream.indirect.scatter.add.f32 [tilespmem:s26], [sflag:$0x5], $0x80, s23, s21, $0xb8;
	[tilespmem:$0x1BA80] =	vst v63  }
0x82: {  	_ =	swait.ge [sflag:s19], $0x4000  }
0x83: {  	[sflag:s19] =	ssyncset.done $0x0  }
0x84: {  	s0 =	sadd.s32 $0x4F00, s10;
	[sflag:s19] =	ssyncadd.s32 $0xFFFFC000  }
0x85: {  	[tilespmem:s21], [sflag:$0x4] =	stream.linear.gather [hbm4b:s0+s3], $0x80, $0x38;
	[tilespmem:$0x1BA80] =	vst v63  }
0x86: {  	s31 =	simm.s32 $0xFFFFB600;
	s0 =	sadd.s32 $0x4F00, s6  }
.LBB2_3:
0x87: {  	[tilespmem:s23], [sflag:$0x4] =	stream.linear.gather [hbm4b:s0+s3], $0x80, $0x38;
	[tilespmem:$0x1BA80] =	vst v63  }
0x88: {  	s0 =	smov.u32 s31  }
0x89: {  	p0 =	sne.s32 s31, $0xFFFFFE00;
	s31 =	sadd.s32 $0x200, s31;
	_ =	swait.ge [sflag:s24], $0x4000  }
0x8a: {  	[sflag:s24] =	ssyncset.done $0x0  }
0x8b: {  	[sflag:s24] =	ssyncadd.s32 $0xFFFFC000  }
0x8c: {  	_ =	swait.ge [sflag:s25], $0x80  }
0x8d: {  	[sflag:s25] =	ssyncset.done $0x0  }
0x8e: {  	[sflag:s25] =	ssyncadd.s32 $0xFFFFFF80  }
0x8f: {  	_ =	swait.ge [sflag:s25], $0x80  }
0x90: {  	[sflag:s25] =	ssyncset.done $0x0  }
0x91: {  	[sflag:s25] =	ssyncadd.s32 $0xFFFFFF80  }
0x92: {  	[tilespmem:s26], [sflag:$0x2] =	stream.indirect.gather [hbm4b:s1+s21], $0x80, s21, s21, $0xb8;
	[tilespmem:$0x1BA80] =	vst v63  }
0x93: {  	_ = 	snop  }
0x94: {  	[spmem:s2] =	stream.indirect.scatter.add.f32 [tilespmem:s22], [sflag:$0x5], $0x80, s20, s21, $0xb8;
	[tilespmem:$0x1BA80] =	vst v63  }
0x95: {  	_ =	swait.ge [sflag:s19], $0x4000  }
0x96: {  	s6 =	sadd.s32 s0, s8;
	[sflag:s19] =	ssyncset.done $0x0  }
0x97: {  	s0 =	sadd.s32 s0, s9;
	s10 =	sadd.s32 $0x4E00, s6;
	[sflag:s19] =	ssyncadd.s32 $0xFFFFC000  }
0x98: {  	[tilespmem:s3], [sflag:$0x3] =	stream.linear.gather [hbm4b:s10+s3], $0x80, $0x38;
	[tilespmem:$0x1BA80] =	vst v63  }
0x99: {  	s10 =	sadd.s32 $0x4E00, s0  }
0x9a: {  	[tilespmem:s20], [sflag:$0x3] =	stream.linear.gather [hbm4b:s10+s3], $0x80, $0x38;
	[tilespmem:$0x1BA80] =	vst v63  }
0x9b: {  	_ =	swait.ge [sflag:s28], $0x4000  }
0x9c: {  	[sflag:s28] =	ssyncset.done $0x0  }
0x9d: {  	[sflag:s28] =	ssyncadd.s32 $0xFFFFC000  }
0x9e: {  	_ =	swait.ge [sflag:s29], $0x80  }
0x9f: {  	[sflag:s29] =	ssyncset.done $0x0  }
0xa0: {  	[sflag:s29] =	ssyncadd.s32 $0xFFFFFF80  }
0xa1: {  	_ =	swait.ge [sflag:s29], $0x80  }
0xa2: {  	[sflag:s29] =	ssyncset.done $0x0  }
0xa3: {  	[sflag:s29] =	ssyncadd.s32 $0xFFFFFF80  }
0xa4: {  	[tilespmem:s22], [sflag:$0x1] =	stream.indirect.gather [hbm4b:s1+s21], $0x80, s3, s21, $0xb8;
	[tilespmem:$0x1BA80] =	vst v63  }
0xa5: {  	_ = 	snop  }
0xa6: {  	[spmem:s2] =	stream.indirect.scatter.add.f32 [tilespmem:s26], [sflag:$0x5], $0x80, s23, s21, $0xb8;
	[tilespmem:$0x1BA80] =	vst v63  }
.Ltmp3:
0xa7: {  	_ =	swait.ge [sflag:s19], $0x4000;
	(pc) =	sbr.rel @p0 .LBB2_3-.Ltmp3, $4  }
0xa8: {  	[sflag:s19] =	ssyncset.done $0x0  }
0xa9: {  	s6 =	sadd.s32 $0x4F00, s6;
	[sflag:s19] =	ssyncadd.s32 $0xFFFFC000  }
0xaa: {  	[tilespmem:s21], [sflag:$0x4] =	stream.linear.gather [hbm4b:s6+s3], $0x80, $0x38;
	[tilespmem:$0x1BA80] =	vst v63  }
0xab: {  	s0 =	sadd.s32 $0x4F00, s0  }
0xac: {  	[tilespmem:s23], [sflag:$0x4] =	stream.linear.gather [hbm4b:s0+s3], $0x80, $0x38;
	[tilespmem:$0x1BA80] =	vst v63  }
0xad: {  	_ =	swait.ge [sflag:s24], $0x4000  }
0xae: {  	[sflag:s24] =	ssyncset.done $0x0  }
0xaf: {  	[sflag:s24] =	ssyncadd.s32 $0xFFFFC000  }
0xb0: {  	_ =	swait.ge [sflag:s25], $0x80  }
0xb1: {  	[sflag:s25] =	ssyncset.done $0x0  }
0xb2: {  	[sflag:s25] =	ssyncadd.s32 $0xFFFFFF80  }
0xb3: {  	_ =	swait.ge [sflag:s25], $0x80  }
0xb4: {  	[sflag:s25] =	ssyncset.done $0x0  }
0xb5: {  	[sflag:s25] =	ssyncadd.s32 $0xFFFFFF80  }
0xb6: {  	[tilespmem:s26], [sflag:$0x2] =	stream.indirect.gather [hbm4b:s1+s21], $0x80, s21, s21, $0xb8;
	[tilespmem:$0x1BA80] =	vst v63  }
0xb7: {  	_ = 	snop  }
0xb8: {  	[spmem:s2] =	stream.indirect.scatter.add.f32 [tilespmem:s22], [sflag:$0x5], $0x80, s20, s21, $0xb8;
	[tilespmem:$0x1BA80] =	vst v63  }
0xb9: {  	_ =	swait.ge [sflag:s19], $0x4000  }
0xba: {  	[sflag:s19] =	ssyncset.done $0x0  }
0xbb: {  	s0 =	simm.s32 @!p5 $0x0;
	[sflag:s19] =	ssyncadd.s32 $0xFFFFC000  }
0xbc: {  	[tilespmem:s0], [sflag:$0x3] =	stream.linear.gather @!p5 [hbm4b:s15+s0], $0x80, $0x38;
	[tilespmem:$0x1BA80] =	vst v63  }
0xbd: {  	s6 =	simm.s32 @!p5 $0x100  }
0xbe: {  	[tilespmem:s6], [sflag:$0x3] =	stream.linear.gather @!p5 [hbm4b:s16+s0], $0x80, $0x38;
	[tilespmem:$0x1BA80] =	vst v63  }
0xbf: {  	_ =	swait.ge [sflag:s28], $0x4000  }
0xc0: {  	[sflag:s28] =	ssyncset.done $0x0  }
0xc1: {  	s6 =	simm.s32 @!p5 $0x3;
	[sflag:s28] =	ssyncadd.s32 $0xFFFFC000  }
0xc2: {  	_ =	swait.ge @!p5 [sflag:s6], $0x80  }
0xc3: {  	[sflag:s6] =	ssyncset.done @!p5 $0x0  }
0xc4: {  	[sflag:s6] =	ssyncadd.s32 @!p5 $0xFFFFFF80  }
0xc5: {  	_ =	swait.ge @!p5 [sflag:s6], $0x80  }
0xc6: {  	[sflag:s6] =	ssyncset.done @!p5 $0x0  }
0xc7: {  	s10 =	simm.s32 @!p5 $0x200;
	[sflag:s6] =	ssyncadd.s32 @!p5 $0xFFFFFF80;
	s6 =	simm.s32 @!p5 $0x80  }
0xc8: {  	[tilespmem:s10], [sflag:$0x1] =	stream.indirect.gather @!p5 [hbm4b:s1+s6], $0x80, s0, s6, $0xb8;
	[tilespmem:$0x1BA80] =	vst v63  }
0xc9: {  	_ = 	snop  }
0xca: {  	[spmem:s2] =	stream.indirect.scatter.add.f32 [tilespmem:s26], [sflag:$0x5], $0x80, s23, s21, $0xb8;
	[tilespmem:$0x1BA80] =	vst v63  }
0xcb: {  	_ =	swait.ge [sflag:s19], $0x4000  }
0xcc: {  	[sflag:s19] =	ssyncset.done $0x0  }
0xcd: {  	s0 =	simm.s32 @!p6 $0x1;
	[sflag:s19] =	ssyncadd.s32 $0xFFFFC000  }
0xce: {  	_ =	swait.ge @!p6 [sflag:s0], $0x4000  }
0xcf: {  	s6 =	simm.s32 @!p6 $0x100;
	[sflag:s0] =	ssyncset.done @!p6 $0x0  }
0xd0: {  	s10 =	simm.s32 @!p6 $0x200;
	[sflag:s0] =	ssyncadd.s32 @!p6 $0xFFFFC000;
	s0 =	simm.s32 @!p6 $0x80  }
0xd1: {  	[spmem:s2] =	stream.indirect.scatter.add.f32 @!p6 [tilespmem:s10], [sflag:$0x5], $0x80, s6, s0, $0xb8;
	[tilespmem:$0x1BA80] =	vst v63  }
0xd2: {  	s0 =	simm.s32 @!p6 $0x5  }
0xd3: {  	_ =	swait.ge @!p6 [sflag:s0], $0x4000  }
0xd4: {  	[sflag:s0] =	ssyncset.done @!p6 $0x0  }
0xd5: {  	[sflag:s0] =	ssyncadd.s32 @!p6 $0xFFFFC000  }
.LBB2_5:
0xd6: {  	s0 =	sld [smem:$0x7FD];
	_ =	sdelay $0x2  }
0xd7: {  	p0 =	seq.s32 s0, $0x1  }
.Ltmp4:
0xd8: {  	_ = 	snop;
	(pc) =	sbr.rel @!p0 .LBB2_9-.Ltmp4, $1  }
0xd9: {  	_ =	sdelay $0x3  }
0xda: {  	[tilespmem:s3], [sflag:$0x5] =	stream.linear.gather [hbm4b:s8+s3], $0x80, $0x38;
	[tilespmem:$0x1BA80] =	vst v63  }
0xdb: {  	_ =	swait.ge [sflag:s19], $0x80  }
0xdc: {  	[sflag:s19] =	ssyncset.done $0x0  }
0xdd: {  	[sflag:s19] =	ssyncadd.s32 $0xFFFFFF80  }
0xde: {  	[tilespmem:s20], [sflag:$0x5] =	stream.linear.gather [hbm4b:s9+s3], $0x80, $0x38;
	[tilespmem:$0x1BA80] =	vst v63  }
0xdf: {  	_ =	swait.ge [sflag:s19], $0x80  }
0xe0: {  	[sflag:s19] =	ssyncset.done $0x0  }
0xe1: {  	[sflag:s19] =	ssyncadd.s32 $0xFFFFFF80  }
0xe2: {  	[tilespmem:s22], [sflag:$0x1] =	stream.indirect.gather [hbm4b:s5+s21], $0x80, s3, s21, $0xb8;
	[tilespmem:$0x1BA80] =	vst v63  }
0xe3: {  	s0 =	rddreg [dreg:$0x5]  }
0xe4: {  	[tilespmem:s21], [sflag:$0x4] =	stream.linear.gather [hbm4b:s0+s3], $0x80, $0x38;
	[tilespmem:$0x1BA80] =	vst v63  }
0xe5: {  	_ = 	snop  }
0xe6: {  	[tilespmem:s23], [sflag:$0x4] =	stream.linear.gather [hbm4b:s11+s3], $0x80, $0x38;
	[tilespmem:$0x1BA80] =	vst v63  }
0xe7: {  	_ =	swait.ge [sflag:s24], $0x4000  }
0xe8: {  	[sflag:s24] =	ssyncset.done $0x0  }
0xe9: {  	[sflag:s24] =	ssyncadd.s32 $0xFFFFC000  }
0xea: {  	_ =	swait.ge [sflag:s25], $0x80  }
0xeb: {  	[sflag:s25] =	ssyncset.done $0x0  }
0xec: {  	[sflag:s25] =	ssyncadd.s32 $0xFFFFFF80  }
0xed: {  	_ =	swait.ge [sflag:s25], $0x80  }
0xee: {  	[sflag:s25] =	ssyncset.done $0x0  }
0xef: {  	[sflag:s25] =	ssyncadd.s32 $0xFFFFFF80  }
0xf0: {  	[tilespmem:s26], [sflag:$0x2] =	stream.indirect.gather [hbm4b:s5+s21], $0x80, s21, s21, $0xb8;
	[tilespmem:$0x1BA80] =	vst v63  }
0xf1: {  	_ = 	snop  }
0xf2: {  	[spmem:s2] =	stream.indirect.scatter.add.f32 [tilespmem:s22], [sflag:$0x5], $0x80, s20, s21, $0xb8;
	[tilespmem:$0x1BA80] =	vst v63  }
0xf3: {  	_ =	swait.ge [sflag:s19], $0x4000  }
0xf4: {  	s0 =	sadd.s32 $0xFFFFB400, s8;
	[sflag:s19] =	ssyncset.done $0x0  }
0xf5: {  	s10 =	sadd.s32 $0xFFFFB400, s9;
	s6 =	sadd.s32 $0x4E00, s0;
	[sflag:s19] =	ssyncadd.s32 $0xFFFFC000  }
0xf6: {  	[tilespmem:s3], [sflag:$0x3] =	stream.linear.gather [hbm4b:s6+s3], $0x80, $0x38;
	[tilespmem:$0x1BA80] =	vst v63  }
0xf7: {  	s6 =	sadd.s32 $0x4E00, s10  }
0xf8: {  	[tilespmem:s20], [sflag:$0x3] =	stream.linear.gather [hbm4b:s6+s3], $0x80, $0x38;
	[tilespmem:$0x1BA80] =	vst v63  }
0xf9: {  	_ =	swait.ge [sflag:s28], $0x4000  }
0xfa: {  	[sflag:s28] =	ssyncset.done $0x0  }
0xfb: {  	[sflag:s28] =	ssyncadd.s32 $0xFFFFC000  }
0xfc: {  	_ =	swait.ge [sflag:s29], $0x80  }
0xfd: {  	[sflag:s29] =	ssyncset.done $0x0  }
0xfe: {  	[sflag:s29] =	ssyncadd.s32 $0xFFFFFF80  }
0xff: {  	_ =	swait.ge [sflag:s29], $0x80  }
0x100: {  	[sflag:s29] =	ssyncset.done $0x0  }
0x101: {  	[sflag:s29] =	ssyncadd.s32 $0xFFFFFF80  }
0x102: {  	[tilespmem:s22], [sflag:$0x1] =	stream.indirect.gather [hbm4b:s5+s21], $0x80, s3, s21, $0xb8;
	[tilespmem:$0x1BA80] =	vst v63  }
0x103: {  	_ = 	snop  }
0x104: {  	[spmem:s2] =	stream.indirect.scatter.add.f32 [tilespmem:s26], [sflag:$0x5], $0x80, s23, s21, $0xb8;
	[tilespmem:$0x1BA80] =	vst v63  }
0x105: {  	_ =	swait.ge [sflag:s19], $0x4000  }
0x106: {  	[sflag:s19] =	ssyncset.done $0x0  }
0x107: {  	s0 =	sadd.s32 $0x4F00, s0;
	[sflag:s19] =	ssyncadd.s32 $0xFFFFC000  }
0x108: {  	[tilespmem:s21], [sflag:$0x4] =	stream.linear.gather [hbm4b:s0+s3], $0x80, $0x38;
	[tilespmem:$0x1BA80] =	vst v63  }
0x109: {  	s31 =	simm.s32 $0xFFFFB600;
	s0 =	sadd.s32 $0x4F00, s10  }
.LBB2_7:
0x10a: {  	[tilespmem:s23], [sflag:$0x4] =	stream.linear.gather [hbm4b:s0+s3], $0x80, $0x38;
	[tilespmem:$0x1BA80] =	vst v63  }
0x10b: {  	s0 =	smov.u32 s31  }
0x10c: {  	p0 =	sne.s32 s31, $0xFFFFFE00;
	s31 =	sadd.s32 $0x200, s31;
	_ =	swait.ge [sflag:s24], $0x4000  }
0x10d: {  	[sflag:s24] =	ssyncset.done $0x0  }
0x10e: {  	[sflag:s24] =	ssyncadd.s32 $0xFFFFC000  }
0x10f: {  	_ =	swait.ge [sflag:s25], $0x80  }
0x110: {  	[sflag:s25] =	ssyncset.done $0x0  }
0x111: {  	[sflag:s25] =	ssyncadd.s32 $0xFFFFFF80  }
0x112: {  	_ =	swait.ge [sflag:s25], $0x80  }
0x113: {  	[sflag:s25] =	ssyncset.done $0x0  }
0x114: {  	[sflag:s25] =	ssyncadd.s32 $0xFFFFFF80  }
0x115: {  	[tilespmem:s26], [sflag:$0x2] =	stream.indirect.gather [hbm4b:s5+s21], $0x80, s21, s21, $0xb8;
	[tilespmem:$0x1BA80] =	vst v63  }
0x116: {  	_ = 	snop  }
0x117: {  	[spmem:s2] =	stream.indirect.scatter.add.f32 [tilespmem:s22], [sflag:$0x5], $0x80, s20, s21, $0xb8;
	[tilespmem:$0x1BA80] =	vst v63  }
0x118: {  	_ =	swait.ge [sflag:s19], $0x4000  }
0x119: {  	s6 =	sadd.s32 s0, s8;
	[sflag:s19] =	ssyncset.done $0x0  }
0x11a: {  	s0 =	sadd.s32 s0, s9;
	s10 =	sadd.s32 $0x4E00, s6;
	[sflag:s19] =	ssyncadd.s32 $0xFFFFC000  }
0x11b: {  	[tilespmem:s3], [sflag:$0x3] =	stream.linear.gather [hbm4b:s10+s3], $0x80, $0x38;
	[tilespmem:$0x1BA80] =	vst v63  }
0x11c: {  	s10 =	sadd.s32 $0x4E00, s0  }
0x11d: {  	[tilespmem:s20], [sflag:$0x3] =	stream.linear.gather [hbm4b:s10+s3], $0x80, $0x38;
	[tilespmem:$0x1BA80] =	vst v63  }
0x11e: {  	_ =	swait.ge [sflag:s28], $0x4000  }
0x11f: {  	[sflag:s28] =	ssyncset.done $0x0  }
0x120: {  	[sflag:s28] =	ssyncadd.s32 $0xFFFFC000  }
0x121: {  	_ =	swait.ge [sflag:s29], $0x80  }
0x122: {  	[sflag:s29] =	ssyncset.done $0x0  }
0x123: {  	[sflag:s29] =	ssyncadd.s32 $0xFFFFFF80  }
0x124: {  	_ =	swait.ge [sflag:s29], $0x80  }
0x125: {  	[sflag:s29] =	ssyncset.done $0x0  }
0x126: {  	[sflag:s29] =	ssyncadd.s32 $0xFFFFFF80  }
0x127: {  	[tilespmem:s22], [sflag:$0x1] =	stream.indirect.gather [hbm4b:s5+s21], $0x80, s3, s21, $0xb8;
	[tilespmem:$0x1BA80] =	vst v63  }
0x128: {  	_ = 	snop  }
0x129: {  	[spmem:s2] =	stream.indirect.scatter.add.f32 [tilespmem:s26], [sflag:$0x5], $0x80, s23, s21, $0xb8;
	[tilespmem:$0x1BA80] =	vst v63  }
.Ltmp5:
0x12a: {  	_ =	swait.ge [sflag:s19], $0x4000;
	(pc) =	sbr.rel @p0 .LBB2_7-.Ltmp5, $4  }
0x12b: {  	[sflag:s19] =	ssyncset.done $0x0  }
0x12c: {  	s6 =	sadd.s32 $0x4F00, s6;
	[sflag:s19] =	ssyncadd.s32 $0xFFFFC000  }
0x12d: {  	[tilespmem:s21], [sflag:$0x4] =	stream.linear.gather [hbm4b:s6+s3], $0x80, $0x38;
	[tilespmem:$0x1BA80] =	vst v63  }
0x12e: {  	s0 =	sadd.s32 $0x4F00, s0  }
.Ltmp6:
0x12f: {  	_ = 	snop;
	(pc) =	sbr.rel .LBB2_8-.Ltmp6, $1  }
0x130: {  	_ =	sdelay $0x3  }
.LBB2_10:
0x131: {  	_ =	sfence.sel $0x180000  }
0x132: {  	[bflag:$0x0] =	sbarrier.arrive $0xFFFF  }
0x133: {  	_ =	strace $0x9000004A  }
0x134: {  	[bflag:$0x2] =	sbarrier.arrive $0xFFFF  }
0x135: {  	p0 =	sne.s32 s4, $0x0;
	s0 =	rddreg [dreg:$0x3]  }
0x136: {  	s0 =	sadd.s32 @!p0 $0x100000, s0  }
0x137: {  	[sflag:s0] =	ssyncadd.tile.s32 @!p0 $0x1;
	_ =	shalt  }
.Lfunc_end2:
_tile_overlayer_lowered:
.L_overlay_start_2:
0x138: {  	(tag) =	ssettag $0x2  }
0x139: {  	s0 =	rddreg [dreg:$0x0];
	s2 =	stileid.u32  }
0x13a: {  	s1 =	rddreg [dreg:$0x1];
	p0 =	sne.s32 s2, $0x0  }
0x13b: {  	s3 =	rddreg [dreg:$0x2];
	[bflag:$0x3] =	sbarrier.arrive $0xFFFF;
	s2 =	simm.s32 @!p0 $0x1C05  }
0x13c: {  	[timem:s3], [sflag:s2] =	dma.local @!p0 [hbm:s0], s1  }
0x13d: {  	s0 =	simm.s32 @!p0 $0x5  }
0x13e: {  	_ =	swait.ge @!p0 [sflag:s0], s1  }
0x13f: {  	s1 =	ssub.s32 @!p0 $0x0, s1;
	[sflag:s0] =	ssyncset.done @!p0 $0x0  }
0x140: {  	[sflag:s0] =	ssyncadd.s32 @!p0 s1  }
0x141: {  	[bflag:$0x3] =	sbarrier.arrive $0xFFFF  }
0x142: {  	_ =	shalt  }

// kernel: kernel.15.cloned.1.call-start
scs
__scs_entry_jumppad:
0x0: {  	(pc) =	sbr.rel $0x88, $3  }
0x1: {  	(tag) =	ssettag $0x0;
	lr =	simm.s32 $0x1  }
0x2: {  	[smem:$0x3F9D] =	sst lr;
	_ =	strace $0xD0000000  }
0x3: {  	_ = 	snop  }
0x4: {  	_ = 	snop  }
0x5: {  	_ = 	snop  }
0x6: {  	_ = 	snop  }
0x7: {  	_ = 	snop  }
__scs_overlays_trampoline_lowered:
0x8: {  	[smem:$0x3FAC] =	sst s0  }
0x9: {  	[smem:$0x3FAD] =	sst s1  }
0xa: {  	[smem:$0x3FAE] =	sst s2  }
0xb: {  	[smem:$0x3FAF] =	sst s3  }
0xc: {  	[smem:$0x3FB0] =	sst s4  }
0xd: {  	[smem:$0x3FB1] =	sst s5  }
0xe: {  	[smem:$0x3FB2] =	sst s6  }
0xf: {  	[smem:$0x3FB3] =	sst s7  }
0x10: {  	[smem:$0x3FB4] =	sst s8  }
0x11: {  	[smem:$0x3FB5] =	sst s9;
	s0 =	simm.s32 @!p0 $0x0  }
0x12: {  	s1 =	sld [smem:$0x3F9B];
	s0 =	simm.s32 @p0 $0x1  }
0x13: {  	[smem:$0x3FB6] =	sst s0;
	s0 =	simm.s32 @!p1 $0x0  }
0x14: {  	s2 =	sld [smem:$0x3F9A];
	s0 =	simm.s32 @p1 $0x1  }
0x15: {  	[smem:$0x3FB7] =	sst s0;
	s0 =	simm.s32 @!p2 $0x0  }
0x16: {  	s3 =	sld [smem:$0x3FDB];
	s0 =	simm.s32 @p2 $0x1  }
0x17: {  	s4 =	simm.s32 $0x1BF5;
	[smem:$0x3FB9] =	sst s0  }
0x18: {  	s0 =	sld [smem:$0x3F9C];
	_ =	swait.ge [sflag:s4], $0x0  }
0x19: {  	s7 =	sld [smem:$0x3F9D]  }
0x1a: {  	s8 =	sadd.s32 $0xFFFFE003, lr  }
0x1b: {  	s9 =	sadd.s32 $0xFFFFFEF7, lr;
	s5 =	simm.s32 $0xFFFFFFFF;
	p2 =	slt.u32 s8, $0xFFFFF086  }
0x1c: {  	p1 =	slt.u32 s9, $0xF7A;
	s5 =	simm.s32 @!p2 $0x0  }
0x1d: {  	s5 =	simm.s32 @p1 $0x1;
	p0 =	seq.s32 s7, s2  }
0x1e: {  	s7 =	smul.u32 @!p0 $0xF7A, s2;
	p2 =	seq.s32 @!p0 s5, $0x0  }
0x1f: {  	s9 =	smul.u32 $0xF7A, s1;
	s8 =	simm.s32 @!p0 $0x1BF5;
	p2 =	por !p2, p0  }
0x20: {  	[sflag:s8] =	ssyncset.s32 @!p0 $0xFFFFF086;
	s6 =	sadd.s32 @!p0 s3, s7;
	s7 =	simm.s32 @!p0 $0x108  }
0x21: {  	s3 =	sadd.s32 s3, s9;
	s6 =	sadd.s32 @!p0 $0x88, s6;
	s7 =	simm.s32 @p2 $0x1082  }
0x22: {  	[simem:s7], [sflag:s8] =	dma.local @!p0 [hbm:s6], $0xF7A  }
0x23: {  	s9 =	sor.u32 $0xD0000000, s2;
	s6 =	simm.s32 $0x108;
	_ =	swait.ge @!p0 [sflag:s8], $0x0  }
0x24: {  	s3 =	sadd.s32 $0x88, s3;
	s6 =	simm.s32 @!p1 $0x1082;
	[sflag:s4] =	ssyncset.s32 $0xFFFFF086  }
0x25: {  	[simem:s6], [sflag:s4] =	dma.local [hbm:s3], $0xF7A  }
0x26: {  	[smem:$0x3F9D] =	sst s1;
	(tag) =	ssettag s2;
	_ =	strace s9  }
0x27: {  	s1 =	sld [smem:$0x3FAD]  }
0x28: {  	s2 =	sld [smem:$0x3FAE]  }
0x29: {  	s4 =	sld [smem:$0x3FB0]  }
0x2a: {  	p0 =	seq.s32 s5, $0x0;
	s5 =	sld [smem:$0x3FB1]  }
0x2b: {  	s6 =	sld [smem:$0x3FB2]  }
0x2c: {  	s7 =	sld [smem:$0x3FB3]  }
0x2d: {  	s3 =	simm.s32 $0x108;
	s8 =	sld [smem:$0x3FB4]  }
0x2e: {  	s3 =	simm.s32 @!p0 $0x1082;
	s9 =	sld [smem:$0x3FB5]  }
0x2f: {  	lr =	sadd.s32 s0, s3;
	s0 =	sld [smem:$0x3FAC]  }
0x30: {  	s3 =	sld [smem:$0x3FAF]  }
0x31: {  	[smem:$0x3FB8] =	sst s10  }
0x32: {  	s10 =	sld [smem:$0x3FB6];
	_ =	sdelay $0x3  }
0x33: {  	p0 =	seq.s32 s10, $0x1;
	s10 =	sld [smem:$0x3FB8];
	_ =	sdelay $0x3  }
0x34: {  	[smem:$0x3FB8] =	sst s10  }
0x35: {  	s10 =	sld [smem:$0x3FB7];
	_ =	sdelay $0x3  }
0x36: {  	p1 =	seq.s32 s10, $0x1;
	s10 =	sld [smem:$0x3FB8];
	_ =	sdelay $0x3  }
0x37: {  	[smem:$0x3FB8] =	sst s10  }
0x38: {  	s10 =	sld [smem:$0x3FB9]  }
0x39: {  	_ = 	snop;
	(pc) =	sbr.ind lr, $3  }
0x3a: {  	_ = 	snop  }
0x3b: {  	_ = 	snop  }
0x3c: {  	p2 =	seq.s32 s10, $0x1;
	s10 =	sld [smem:$0x3FB8]  }
0x3d: {  	_ =	shalt  }
0x3e: {  	_ =	shalt  }
0x3f: {  	_ =	shalt  }
0x40: {  	_ =	shalt  }
0x41: {  	_ =	shalt  }
0x42: {  	_ =	shalt  }
0x43: {  	_ =	shalt  }
0x44: {  	_ =	shalt  }
0x45: {  	_ =	shalt  }
0x46: {  	_ =	shalt  }
0x47: {  	_ =	shalt  }
0x48: {  	_ =	shalt  }
0x49: {  	_ =	shalt  }
0x4a: {  	_ =	shalt  }
0x4b: {  	_ =	shalt  }
0x4c: {  	_ =	shalt  }
0x4d: {  	_ =	shalt  }
0x4e: {  	_ =	shalt  }
0x4f: {  	_ =	shalt  }
0x50: {  	_ =	shalt  }
0x51: {  	_ =	shalt  }
0x52: {  	_ =	shalt  }
0x53: {  	_ =	shalt  }
0x54: {  	_ =	shalt  }
0x55: {  	_ =	shalt  }
0x56: {  	_ =	shalt  }
0x57: {  	_ =	shalt  }
0x58: {  	_ =	shalt  }
0x59: {  	_ =	shalt  }
0x5a: {  	_ =	shalt  }
0x5b: {  	_ =	shalt  }
0x5c: {  	_ =	shalt  }
0x5d: {  	_ =	shalt  }
0x5e: {  	_ =	shalt  }
0x5f: {  	_ =	shalt  }
0x60: {  	_ =	shalt  }
0x61: {  	_ =	shalt  }
0x62: {  	_ =	shalt  }
0x63: {  	_ =	shalt  }
0x64: {  	_ =	shalt  }
0x65: {  	_ =	shalt  }
0x66: {  	_ =	shalt  }
0x67: {  	_ =	shalt  }
0x68: {  	_ =	shalt  }
0x69: {  	_ =	shalt  }
0x6a: {  	_ =	shalt  }
0x6b: {  	_ =	shalt  }
0x6c: {  	_ =	shalt  }
0x6d: {  	_ =	shalt  }
0x6e: {  	_ =	shalt  }
0x6f: {  	_ =	shalt  }
0x70: {  	_ =	shalt  }
0x71: {  	_ =	shalt  }
0x72: {  	_ =	shalt  }
0x73: {  	_ =	shalt  }
0x74: {  	_ =	shalt  }
0x75: {  	_ =	shalt  }
0x76: {  	_ =	shalt  }
0x77: {  	_ =	shalt  }
0x78: {  	_ =	shalt  }
0x79: {  	_ =	shalt  }
0x7a: {  	_ =	shalt  }
0x7b: {  	_ =	shalt  }
0x7c: {  	_ =	shalt  }
0x7d: {  	_ =	shalt  }
0x7e: {  	_ =	shalt  }
0x7f: {  	_ =	shalt  }
0x80: {  	_ =	shalt  }
0x81: {  	_ =	shalt  }
0x82: {  	_ =	shalt  }
0x83: {  	_ =	shalt  }
0x84: {  	_ =	shalt  }
0x85: {  	_ =	shalt  }
0x86: {  	_ =	shalt  }
0x87: {  	_ =	shalt  }
.Lfunc_end0:
.L_simem_size_0:
called_computation.2_lowered:
.L_overlay_start_0:
0x88: {  	s2 =	sld [smem:$0x3FD9]  }
0x89: {  	s3 =	sld [smem:$0x3FFE];
	_ =	sdelay $0x1  }
0x8a: {  	s1 =	srdreg.scid  }
0x8b: {  	s0 =	sand.u32 $0x1, s1  }
0x8c: {  	s17 =	sshll.u32 s0, $0xA;
	s2 =	sadd.s32 s3, s2  }
0x8d: {  	s2 =	sadd.s32 s2, s17  }
0x8e: {  	[smem:$0x3FC4] =	sst s2  }
0x8f: {  	_ = 	snop  }
0x90: {  	s2 =	sld [smem:$0x3FD0];
	(tm) =	ssettm $0x1  }
0x91: {  	s18 =	sld [smem:$0x3FFB];
	_ =	sdelay $0x3  }
0x92: {  	_ =	strace s18  }
0x93: {  	s3 =	sld [smem:$0x3FFC];
	_ =	sdelay $0x3  }
0x94: {  	_ =	strace s3  }
0x95: {  	s3 =	sld [smem:$0x3FFD];
	_ =	sdelay $0x3  }
0x96: {  	_ =	strace s3  }
0x97: {  	_ =	strace $0x8FFFFFFF  }
0x98: {  	s19 =	sld [smem:$0x3FDB];
	_ =	sdelay $0x1  }
0x99: {  	s4 =	simm.s32 $_scs_section_size  }
0x9a: {  	s5 =	simm.s32 $_size__tile_overlayer_lowered;
	s6 =	simm.s32 $_tile_overlayer_lowered  }
0x9b: {  	s22 =	simm.s32 $0x1BFF;
	s21 =	sshll.u32 s6, $0x1;
	s3 =	sadd.s32 s4, s19  }
0x9c: {  	s7 =	simm.s32 $0x0;
	s20 =	sshll.u32 s5, $0x1;
	s5 =	sadd.s32 s21, s3  }
0x9d: {  	[timem:s7], [sflag:s22] =	dma.local [hbm:s5], s20  }
0x9e: {  	_ =	swait.ge [sflag:s22], s20  }
0x9f: {  	s4 =	ssub.s32 $0x0, s20;
	[sflag:s22] =	ssyncset.done $0x0  }
0xa0: {  	[sflag:s22] =	ssyncadd.s32 s4;
	_ =	sdelay $0x1  }
0xa1: {  	s23 =	simm.s32 $0x1B8B  }
0xa2: {  	_ =	swait.ge [sflag:s23], $0x1  }
0xa3: {  	[sflag:s23] =	ssyncset.done $0x0  }
0xa4: {  	s25 =	simm.s32 $0x1B8E;
	s24 =	sld [smem:$0x3FFE];
	[sflag:s23] =	ssyncadd.s32 $0xFFFFFFFF  }
0xa5: {  	s26 =	simm.s32 $execute0_lowered;
	[smem:$0x3FD2] =	sst s25  }
0xa6: {  	s5 =	sshll.u32 s26, $0x1;
	_ =	strace $0x8000004C;
	[dreg:$0x1] =	wrdreg $0xFFFFFFFF  }
0xa7: {  	s28 =	simm.s32 $_size_execute0_lowered;
	s3 =	sadd.s32 s3, s5;
	[dreg:$0x0] =	wrdreg $0x0  }
0xa8: {  	s5 =	sshll.u32 s28, $0x1;
	[dreg:$0x2] =	wrdreg s3  }
0xa9: {  	[dreg:$0x3] =	wrdreg s5  }
0xaa: {  	[dreg:$0x4] =	wrdreg $0xC0  }
0xab: {  	_ =	task [dreg:s7], $0x5FFFF  }
0xac: {  	[dreg:$0x1] =	wrdreg $0xFFFFFFFF  }
0xad: {  	[dreg:$0x0] =	wrdreg $0x60  }
0xae: {  	[dreg:$0x2] =	wrdreg s24  }
0xaf: {  	[dreg:$0x3] =	wrdreg s2  }
0xb0: {  	[dreg:$0x4] =	wrdreg $0x82000  }
0xb1: {  	[dreg:$0x5] =	wrdreg $0x9  }
0xb2: {  	_ =	task.clear_ibuf [dreg:s7], $0x6FFFF;
	_ =	strace $0x9000004C  }
0xb3: {  	s29 =	simm.s32 $0x9;
	_ =	strace $0x8000004E  }
0xb4: {  	_ =	swait.ge [sflag:s29], $0x1  }
0xb5: {  	[sflag:s29] =	ssyncadd.s32 $0xFFFFFFFF  }
0xb6: {  	_ =	strace $0x9000004E  }
0xb7: {  	_ =	sfence  }
0xb8: {  	s30 =	sld [smem:$0x0];
	_ =	sdelay $0x2  }
0xb9: {  	s31 =	sshll.u32 s1, $0xD;
	s1 =	sshrl.u32 s1, $0x2  }
0xba: {  	s3 =	sand.u32 $0x4000, s31;
	s1 =	sadd.s32 s1, s30  }
0xbb: {  	s0 =	sor.u32 s3, s0;
	s1 =	sshll.u32 s1, $0x11  }
0xbc: {  	s0 =	sor.u32 s1, s0  }
0xbd: {  	s0 =	sadd.s32 $0x8F2B, s0  }
0xbe: {  	[sflag:s0] =	ssyncadd.remote.s32 $0x1  }
0xbf: {  	_ =	sfence.sel $0xFFFF  }
0xc0: {  	[dreg:$0x0] =	wrdreg $0xFFFFFFFF;
	(pc) =	sbr.abs _section_cstart, $3  }
0xc1: {  	[dreg:$0x1] =	wrdreg $0xFFFFFFFF  }
0xc2: {  	_ =	task.clear_ibuf [dreg:s7], $0x2FFFF;
	_ =	strace $0x9FFFFFFF  }
0xc3: {  	(tm) =	ssettm $0x7FFFFFFF  }
tec
execute0_lowered:
.L_overlay_start_1:
0x0: {  	(tag) =	ssettag $0x1  }
0x1: {  	s0 =	rddreg [dreg:$0x0]  }
0x2: {  	s1 =	rddreg [dreg:$0x1]  }
0x3: {  	s2 =	rddreg [dreg:$0x2];
	s3 =	simm.s32 $0x0  }
0x4: {  	s5 =	srdreg.scid;
	s4 =	stileid.u32;
	s20 =	simm.s32 $0x100  }
0x5: {  	s21 =	simm.s32 $0x80;
	s22 =	simm.s32 $0x200;
	s23 =	simm.s32 $0x180  }
0x6: {  	s28 =	simm.s32 $0x2;
	s29 =	simm.s32 $0x3;
	s30 =	simm.s32 $0x0  }
0x7: {  	[smem:$0x7FF] =	sst s3;
	s15 =	sadd.s32 $0x3200, s0;
	s19 =	sand.u32 $0x1, s5  }
0x8: {  	s16 =	sadd.s32 $0x8200, s0;
	s7 =	smul.u32 $0x3E80, s4;
	s5 =	sadd.s32 $0x5FE00, s0  }
0x9: {  	s10 =	smul.u32 $0x7D000, s4;
	s6 =	sadd.s32 $0xDA00, s0;
	p0 =	slt.u32 s4, $0xA  }
0xa: {  	s25 =	sshll.u32 s4, $0x4;
	s31 =	sor.u32 $0x4C0, s4;
	p3 =	sgt.u32 s4, $0x9  }
0xb: {  	_ =	strace $0x8000004D;
	s8 =	ssub.s32 $0x2, s19;
	[dreg:$0x4] =	wrdreg s6  }
0xc: {  	p1 =	seq.s32 s19, $0x0;
	s11 =	sor.u32 $0x100, s25;
	p2 =	seq.s32 s19, $0x1  }
0xd: {  	s17 =	sshll.u32 s31, $0x4;
	s18 =	sshll.u32 @!p3 s4, $0x6;
	p4 =	sne.s32 s19, $0x0  }
0xe: {  	s19 =	simm.s32 $0x5;
	p5 =	sgt.u32 s31, $0x4C1;
	s9 =	sshrl.u32 s8, $0x1  }
0xf: {  	s0 =	sadd.s32 s7, s0;
	s24 =	sshrl.u32 s10, $0x2;
	s26 =	sadd.s32 s15, s11  }
0x10: {  	s11 =	sadd.s32 s16, s11;
	p1 =	por !p1, !p0;
	s6 =	simm.s32 @!p2 $0x0  }
0x11: {  	p0 =	por !p0, !p2;
	s17 =	sor.u32 $0x200, s17;
	s14 =	ssub.s32 s8, s9  }
0x12: {  	s7 =	sadd.s32 s24, s2;
	s8 =	sadd.s32 s15, s25;
	s9 =	sadd.s32 s16, s25  }
0x13: {  	[dreg:$0x5] =	wrdreg s26;
	p1 =	por !p1, !p1;
	s12 =	sadd.s32 $0x87000, s0  }
.Ltmp0:
0x14: {  	s6 =	simm.s32 @p2 $0x1;
	p2 =	por !p0, !p0;
	(pc) =	sbr.rel .LBB2_1-.Ltmp0, $4  }
0x15: {  	s13 =	sadd.s32 $0xAE200, s0;
	s25 =	sor.u32 $0x4E0, s4;
	s15 =	sadd.s32 s15, s17  }
0x16: {  	s16 =	sadd.s32 s16, s17;
	s17 =	sor.u32 @!p3 $0x1C05, s18;
	s24 =	simm.s32 $0x1  }
0x17: {  	s26 =	simm.s32 $0x4200;
	[smem:$0x7FD] =	sst s6;
	s14 =	smax.u32 s14, $0x1  }
0x18: {  	s18 =	sshrl.u32 @!p3 s7, $0x3;
	p6 =	sgt.u32 s25, $0x4E1;
	s25 =	simm.s32 $0x4  }
.LBB2_8:
0x19: {  	[tilespmem:s23], [sflag:$0x4] =	stream.linear.gather [hbm4b:s0+s3], $0x80, $0x38;
	[tilespmem:$0x1BA80] =	vst v63  }
0x1a: {  	_ =	swait.ge [sflag:s24], $0x4000  }
0x1b: {  	[sflag:s24] =	ssyncset.done $0x0  }
0x1c: {  	[sflag:s24] =	ssyncadd.s32 $0xFFFFC000  }
0x1d: {  	_ =	swait.ge [sflag:s25], $0x80  }
0x1e: {  	[sflag:s25] =	ssyncset.done $0x0  }
0x1f: {  	[sflag:s25] =	ssyncadd.s32 $0xFFFFFF80  }
0x20: {  	_ =	swait.ge [sflag:s25], $0x80  }
0x21: {  	[sflag:s25] =	ssyncset.done $0x0  }
0x22: {  	[sflag:s25] =	ssyncadd.s32 $0xFFFFFF80  }
0x23: {  	[tilespmem:s26], [sflag:$0x2] =	stream.indirect.gather [hbm4b:s5+s21], $0x80, s21, s21, $0xb8;
	[tilespmem:$0x1BA80] =	vst v63  }
0x24: {  	_ = 	snop  }
0x25: {  	[spmem:s2] =	stream.indirect.scatter.add.f32 [tilespmem:s22], [sflag:$0x5], $0x80, s20, s21, $0xb8;
	[tilespmem:$0x1BA80] =	vst v63  }
0x26: {  	_ =	swait.ge [sflag:s19], $0x4000  }
0x27: {  	[sflag:s19] =	ssyncset.done $0x0  }
0x28: {  	s0 =	simm.s32 @!p5 $0x0;
	[sflag:s19] =	ssyncadd.s32 $0xFFFFC000  }
0x29: {  	[tilespmem:s0], [sflag:$0x3] =	stream.linear.gather @!p5 [hbm4b:s15+s0], $0x80, $0x38;
	[tilespmem:$0x1BA80] =	vst v63  }
0x2a: {  	s6 =	simm.s32 @!p5 $0x100  }
0x2b: {  	[tilespmem:s6], [sflag:$0x3] =	stream.linear.gather @!p5 [hbm4b:s16+s0], $0x80, $0x38;
	[tilespmem:$0x1BA80] =	vst v63  }
0x2c: {  	_ =	swait.ge [sflag:s28], $0x4000  }
0x2d: {  	[sflag:s28] =	ssyncset.done $0x0  }
0x2e: {  	s6 =	simm.s32 @!p5 $0x3;
	[sflag:s28] =	ssyncadd.s32 $0xFFFFC000  }
0x2f: {  	_ =	swait.ge @!p5 [sflag:s6], $0x80  }
0x30: {  	[sflag:s6] =	ssyncset.done @!p5 $0x0  }
0x31: {  	[sflag:s6] =	ssyncadd.s32 @!p5 $0xFFFFFF80  }
0x32: {  	_ =	swait.ge @!p5 [sflag:s6], $0x80  }
0x33: {  	[sflag:s6] =	ssyncset.done @!p5 $0x0  }
0x34: {  	s10 =	simm.s32 @!p5 $0x200;
	[sflag:s6] =	ssyncadd.s32 @!p5 $0xFFFFFF80;
	s6 =	simm.s32 @!p5 $0x80  }
0x35: {  	[tilespmem:s10], [sflag:$0x1] =	stream.indirect.gather @!p5 [hbm4b:s5+s6], $0x80, s0, s6, $0xb8;
	[tilespmem:$0x1BA80] =	vst v63  }
0x36: {  	_ = 	snop  }
0x37: {  	[spmem:s2] =	stream.indirect.scatter.add.f32 [tilespmem:s26], [sflag:$0x5], $0x80, s23, s21, $0xb8;
	[tilespmem:$0x1BA80] =	vst v63  }
0x38: {  	_ =	swait.ge [sflag:s19], $0x4000  }
0x39: {  	[sflag:s19] =	ssyncset.done $0x0  }
0x3a: {  	s0 =	simm.s32 @!p6 $0x1;
	[sflag:s19] =	ssyncadd.s32 $0xFFFFC000  }
0x3b: {  	_ =	swait.ge @!p6 [sflag:s0], $0x4000  }
0x3c: {  	s6 =	simm.s32 @!p6 $0x100;
	[sflag:s0] =	ssyncset.done @!p6 $0x0  }
0x3d: {  	s10 =	simm.s32 @!p6 $0x200;
	[sflag:s0] =	ssyncadd.s32 @!p6 $0xFFFFC000;
	s0 =	simm.s32 @!p6 $0x80  }
0x3e: {  	[spmem:s2] =	stream.indirect.scatter.add.f32 @!p6 [tilespmem:s10], [sflag:$0x5], $0x80, s6, s0, $0xb8;
	[tilespmem:$0x1BA80] =	vst v63  }
0x3f: {  	s0 =	simm.s32 @!p6 $0x5  }
0x40: {  	_ =	swait.ge @!p6 [sflag:s0], $0x4000  }
0x41: {  	[sflag:s0] =	ssyncset.done @!p6 $0x0  }
0x42: {  	[sflag:s0] =	ssyncadd.s32 @!p6 $0xFFFFC000  }
.LBB2_9:
0x43: {  	s0 =	sshll.u32 @p1 s4, $0x6  }
0x44: {  	[bflag:$0x0] =	sbarrier.arrive $0xFFFF;
	s6 =	sshrl.u32 @p1 s7, $0x3;
	s0 =	sor.u32 @p1 $0x1C05, s0  }
0x45: {  	[hbm:s12], [sflag:s0] =	dma.local @p1 [spmem:s6], $0x3E80  }
0x46: {  	s0 =	simm.s32 @p1 $0x5  }
0x47: {  	s30 =	sadd.s32 $0x1, s30;
	_ =	swait.ge @p1 [sflag:s0], $0x3E80  }
0x48: {  	p0 =	sne.s32 s30, s14;
	s6 =	sshll.u32 @p2 s4, $0x6;
	[sflag:s0] =	ssyncset.done @p1 $0x0  }
0x49: {  	[sflag:s0] =	ssyncadd.s32 @p1 $0xFFFFC180;
	s0 =	sor.u32 @p2 $0x1C05, s6;
	s6 =	sshrl.u32 @p2 s7, $0x3  }
0x4a: {  	[hbm:s13], [sflag:s0] =	dma.local @p2 [spmem:s6], $0x3E80  }
.Ltmp1:
0x4b: {  	_ = 	snop;
	(pc) =	sbr.rel @!p0 .LBB2_10-.Ltmp1, $4  }
0x4c: {  	s0 =	simm.s32 @p2 $0x5  }
0x4d: {  	_ =	swait.ge @p2 [sflag:s0], $0x3E80  }
0x4e: {  	[sflag:s0] =	ssyncset.done @p2 $0x0  }
0x4f: {  	[sflag:s0] =	ssyncadd.s32 @p2 $0xFFFFC180  }
.LBB2_1:
0x50: {  	s0 =	rddreg [dreg:$0x4]  }
0x51: {  	[spmem:s18], [sflag:s17] =	dma.local @!p3 [hbm:s0], $0x3E80  }
0x52: {  	s0 =	simm.s32 @!p3 $0x5  }
.Ltmp2:
0x53: {  	_ =	swait.ge @!p3 [sflag:s0], $0x3E80;
	(pc) =	sbr.rel @p4 .LBB2_5-.Ltmp2, $3  }
0x54: {  	[sflag:s0] =	ssyncset.done @!p3 $0x0  }
0x55: {  	[sflag:s0] =	ssyncadd.s32 @!p3 $0xFFFFC180  }
0x56: {  	[bflag:$0x0] =	sbarrier.arrive $0xFFFF;
	_ =	sdelay $0x1  }
0x57: {  	[tilespmem:s3], [sflag:$0x5] =	stream.linear.gather [hbm4b:s8+s3], $0x80, $0x38;
	[tilespmem:$0x1BA80] =	vst v63  }
0x58: {  	_ =	swait.ge [sflag:s19], $0x80  }
0x59: {  	[sflag:s19] =	ssyncset.done $0x0  }
0x5a: {  	[sflag:s19] =	ssyncadd.s32 $0xFFFFFF80  }
0x5b: {  	[tilespmem:s20], [sflag:$0x5] =	stream.linear.gather [hbm4b:s9+s3], $0x80, $0x38;
	[tilespmem:$0x1BA80] =	vst v63  }
0x5c: {  	_ =	swait.ge [sflag:s19], $0x80  }
0x5d: {  	[sflag:s19] =	ssyncset.done $0x0  }
0x5e: {  	[sflag:s19] =	ssyncadd.s32 $0xFFFFFF80  }
0x5f: {  	[tilespmem:s22], [sflag:$0x1] =	stream.indirect.gather [hbm4b:s1+s21], $0x80, s3, s21, $0xb8;
	[tilespmem:$0x1BA80] =	vst v63  }
0x60: {  	s0 =	rddreg [dreg:$0x5]  }
0x61: {  	[tilespmem:s21], [sflag:$0x4] =	stream.linear.gather [hbm4b:s0+s3], $0x80, $0x38;
	[tilespmem:$0x1BA80] =	vst v63  }
0x62: {  	_ = 	snop  }
0x63: {  	[tilespmem:s23], [sflag:$0x4] =	stream.linear.gather [hbm4b:s11+s3], $0x80, $0x38;
	[tilespmem:$0x1BA80] =	vst v63  }
0x64: {  	_ =	swait.ge [sflag:s24], $0x4000  }
0x65: {  	[sflag:s24] =	ssyncset.done $0x0  }
0x66: {  	[sflag:s24] =	ssyncadd.s32 $0xFFFFC000  }
0x67: {  	_ =	swait.ge [sflag:s25], $0x80  }
0x68: {  	[sflag:s25] =	ssyncset.done $0x0  }
0x69: {  	[sflag:s25] =	ssyncadd.s32 $0xFFFFFF80  }
0x6a: {  	_ =	swait.ge [sflag:s25], $0x80  }
0x6b: {  	[sflag:s25] =	ssyncset.done $0x0  }
0x6c: {  	[sflag:s25] =	ssyncadd.s32 $0xFFFFFF80  }
0x6d: {  	[tilespmem:s26], [sflag:$0x2] =	stream.indirect.gather [hbm4b:s1+s21], $0x80, s21, s21, $0xb8;
	[tilespmem:$0x1BA80] =	vst v63  }
0x6e: {  	_ = 	snop  }
0x6f: {  	[spmem:s2] =	stream.indirect.scatter.add.f32 [tilespmem:s22], [sflag:$0x5], $0x80, s20, s21, $0xb8;
	[tilespmem:$0x1BA80] =	vst v63  }
0x70: {  	_ =	swait.ge [sflag:s19], $0x4000  }
0x71: {  	s10 =	sadd.s32 $0xFFFFB400, s8;
	[sflag:s19] =	ssyncset.done $0x0  }
0x72: {  	s6 =	sadd.s32 $0xFFFFB400, s9;
	s31 =	sadd.s32 $0x4E00, s10;
	[sflag:s19] =	ssyncadd.s32 $0xFFFFC000  }
0x73: {  	[tilespmem:s3], [sflag:$0x3] =	stream.linear.gather [hbm4b:s31+s3], $0x80, $0x38;
	[tilespmem:$0x1BA80] =	vst v63  }
0x74: {  	s31 =	sadd.s32 $0x4E00, s6  }
0x75: {  	[tilespmem:s20], [sflag:$0x3] =	stream.linear.gather [hbm4b:s31+s3], $0x80, $0x38;
	[tilespmem:$0x1BA80] =	vst v63  }
0x76: {  	_ =	swait.ge [sflag:s28], $0x4000  }
0x77: {  	[sflag:s28] =	ssyncset.done $0x0  }
0x78: {  	[sflag:s28] =	ssyncadd.s32 $0xFFFFC000  }
0x79: {  	_ =	swait.ge [sflag:s29], $0x80  }
0x7a: {  	[sflag:s29] =	ssyncset.done $0x0  }
0x7b: {  	[sflag:s29] =	ssyncadd.s32 $0xFFFFFF80  }
0x7c: {  	_ =	swait.ge [sflag:s29], $0x80  }
0x7d: {  	[sflag:s29] =	ssyncset.done $0x0  }
0x7e: {  	[sflag:s29] =	ssyncadd.s32 $0xFFFFFF80  }
0x7f: {  	[tilespmem:s22], [sflag:$0x1] =	stream.indirect.gather [hbm4b:s1+s21], $0x80, s3, s21, $0xb8;
	[tilespmem:$0x1BA80] =	vst v63  }
0x80: {  	_ = 	snop  }
0x81: {  	[spmem:s2] =	stream.indirect.scatter.add.f32 [tilespmem:s26], [sflag:$0x5], $0x80, s23, s21, $0xb8;
	[tilespmem:$0x1BA80] =	vst v63  }
0x82: {  	_ =	swait.ge [sflag:s19], $0x4000  }
0x83: {  	[sflag:s19] =	ssyncset.done $0x0  }
0x84: {  	s0 =	sadd.s32 $0x4F00, s10;
	[sflag:s19] =	ssyncadd.s32 $0xFFFFC000  }
0x85: {  	[tilespmem:s21], [sflag:$0x4] =	stream.linear.gather [hbm4b:s0+s3], $0x80, $0x38;
	[tilespmem:$0x1BA80] =	vst v63  }
0x86: {  	s31 =	simm.s32 $0xFFFFB600;
	s0 =	sadd.s32 $0x4F00, s6  }
.LBB2_3:
0x87: {  	[tilespmem:s23], [sflag:$0x4] =	stream.linear.gather [hbm4b:s0+s3], $0x80, $0x38;
	[tilespmem:$0x1BA80] =	vst v63  }
0x88: {  	s0 =	smov.u32 s31  }
0x89: {  	p0 =	sne.s32 s31, $0xFFFFFE00;
	s31 =	sadd.s32 $0x200, s31;
	_ =	swait.ge [sflag:s24], $0x4000  }
0x8a: {  	[sflag:s24] =	ssyncset.done $0x0  }
0x8b: {  	[sflag:s24] =	ssyncadd.s32 $0xFFFFC000  }
0x8c: {  	_ =	swait.ge [sflag:s25], $0x80  }
0x8d: {  	[sflag:s25] =	ssyncset.done $0x0  }
0x8e: {  	[sflag:s25] =	ssyncadd.s32 $0xFFFFFF80  }
0x8f: {  	_ =	swait.ge [sflag:s25], $0x80  }
0x90: {  	[sflag:s25] =	ssyncset.done $0x0  }
0x91: {  	[sflag:s25] =	ssyncadd.s32 $0xFFFFFF80  }
0x92: {  	[tilespmem:s26], [sflag:$0x2] =	stream.indirect.gather [hbm4b:s1+s21], $0x80, s21, s21, $0xb8;
	[tilespmem:$0x1BA80] =	vst v63  }
0x93: {  	_ = 	snop  }
0x94: {  	[spmem:s2] =	stream.indirect.scatter.add.f32 [tilespmem:s22], [sflag:$0x5], $0x80, s20, s21, $0xb8;
	[tilespmem:$0x1BA80] =	vst v63  }
0x95: {  	_ =	swait.ge [sflag:s19], $0x4000  }
0x96: {  	s6 =	sadd.s32 s0, s8;
	[sflag:s19] =	ssyncset.done $0x0  }
0x97: {  	s0 =	sadd.s32 s0, s9;
	s10 =	sadd.s32 $0x4E00, s6;
	[sflag:s19] =	ssyncadd.s32 $0xFFFFC000  }
0x98: {  	[tilespmem:s3], [sflag:$0x3] =	stream.linear.gather [hbm4b:s10+s3], $0x80, $0x38;
	[tilespmem:$0x1BA80] =	vst v63  }
0x99: {  	s10 =	sadd.s32 $0x4E00, s0  }
0x9a: {  	[tilespmem:s20], [sflag:$0x3] =	stream.linear.gather [hbm4b:s10+s3], $0x80, $0x38;
	[tilespmem:$0x1BA80] =	vst v63  }
0x9b: {  	_ =	swait.ge [sflag:s28], $0x4000  }
0x9c: {  	[sflag:s28] =	ssyncset.done $0x0  }
0x9d: {  	[sflag:s28] =	ssyncadd.s32 $0xFFFFC000  }
0x9e: {  	_ =	swait.ge [sflag:s29], $0x80  }
0x9f: {  	[sflag:s29] =	ssyncset.done $0x0  }
0xa0: {  	[sflag:s29] =	ssyncadd.s32 $0xFFFFFF80  }
0xa1: {  	_ =	swait.ge [sflag:s29], $0x80  }
0xa2: {  	[sflag:s29] =	ssyncset.done $0x0  }
0xa3: {  	[sflag:s29] =	ssyncadd.s32 $0xFFFFFF80  }
0xa4: {  	[tilespmem:s22], [sflag:$0x1] =	stream.indirect.gather [hbm4b:s1+s21], $0x80, s3, s21, $0xb8;
	[tilespmem:$0x1BA80] =	vst v63  }
0xa5: {  	_ = 	snop  }
0xa6: {  	[spmem:s2] =	stream.indirect.scatter.add.f32 [tilespmem:s26], [sflag:$0x5], $0x80, s23, s21, $0xb8;
	[tilespmem:$0x1BA80] =	vst v63  }
.Ltmp3:
0xa7: {  	_ =	swait.ge [sflag:s19], $0x4000;
	(pc) =	sbr.rel @p0 .LBB2_3-.Ltmp3, $4  }
0xa8: {  	[sflag:s19] =	ssyncset.done $0x0  }
0xa9: {  	s6 =	sadd.s32 $0x4F00, s6;
	[sflag:s19] =	ssyncadd.s32 $0xFFFFC000  }
0xaa: {  	[tilespmem:s21], [sflag:$0x4] =	stream.linear.gather [hbm4b:s6+s3], $0x80, $0x38;
	[tilespmem:$0x1BA80] =	vst v63  }
0xab: {  	s0 =	sadd.s32 $0x4F00, s0  }
0xac: {  	[tilespmem:s23], [sflag:$0x4] =	stream.linear.gather [hbm4b:s0+s3], $0x80, $0x38;
	[tilespmem:$0x1BA80] =	vst v63  }
0xad: {  	_ =	swait.ge [sflag:s24], $0x4000  }
0xae: {  	[sflag:s24] =	ssyncset.done $0x0  }
0xaf: {  	[sflag:s24] =	ssyncadd.s32 $0xFFFFC000  }
0xb0: {  	_ =	swait.ge [sflag:s25], $0x80  }
0xb1: {  	[sflag:s25] =	ssyncset.done $0x0  }
0xb2: {  	[sflag:s25] =	ssyncadd.s32 $0xFFFFFF80  }
0xb3: {  	_ =	swait.ge [sflag:s25], $0x80  }
0xb4: {  	[sflag:s25] =	ssyncset.done $0x0  }
0xb5: {  	[sflag:s25] =	ssyncadd.s32 $0xFFFFFF80  }
0xb6: {  	[tilespmem:s26], [sflag:$0x2] =	stream.indirect.gather [hbm4b:s1+s21], $0x80, s21, s21, $0xb8;
	[tilespmem:$0x1BA80] =	vst v63  }
0xb7: {  	_ = 	snop  }
0xb8: {  	[spmem:s2] =	stream.indirect.scatter.add.f32 [tilespmem:s22], [sflag:$0x5], $0x80, s20, s21, $0xb8;
	[tilespmem:$0x1BA80] =	vst v63  }
0xb9: {  	_ =	swait.ge [sflag:s19], $0x4000  }
0xba: {  	[sflag:s19] =	ssyncset.done $0x0  }
0xbb: {  	s0 =	simm.s32 @!p5 $0x0;
	[sflag:s19] =	ssyncadd.s32 $0xFFFFC000  }
0xbc: {  	[tilespmem:s0], [sflag:$0x3] =	stream.linear.gather @!p5 [hbm4b:s15+s0], $0x80, $0x38;
	[tilespmem:$0x1BA80] =	vst v63  }
0xbd: {  	s6 =	simm.s32 @!p5 $0x100  }
0xbe: {  	[tilespmem:s6], [sflag:$0x3] =	stream.linear.gather @!p5 [hbm4b:s16+s0], $0x80, $0x38;
	[tilespmem:$0x1BA80] =	vst v63  }
0xbf: {  	_ =	swait.ge [sflag:s28], $0x4000  }
0xc0: {  	[sflag:s28] =	ssyncset.done $0x0  }
0xc1: {  	s6 =	simm.s32 @!p5 $0x3;
	[sflag:s28] =	ssyncadd.s32 $0xFFFFC000  }
0xc2: {  	_ =	swait.ge @!p5 [sflag:s6], $0x80  }
0xc3: {  	[sflag:s6] =	ssyncset.done @!p5 $0x0  }
0xc4: {  	[sflag:s6] =	ssyncadd.s32 @!p5 $0xFFFFFF80  }
0xc5: {  	_ =	swait.ge @!p5 [sflag:s6], $0x80  }
0xc6: {  	[sflag:s6] =	ssyncset.done @!p5 $0x0  }
0xc7: {  	s10 =	simm.s32 @!p5 $0x200;
	[sflag:s6] =	ssyncadd.s32 @!p5 $0xFFFFFF80;
	s6 =	simm.s32 @!p5 $0x80  }
0xc8: {  	[tilespmem:s10], [sflag:$0x1] =	stream.indirect.gather @!p5 [hbm4b:s1+s6], $0x80, s0, s6, $0xb8;
	[tilespmem:$0x1BA80] =	vst v63  }
0xc9: {  	_ = 	snop  }
0xca: {  	[spmem:s2] =	stream.indirect.scatter.add.f32 [tilespmem:s26], [sflag:$0x5], $0x80, s23, s21, $0xb8;
	[tilespmem:$0x1BA80] =	vst v63  }
0xcb: {  	_ =	swait.ge [sflag:s19], $0x4000  }
0xcc: {  	[sflag:s19] =	ssyncset.done $0x0  }
0xcd: {  	s0 =	simm.s32 @!p6 $0x1;
	[sflag:s19] =	ssyncadd.s32 $0xFFFFC000  }
0xce: {  	_ =	swait.ge @!p6 [sflag:s0], $0x4000  }
0xcf: {  	s6 =	simm.s32 @!p6 $0x100;
	[sflag:s0] =	ssyncset.done @!p6 $0x0  }
0xd0: {  	s10 =	simm.s32 @!p6 $0x200;
	[sflag:s0] =	ssyncadd.s32 @!p6 $0xFFFFC000;
	s0 =	simm.s32 @!p6 $0x80  }
0xd1: {  	[spmem:s2] =	stream.indirect.scatter.add.f32 @!p6 [tilespmem:s10], [sflag:$0x5], $0x80, s6, s0, $0xb8;
	[tilespmem:$0x1BA80] =	vst v63  }
0xd2: {  	s0 =	simm.s32 @!p6 $0x5  }
0xd3: {  	_ =	swait.ge @!p6 [sflag:s0], $0x4000  }
0xd4: {  	[sflag:s0] =	ssyncset.done @!p6 $0x0  }
0xd5: {  	[sflag:s0] =	ssyncadd.s32 @!p6 $0xFFFFC000  }
.LBB2_5:
0xd6: {  	s0 =	sld [smem:$0x7FD];
	_ =	sdelay $0x2  }
0xd7: {  	p0 =	seq.s32 s0, $0x1  }
.Ltmp4:
0xd8: {  	_ = 	snop;
	(pc) =	sbr.rel @!p0 .LBB2_9-.Ltmp4, $1  }
0xd9: {  	_ =	sdelay $0x3  }
0xda: {  	[tilespmem:s3], [sflag:$0x5] =	stream.linear.gather [hbm4b:s8+s3], $0x80, $0x38;
	[tilespmem:$0x1BA80] =	vst v63  }
0xdb: {  	_ =	swait.ge [sflag:s19], $0x80  }
0xdc: {  	[sflag:s19] =	ssyncset.done $0x0  }
0xdd: {  	[sflag:s19] =	ssyncadd.s32 $0xFFFFFF80  }
0xde: {  	[tilespmem:s20], [sflag:$0x5] =	stream.linear.gather [hbm4b:s9+s3], $0x80, $0x38;
	[tilespmem:$0x1BA80] =	vst v63  }
0xdf: {  	_ =	swait.ge [sflag:s19], $0x80  }
0xe0: {  	[sflag:s19] =	ssyncset.done $0x0  }
0xe1: {  	[sflag:s19] =	ssyncadd.s32 $0xFFFFFF80  }
0xe2: {  	[tilespmem:s22], [sflag:$0x1] =	stream.indirect.gather [hbm4b:s5+s21], $0x80, s3, s21, $0xb8;
	[tilespmem:$0x1BA80] =	vst v63  }
0xe3: {  	s0 =	rddreg [dreg:$0x5]  }
0xe4: {  	[tilespmem:s21], [sflag:$0x4] =	stream.linear.gather [hbm4b:s0+s3], $0x80, $0x38;
	[tilespmem:$0x1BA80] =	vst v63  }
0xe5: {  	_ = 	snop  }
0xe6: {  	[tilespmem:s23], [sflag:$0x4] =	stream.linear.gather [hbm4b:s11+s3], $0x80, $0x38;
	[tilespmem:$0x1BA80] =	vst v63  }
0xe7: {  	_ =	swait.ge [sflag:s24], $0x4000  }
0xe8: {  	[sflag:s24] =	ssyncset.done $0x0  }
0xe9: {  	[sflag:s24] =	ssyncadd.s32 $0xFFFFC000  }
0xea: {  	_ =	swait.ge [sflag:s25], $0x80  }
0xeb: {  	[sflag:s25] =	ssyncset.done $0x0  }
0xec: {  	[sflag:s25] =	ssyncadd.s32 $0xFFFFFF80  }
0xed: {  	_ =	swait.ge [sflag:s25], $0x80  }
0xee: {  	[sflag:s25] =	ssyncset.done $0x0  }
0xef: {  	[sflag:s25] =	ssyncadd.s32 $0xFFFFFF80  }
0xf0: {  	[tilespmem:s26], [sflag:$0x2] =	stream.indirect.gather [hbm4b:s5+s21], $0x80, s21, s21, $0xb8;
	[tilespmem:$0x1BA80] =	vst v63  }
0xf1: {  	_ = 	snop  }
0xf2: {  	[spmem:s2] =	stream.indirect.scatter.add.f32 [tilespmem:s22], [sflag:$0x5], $0x80, s20, s21, $0xb8;
	[tilespmem:$0x1BA80] =	vst v63  }
0xf3: {  	_ =	swait.ge [sflag:s19], $0x4000  }
0xf4: {  	s0 =	sadd.s32 $0xFFFFB400, s8;
	[sflag:s19] =	ssyncset.done $0x0  }
0xf5: {  	s10 =	sadd.s32 $0xFFFFB400, s9;
	s6 =	sadd.s32 $0x4E00, s0;
	[sflag:s19] =	ssyncadd.s32 $0xFFFFC000  }
0xf6: {  	[tilespmem:s3], [sflag:$0x3] =	stream.linear.gather [hbm4b:s6+s3], $0x80, $0x38;
	[tilespmem:$0x1BA80] =	vst v63  }
0xf7: {  	s6 =	sadd.s32 $0x4E00, s10  }
0xf8: {  	[tilespmem:s20], [sflag:$0x3] =	stream.linear.gather [hbm4b:s6+s3], $0x80, $0x38;
	[tilespmem:$0x1BA80] =	vst v63  }
0xf9: {  	_ =	swait.ge [sflag:s28], $0x4000  }
0xfa: {  	[sflag:s28] =	ssyncset.done $0x0  }
0xfb: {  	[sflag:s28] =	ssyncadd.s32 $0xFFFFC000  }
0xfc: {  	_ =	swait.ge [sflag:s29], $0x80  }
0xfd: {  	[sflag:s29] =	ssyncset.done $0x0  }
0xfe: {  	[sflag:s29] =	ssyncadd.s32 $0xFFFFFF80  }
0xff: {  	_ =	swait.ge [sflag:s29], $0x80  }
0x100: {  	[sflag:s29] =	ssyncset.done $0x0  }
0x101: {  	[sflag:s29] =	ssyncadd.s32 $0xFFFFFF80  }
0x102: {  	[tilespmem:s22], [sflag:$0x1] =	stream.indirect.gather [hbm4b:s5+s21], $0x80, s3, s21, $0xb8;
	[tilespmem:$0x1BA80] =	vst v63  }
0x103: {  	_ = 	snop  }
0x104: {  	[spmem:s2] =	stream.indirect.scatter.add.f32 [tilespmem:s26], [sflag:$0x5], $0x80, s23, s21, $0xb8;
	[tilespmem:$0x1BA80] =	vst v63  }
0x105: {  	_ =	swait.ge [sflag:s19], $0x4000  }
0x106: {  	[sflag:s19] =	ssyncset.done $0x0  }
0x107: {  	s0 =	sadd.s32 $0x4F00, s0;
	[sflag:s19] =	ssyncadd.s32 $0xFFFFC000  }
0x108: {  	[tilespmem:s21], [sflag:$0x4] =	stream.linear.gather [hbm4b:s0+s3], $0x80, $0x38;
	[tilespmem:$0x1BA80] =	vst v63  }
0x109: {  	s31 =	simm.s32 $0xFFFFB600;
	s0 =	sadd.s32 $0x4F00, s10  }
.LBB2_7:
0x10a: {  	[tilespmem:s23], [sflag:$0x4] =	stream.linear.gather [hbm4b:s0+s3], $0x80, $0x38;
	[tilespmem:$0x1BA80] =	vst v63  }
0x10b: {  	s0 =	smov.u32 s31  }
0x10c: {  	p0 =	sne.s32 s31, $0xFFFFFE00;
	s31 =	sadd.s32 $0x200, s31;
	_ =	swait.ge [sflag:s24], $0x4000  }
0x10d: {  	[sflag:s24] =	ssyncset.done $0x0  }
0x10e: {  	[sflag:s24] =	ssyncadd.s32 $0xFFFFC000  }
0x10f: {  	_ =	swait.ge [sflag:s25], $0x80  }
0x110: {  	[sflag:s25] =	ssyncset.done $0x0  }
0x111: {  	[sflag:s25] =	ssyncadd.s32 $0xFFFFFF80  }
0x112: {  	_ =	swait.ge [sflag:s25], $0x80  }
0x113: {  	[sflag:s25] =	ssyncset.done $0x0  }
0x114: {  	[sflag:s25] =	ssyncadd.s32 $0xFFFFFF80  }
0x115: {  	[tilespmem:s26], [sflag:$0x2] =	stream.indirect.gather [hbm4b:s5+s21], $0x80, s21, s21, $0xb8;
	[tilespmem:$0x1BA80] =	vst v63  }
0x116: {  	_ = 	snop  }
0x117: {  	[spmem:s2] =	stream.indirect.scatter.add.f32 [tilespmem:s22], [sflag:$0x5], $0x80, s20, s21, $0xb8;
	[tilespmem:$0x1BA80] =	vst v63  }
0x118: {  	_ =	swait.ge [sflag:s19], $0x4000  }
0x119: {  	s6 =	sadd.s32 s0, s8;
	[sflag:s19] =	ssyncset.done $0x0  }
0x11a: {  	s0 =	sadd.s32 s0, s9;
	s10 =	sadd.s32 $0x4E00, s6;
	[sflag:s19] =	ssyncadd.s32 $0xFFFFC000  }
0x11b: {  	[tilespmem:s3], [sflag:$0x3] =	stream.linear.gather [hbm4b:s10+s3], $0x80, $0x38;
	[tilespmem:$0x1BA80] =	vst v63  }
0x11c: {  	s10 =	sadd.s32 $0x4E00, s0  }
0x11d: {  	[tilespmem:s20], [sflag:$0x3] =	stream.linear.gather [hbm4b:s10+s3], $0x80, $0x38;
	[tilespmem:$0x1BA80] =	vst v63  }
0x11e: {  	_ =	swait.ge [sflag:s28], $0x4000  }
0x11f: {  	[sflag:s28] =	ssyncset.done $0x0  }
0x120: {  	[sflag:s28] =	ssyncadd.s32 $0xFFFFC000  }
0x121: {  	_ =	swait.ge [sflag:s29], $0x80  }
0x122: {  	[sflag:s29] =	ssyncset.done $0x0  }
0x123: {  	[sflag:s29] =	ssyncadd.s32 $0xFFFFFF80  }
0x124: {  	_ =	swait.ge [sflag:s29], $0x80  }
0x125: {  	[sflag:s29] =	ssyncset.done $0x0  }
0x126: {  	[sflag:s29] =	ssyncadd.s32 $0xFFFFFF80  }
0x127: {  	[tilespmem:s22], [sflag:$0x1] =	stream.indirect.gather [hbm4b:s5+s21], $0x80, s3, s21, $0xb8;
	[tilespmem:$0x1BA80] =	vst v63  }
0x128: {  	_ = 	snop  }
0x129: {  	[spmem:s2] =	stream.indirect.scatter.add.f32 [tilespmem:s26], [sflag:$0x5], $0x80, s23, s21, $0xb8;
	[tilespmem:$0x1BA80] =	vst v63  }
.Ltmp5:
0x12a: {  	_ =	swait.ge [sflag:s19], $0x4000;
	(pc) =	sbr.rel @p0 .LBB2_7-.Ltmp5, $4  }
0x12b: {  	[sflag:s19] =	ssyncset.done $0x0  }
0x12c: {  	s6 =	sadd.s32 $0x4F00, s6;
	[sflag:s19] =	ssyncadd.s32 $0xFFFFC000  }
0x12d: {  	[tilespmem:s21], [sflag:$0x4] =	stream.linear.gather [hbm4b:s6+s3], $0x80, $0x38;
	[tilespmem:$0x1BA80] =	vst v63  }
0x12e: {  	s0 =	sadd.s32 $0x4F00, s0  }
.Ltmp6:
0x12f: {  	_ = 	snop;
	(pc) =	sbr.rel .LBB2_8-.Ltmp6, $1  }
0x130: {  	_ =	sdelay $0x3  }
.LBB2_10:
0x131: {  	_ =	sfence.sel $0x180000  }
0x132: {  	[bflag:$0x0] =	sbarrier.arrive $0xFFFF  }
0x133: {  	_ =	strace $0x9000004D  }
0x134: {  	[bflag:$0x2] =	sbarrier.arrive $0xFFFF  }
0x135: {  	p0 =	sne.s32 s4, $0x0;
	s0 =	rddreg [dreg:$0x3]  }
0x136: {  	s0 =	sadd.s32 @!p0 $0x100000, s0  }
0x137: {  	[sflag:s0] =	ssyncadd.tile.s32 @!p0 $0x1;
	_ =	shalt  }
.Lfunc_end2:
_tile_overlayer_lowered:
.L_overlay_start_2:
0x138: {  	(tag) =	ssettag $0x2  }
0x139: {  	s0 =	rddreg [dreg:$0x0];
	s2 =	stileid.u32  }
0x13a: {  	s1 =	rddreg [dreg:$0x1];
	p0 =	sne.s32 s2, $0x0  }
0x13b: {  	s3 =	rddreg [dreg:$0x2];
	[bflag:$0x3] =	sbarrier.arrive $0xFFFF;
	s2 =	simm.s32 @!p0 $0x1C05  }
0x13c: {  	[timem:s3], [sflag:s2] =	dma.local @!p0 [hbm:s0], s1  }
0x13d: {  	s0 =	simm.s32 @!p0 $0x5  }
0x13e: {  	_ =	swait.ge @!p0 [sflag:s0], s1  }
0x13f: {  	s1 =	ssub.s32 @!p0 $0x0, s1;
	[sflag:s0] =	ssyncset.done @!p0 $0x0  }
0x140: {  	[sflag:s0] =	ssyncadd.s32 @!p0 s1  }
0x141: {  	[bflag:$0x3] =	sbarrier.arrive $0xFFFF  }
0x142: {  	_ =	shalt  }

// kernel: kernel.9.cloned.1.call-start
scs
__scs_entry_jumppad:
0x0: {  	(pc) =	sbr.rel $0x88, $3  }
0x1: {  	(tag) =	ssettag $0x0;
	lr =	simm.s32 $0x1  }
0x2: {  	[smem:$0x3F9D] =	sst lr;
	_ =	strace $0xD0000000  }
0x3: {  	_ = 	snop  }
0x4: {  	_ = 	snop  }
0x5: {  	_ = 	snop  }
0x6: {  	_ = 	snop  }
0x7: {  	_ = 	snop  }
__scs_overlays_trampoline_lowered:
0x8: {  	[smem:$0x3FAC] =	sst s0  }
0x9: {  	[smem:$0x3FAD] =	sst s1  }
0xa: {  	[smem:$0x3FAE] =	sst s2  }
0xb: {  	[smem:$0x3FAF] =	sst s3  }
0xc: {  	[smem:$0x3FB0] =	sst s4  }
0xd: {  	[smem:$0x3FB1] =	sst s5  }
0xe: {  	[smem:$0x3FB2] =	sst s6  }
0xf: {  	[smem:$0x3FB3] =	sst s7  }
0x10: {  	[smem:$0x3FB4] =	sst s8  }
0x11: {  	[smem:$0x3FB5] =	sst s9;
	s0 =	simm.s32 @!p0 $0x0  }
0x12: {  	s1 =	sld [smem:$0x3F9B];
	s0 =	simm.s32 @p0 $0x1  }
0x13: {  	[smem:$0x3FB6] =	sst s0;
	s0 =	simm.s32 @!p1 $0x0  }
0x14: {  	s2 =	sld [smem:$0x3F9A];
	s0 =	simm.s32 @p1 $0x1  }
0x15: {  	[smem:$0x3FB7] =	sst s0;
	s0 =	simm.s32 @!p2 $0x0  }
0x16: {  	s3 =	sld [smem:$0x3FDB];
	s0 =	simm.s32 @p2 $0x1  }
0x17: {  	s4 =	simm.s32 $0x1BF5;
	[smem:$0x3FB9] =	sst s0  }
0x18: {  	s0 =	sld [smem:$0x3F9C];
	_ =	swait.ge [sflag:s4], $0x0  }
0x19: {  	s7 =	sld [smem:$0x3F9D]  }
0x1a: {  	s8 =	sadd.s32 $0xFFFFE003, lr  }
0x1b: {  	s9 =	sadd.s32 $0xFFFFFEF7, lr;
	s5 =	simm.s32 $0xFFFFFFFF;
	p2 =	slt.u32 s8, $0xFFFFF086  }
0x1c: {  	p1 =	slt.u32 s9, $0xF7A;
	s5 =	simm.s32 @!p2 $0x0  }
0x1d: {  	s5 =	simm.s32 @p1 $0x1;
	p0 =	seq.s32 s7, s2  }
0x1e: {  	s7 =	smul.u32 @!p0 $0xF7A, s2;
	p2 =	seq.s32 @!p0 s5, $0x0  }
0x1f: {  	s9 =	smul.u32 $0xF7A, s1;
	s8 =	simm.s32 @!p0 $0x1BF5;
	p2 =	por !p2, p0  }
0x20: {  	[sflag:s8] =	ssyncset.s32 @!p0 $0xFFFFF086;
	s6 =	sadd.s32 @!p0 s3, s7;
	s7 =	simm.s32 @!p0 $0x108  }
0x21: {  	s3 =	sadd.s32 s3, s9;
	s6 =	sadd.s32 @!p0 $0x88, s6;
	s7 =	simm.s32 @p2 $0x1082  }
0x22: {  	[simem:s7], [sflag:s8] =	dma.local @!p0 [hbm:s6], $0xF7A  }
0x23: {  	s9 =	sor.u32 $0xD0000000, s2;
	s6 =	simm.s32 $0x108;
	_ =	swait.ge @!p0 [sflag:s8], $0x0  }
0x24: {  	s3 =	sadd.s32 $0x88, s3;
	s6 =	simm.s32 @!p1 $0x1082;
	[sflag:s4] =	ssyncset.s32 $0xFFFFF086  }
0x25: {  	[simem:s6], [sflag:s4] =	dma.local [hbm:s3], $0xF7A  }
0x26: {  	[smem:$0x3F9D] =	sst s1;
	(tag) =	ssettag s2;
	_ =	strace s9  }
0x27: {  	s1 =	sld [smem:$0x3FAD]  }
0x28: {  	s2 =	sld [smem:$0x3FAE]  }
0x29: {  	s4 =	sld [smem:$0x3FB0]  }
0x2a: {  	p0 =	seq.s32 s5, $0x0;
	s5 =	sld [smem:$0x3FB1]  }
0x2b: {  	s6 =	sld [smem:$0x3FB2]  }
0x2c: {  	s7 =	sld [smem:$0x3FB3]  }
0x2d: {  	s3 =	simm.s32 $0x108;
	s8 =	sld [smem:$0x3FB4]  }
0x2e: {  	s3 =	simm.s32 @!p0 $0x1082;
	s9 =	sld [smem:$0x3FB5]  }
0x2f: {  	lr =	sadd.s32 s0, s3;
	s0 =	sld [smem:$0x3FAC]  }
0x30: {  	s3 =	sld [smem:$0x3FAF]  }
0x31: {  	[smem:$0x3FB8] =	sst s10  }
0x32: {  	s10 =	sld [smem:$0x3FB6];
	_ =	sdelay $0x3  }
0x33: {  	p0 =	seq.s32 s10, $0x1;
	s10 =	sld [smem:$0x3FB8];
	_ =	sdelay $0x3  }
0x34: {  	[smem:$0x3FB8] =	sst s10  }
0x35: {  	s10 =	sld [smem:$0x3FB7];
	_ =	sdelay $0x3  }
0x36: {  	p1 =	seq.s32 s10, $0x1;
	s10 =	sld [smem:$0x3FB8];
	_ =	sdelay $0x3  }
0x37: {  	[smem:$0x3FB8] =	sst s10  }
0x38: {  	s10 =	sld [smem:$0x3FB9]  }
0x39: {  	_ = 	snop;
	(pc) =	sbr.ind lr, $3  }
0x3a: {  	_ = 	snop  }
0x3b: {  	_ = 	snop  }
0x3c: {  	p2 =	seq.s32 s10, $0x1;
	s10 =	sld [smem:$0x3FB8]  }
0x3d: {  	_ =	shalt  }
0x3e: {  	_ =	shalt  }
0x3f: {  	_ =	shalt  }
0x40: {  	_ =	shalt  }
0x41: {  	_ =	shalt  }
0x42: {  	_ =	shalt  }
0x43: {  	_ =	shalt  }
0x44: {  	_ =	shalt  }
0x45: {  	_ =	shalt  }
0x46: {  	_ =	shalt  }
0x47: {  	_ =	shalt  }
0x48: {  	_ =	shalt  }
0x49: {  	_ =	shalt  }
0x4a: {  	_ =	shalt  }
0x4b: {  	_ =	shalt  }
0x4c: {  	_ =	shalt  }
0x4d: {  	_ =	shalt  }
0x4e: {  	_ =	shalt  }
0x4f: {  	_ =	shalt  }
0x50: {  	_ =	shalt  }
0x51: {  	_ =	shalt  }
0x52: {  	_ =	shalt  }
0x53: {  	_ =	shalt  }
0x54: {  	_ =	shalt  }
0x55: {  	_ =	shalt  }
0x56: {  	_ =	shalt  }
0x57: {  	_ =	shalt  }
0x58: {  	_ =	shalt  }
0x59: {  	_ =	shalt  }
0x5a: {  	_ =	shalt  }
0x5b: {  	_ =	shalt  }
0x5c: {  	_ =	shalt  }
0x5d: {  	_ =	shalt  }
0x5e: {  	_ =	shalt  }
0x5f: {  	_ =	shalt  }
0x60: {  	_ =	shalt  }
0x61: {  	_ =	shalt  }
0x62: {  	_ =	shalt  }
0x63: {  	_ =	shalt  }
0x64: {  	_ =	shalt  }
0x65: {  	_ =	shalt  }
0x66: {  	_ =	shalt  }
0x67: {  	_ =	shalt  }
0x68: {  	_ =	shalt  }
0x69: {  	_ =	shalt  }
0x6a: {  	_ =	shalt  }
0x6b: {  	_ =	shalt  }
0x6c: {  	_ =	shalt  }
0x6d: {  	_ =	shalt  }
0x6e: {  	_ =	shalt  }
0x6f: {  	_ =	shalt  }
0x70: {  	_ =	shalt  }
0x71: {  	_ =	shalt  }
0x72: {  	_ =	shalt  }
0x73: {  	_ =	shalt  }
0x74: {  	_ =	shalt  }
0x75: {  	_ =	shalt  }
0x76: {  	_ =	shalt  }
0x77: {  	_ =	shalt  }
0x78: {  	_ =	shalt  }
0x79: {  	_ =	shalt  }
0x7a: {  	_ =	shalt  }
0x7b: {  	_ =	shalt  }
0x7c: {  	_ =	shalt  }
0x7d: {  	_ =	shalt  }
0x7e: {  	_ =	shalt  }
0x7f: {  	_ =	shalt  }
0x80: {  	_ =	shalt  }
0x81: {  	_ =	shalt  }
0x82: {  	_ =	shalt  }
0x83: {  	_ =	shalt  }
0x84: {  	_ =	shalt  }
0x85: {  	_ =	shalt  }
0x86: {  	_ =	shalt  }
0x87: {  	_ =	shalt  }
.Lfunc_end0:
.L_simem_size_0:
called_computation_lowered:
.L_overlay_start_0:
0x88: {  	s2 =	sld [smem:$0x3FD9]  }
0x89: {  	s3 =	sld [smem:$0x3FFE];
	_ =	sdelay $0x1  }
0x8a: {  	s1 =	srdreg.scid  }
0x8b: {  	s0 =	sand.u32 $0x1, s1  }
0x8c: {  	s17 =	sshll.u32 s0, $0xA;
	s2 =	sadd.s32 s3, s2  }
0x8d: {  	s2 =	sadd.s32 s2, s17  }
0x8e: {  	[smem:$0x3FC4] =	sst s2  }
0x8f: {  	_ = 	snop  }
0x90: {  	s2 =	sld [smem:$0x3FD0];
	(tm) =	ssettm $0x1  }
0x91: {  	s18 =	sld [smem:$0x3FFB];
	_ =	sdelay $0x3  }
0x92: {  	_ =	strace s18  }
0x93: {  	s3 =	sld [smem:$0x3FFC];
	_ =	sdelay $0x3  }
0x94: {  	_ =	strace s3  }
0x95: {  	s3 =	sld [smem:$0x3FFD];
	_ =	sdelay $0x3  }
0x96: {  	_ =	strace s3  }
0x97: {  	_ =	strace $0x8FFFFFFF  }
0x98: {  	s19 =	sld [smem:$0x3FDB];
	_ =	sdelay $0x1  }
0x99: {  	s4 =	simm.s32 $_scs_section_size  }
0x9a: {  	s5 =	simm.s32 $_size__tile_overlayer_lowered;
	s6 =	simm.s32 $_tile_overlayer_lowered  }
0x9b: {  	s22 =	simm.s32 $0x1BFF;
	s21 =	sshll.u32 s6, $0x1;
	s3 =	sadd.s32 s4, s19  }
0x9c: {  	s7 =	simm.s32 $0x0;
	s20 =	sshll.u32 s5, $0x1;
	s5 =	sadd.s32 s21, s3  }
0x9d: {  	[timem:s7], [sflag:s22] =	dma.local [hbm:s5], s20  }
0x9e: {  	_ =	swait.ge [sflag:s22], s20  }
0x9f: {  	s4 =	ssub.s32 $0x0, s20;
	[sflag:s22] =	ssyncset.done $0x0  }
0xa0: {  	[sflag:s22] =	ssyncadd.s32 s4;
	_ =	sdelay $0x1  }
0xa1: {  	s23 =	simm.s32 $0x1B8B  }
0xa2: {  	_ =	swait.ge [sflag:s23], $0x1  }
0xa3: {  	[sflag:s23] =	ssyncset.done $0x0  }
0xa4: {  	s25 =	simm.s32 $0x1B8E;
	s24 =	sld [smem:$0x3FFE];
	[sflag:s23] =	ssyncadd.s32 $0xFFFFFFFF  }
0xa5: {  	s26 =	simm.s32 $execute0_lowered;
	[smem:$0x3FD2] =	sst s25  }
0xa6: {  	s5 =	sshll.u32 s26, $0x1;
	_ =	strace $0x80000046;
	[dreg:$0x1] =	wrdreg $0xFFFFFFFF  }
0xa7: {  	s28 =	simm.s32 $_size_execute0_lowered;
	s3 =	sadd.s32 s3, s5;
	[dreg:$0x0] =	wrdreg $0x0  }
0xa8: {  	s5 =	sshll.u32 s28, $0x1;
	[dreg:$0x2] =	wrdreg s3  }
0xa9: {  	[dreg:$0x3] =	wrdreg s5  }
0xaa: {  	[dreg:$0x4] =	wrdreg $0xC0  }
0xab: {  	_ =	task [dreg:s7], $0x5FFFF  }
0xac: {  	[dreg:$0x1] =	wrdreg $0xFFFFFFFF  }
0xad: {  	[dreg:$0x0] =	wrdreg $0x60  }
0xae: {  	[dreg:$0x2] =	wrdreg s2  }
0xaf: {  	[dreg:$0x3] =	wrdreg s24  }
0xb0: {  	[dreg:$0x4] =	wrdreg $0x54000  }
0xb1: {  	[dreg:$0x5] =	wrdreg $0x9  }
0xb2: {  	_ =	task.clear_ibuf [dreg:s7], $0x6FFFF;
	_ =	strace $0x90000046  }
0xb3: {  	s29 =	simm.s32 $0x9;
	_ =	strace $0x80000048  }
0xb4: {  	_ =	swait.ge [sflag:s29], $0x1  }
0xb5: {  	[sflag:s29] =	ssyncadd.s32 $0xFFFFFFFF  }
0xb6: {  	_ =	strace $0x90000048  }
0xb7: {  	_ =	sfence  }
0xb8: {  	s30 =	sld [smem:$0x0];
	_ =	sdelay $0x2  }
0xb9: {  	s31 =	sshll.u32 s1, $0xD;
	s1 =	sshrl.u32 s1, $0x2  }
0xba: {  	s3 =	sand.u32 $0x4000, s31;
	s1 =	sadd.s32 s1, s30  }
0xbb: {  	s0 =	sor.u32 s3, s0;
	s1 =	sshll.u32 s1, $0x11  }
0xbc: {  	s0 =	sor.u32 s1, s0  }
0xbd: {  	s0 =	sadd.s32 $0x8F2B, s0  }
0xbe: {  	[sflag:s0] =	ssyncadd.remote.s32 $0x1  }
0xbf: {  	_ =	sfence.sel $0xFFFF  }
0xc0: {  	[dreg:$0x0] =	wrdreg $0xFFFFFFFF;
	(pc) =	sbr.abs _section_cstart, $3  }
0xc1: {  	[dreg:$0x1] =	wrdreg $0xFFFFFFFF  }
0xc2: {  	_ =	task.clear_ibuf [dreg:s7], $0x2FFFF;
	_ =	strace $0x9FFFFFFF  }
0xc3: {  	(tm) =	ssettm $0x7FFFFFFF  }
tec
execute0_lowered:
.L_overlay_start_1:
0x0: {  	(tag) =	ssettag $0x1  }
0x1: {  	s6 =	rddreg [dreg:$0x0]  }
0x2: {  	s7 =	rddreg [dreg:$0x1]  }
0x3: {  	s1 =	rddreg [dreg:$0x2]  }
0x4: {  	s0 =	rddreg [dreg:$0x3];
	s2 =	simm.s32 $0x0;
	s3 =	srdreg.scid  }
0x5: {  	s14 =	simm.s32 $0x80;
	s19 =	simm.s32 $0x0;
	[smem:$0x7FF] =	sst s2  }
0x6: {  	s8 =	sand.u32 $0x1, s3;
	s4 =	sadd.s32 $0xD200, s7;
	s3 =	stileid.u32  }
0x7: {  	_ =	strace $0x80000047;
	s5 =	sshll.u32 s8, $0x4;
	s9 =	smul.u32 $0x3E80, s3  }
0x8: {  	s10 =	ssub.s32 $0x2, s8;
	s31 =	smul.u32 $0x7D000, s3;
	p1 =	slt.u32 s3, $0xA  }
0x9: {  	p0 =	seq.s32 s8, $0x0;
	p2 =	seq.s32 s8, $0x1;
	s11 =	sor.u32 s3, s5  }
0xa: {  	s5 =	sadd.s32 $0xDA00, s7;
	s12 =	sshrl.u32 s10, $0x1;
	p0 =	por !p0, !p1  }
0xb: {  	p1 =	por !p1, !p2;
	p2 =	sgt.u32 s3, $0x9;
	s11 =	smul.u32 $0x280, s11  }
0xc: {  	s9 =	sadd.s32 s9, s7;
	s10 =	ssub.s32 s10, s12;
	s7 =	sshrl.u32 s31, $0x2  }
0xd: {  	p0 =	por !p0, !p0;
	p1 =	por !p1, !p1;
	s12 =	sshll.u32 @!p2 s3, $0x6  }
0xe: {  	s18 =	sadd.s32 s7, s1;
	s7 =	sadd.s32 $0x11A00, s9;
	s8 =	sadd.s32 $0x38C00, s9  }
0xf: {  	s9 =	smax.u32 s10, $0x1;
	s10 =	simm.s32 $0x1;
	s12 =	sor.u32 @!p2 $0x1C01, s12  }
0x10: {  	s15 =	sshll.u32 @p0 s3, $0x6;
	s17 =	sshll.u32 @p1 s3, $0x6;
	s6 =	sadd.s32 s6, s11  }
0x11: {  	s11 =	simm.s32 $0x1400;
	s13 =	sshrl.u32 @!p2 s18, $0x3;
	s15 =	sor.u32 @p0 $0x1C01, s15  }
0x12: {  	s16 =	sshrl.u32 @p0 s18, $0x3;
	s17 =	sor.u32 @p1 $0x1C01, s17;
	s18 =	sshrl.u32 @p1 s18, $0x3  }
.LBB2_1:
0x13: {  	[tilespmem:s2], [sflag:$0x1] =	stream.linear.gather [hbm4b:s6+s2], $0x1400, $0x38;
	[tilespmem:$0x18D00] =	vst v63  }
0x14: {  	_ =	swait.ge [sflag:s10], $0x1400  }
0x15: {  	[sflag:s10] =	ssyncset.done $0x0  }
0x16: {  	[sflag:s10] =	ssyncadd.s32 $0xFFFFEC00  }
0x17: {  	[tilespmem:s11], [sflag:$0x1] =	stream.linear.gather [hbm4b:s4+s2], $0x4000, $0x38;
	[tilespmem:$0x18D00] =	vst v63  }
0x18: {  	_ =	swait.ge [sflag:s10], $0x4000  }
0x19: {  	[sflag:s10] =	ssyncset.done $0x0  }
0x1a: {  	s20 =	simm.s32 @!p2 $0x1;
	[sflag:s10] =	ssyncadd.s32 $0xFFFFC000  }
0x1b: {  	[spmem:s13], [sflag:s12] =	dma.local @!p2 [hbm:s5], $0x3E80  }
0x1c: {  	_ =	swait.ge @!p2 [sflag:s20], $0x3E80  }
0x1d: {  	[sflag:s20] =	ssyncset.done @!p2 $0x0  }
0x1e: {  	[sflag:s20] =	ssyncadd.s32 @!p2 $0xFFFFC180  }
0x1f: {  	s31 =	simm.s32 $0x0;
	[bflag:$0x0] =	sbarrier.arrive $0xFFFF  }
0x20: {  	[spmem:s1] =	stream.indirect.scatter.add.f32 [tilespmem:s11], [sflag:$0x1], $0x80, s31, s14, $0xb8;
	[tilespmem:$0x18D00] =	vst v63  }
0x21: {  	_ =	swait.ge [sflag:s10], $0x4000  }
0x22: {  	s20 =	simm.s32 $0x200;
	[sflag:s10] =	ssyncset.done $0x0  }
.LBB2_2:
0x23: {  	s21 =	sshra.s32 s20, $0x2;
	[sflag:s10] =	ssyncadd.s32 $0xFFFFC000;
	p3 =	sne.s32 s20, $0x4E00  }
0x24: {  	[spmem:s1] =	stream.indirect.scatter.add.f32 [tilespmem:s11], [sflag:$0x1], $0x80, s21, s14, $0xb8;
	[tilespmem:$0x18D00] =	vst v63  }
.Ltmp0:
0x25: {  	_ = 	snop;
	(pc) =	sbr.rel @p3 .LBB2_2-.Ltmp0, $4  }
0x26: {  	_ = 	snop  }
0x27: {  	s20 =	sadd.s32 $0x200, s20  }
0x28: {  	_ =	swait.ge [sflag:s10], $0x4000  }
0x29: {  	[sflag:s10] =	ssyncset.done $0x0  }
0x2a: {  	[sflag:s10] =	ssyncadd.s32 $0xFFFFC000  }
0x2b: {  	s20 =	simm.s32 @p0 $0x1;
	[bflag:$0x0] =	sbarrier.arrive $0xFFFF  }
0x2c: {  	[hbm:s7], [sflag:s15] =	dma.local @p0 [spmem:s16], $0x3E80  }
0x2d: {  	s19 =	sadd.s32 $0x1, s19;
	_ =	swait.ge @p0 [sflag:s20], $0x3E80  }
0x2e: {  	p3 =	sne.s32 s19, s9;
	[sflag:s20] =	ssyncset.done @p0 $0x0  }
.Ltmp1:
0x2f: {  	[sflag:s20] =	ssyncadd.s32 @p0 $0xFFFFC180;
	s20 =	simm.s32 @p1 $0x1;
	(pc) =	sbr.rel @p3 .LBB2_1-.Ltmp1, $4  }
0x30: {  	[hbm:s8], [sflag:s17] =	dma.local @p1 [spmem:s18], $0x3E80  }
0x31: {  	_ =	swait.ge @p1 [sflag:s20], $0x3E80  }
0x32: {  	[sflag:s20] =	ssyncset.done @p1 $0x0  }
0x33: {  	[sflag:s20] =	ssyncadd.s32 @p1 $0xFFFFC180  }
0x34: {  	_ =	sfence.sel $0x180000  }
0x35: {  	[bflag:$0x0] =	sbarrier.arrive $0xFFFF  }
0x36: {  	p0 =	sne.s32 s3, $0x0;
	_ =	strace $0x90000047  }
0x37: {  	s0 =	sadd.s32 @!p0 $0x100000, s0;
	[bflag:$0x2] =	sbarrier.arrive $0xFFFF  }
0x38: {  	[sflag:s0] =	ssyncadd.tile.s32 @!p0 $0x1;
	_ =	shalt  }
.Lfunc_end2:
_tile_overlayer_lowered:
.L_overlay_start_2:
0x39: {  	(tag) =	ssettag $0x2  }
0x3a: {  	s0 =	rddreg [dreg:$0x0];
	s2 =	stileid.u32  }
0x3b: {  	s1 =	rddreg [dreg:$0x1];
	p0 =	sne.s32 s2, $0x0  }
0x3c: {  	s3 =	rddreg [dreg:$0x2];
	[bflag:$0x3] =	sbarrier.arrive $0xFFFF;
	s2 =	simm.s32 @!p0 $0x1C01  }
0x3d: {  	[timem:s3], [sflag:s2] =	dma.local @!p0 [hbm:s0], s1  }
0x3e: {  	s0 =	simm.s32 @!p0 $0x1  }
0x3f: {  	_ =	swait.ge @!p0 [sflag:s0], s1  }
0x40: {  	s1 =	ssub.s32 @!p0 $0x0, s1;
	[sflag:s0] =	ssyncset.done @!p0 $0x0  }
0x41: {  	[sflag:s0] =	ssyncadd.s32 @!p0 s1  }
0x42: {  	[bflag:$0x3] =	sbarrier.arrive $0xFFFF  }
0x43: {  	_ =	shalt  }

</sc_bundles>
